<compile_context>
chip_gen: v7x
topology: tpu7x:2x2x1
jax: 0.10.2.dev20260603
libtpu: 0.0.44.dev20260713+nightly
codegen_flags: <defaults>
</compile_context>

<pallas_src>
import functools

import jax
import jax.numpy as jnp
from jax import lax
from jax.experimental import pallas as pl
from jax.experimental.pallas import tpu as pltpu
from jax.experimental.pallas import tpu_sc as plsc


def _routed_slice(rows_total, chans, width, routes, num_batches):
    info = plsc.get_sparse_core_info()
    nc, ns, lanes = info.num_cores, info.num_subcores, info.num_lanes
    nw = nc * ns
    assert rows_total % nw == 0
    rows_per_w = rows_total // nw
    rows_per_batch = rows_total // num_batches
    assert rows_per_batch % rows_per_w == 0
    w_per_batch = rows_per_batch // rows_per_w
    win = 2 * 128

    mesh = plsc.VectorSubcoreMesh(core_axis_name="c", subcore_axis_name="s")

    @functools.partial(
        pl.kernel,
        mesh=mesh,
        compiler_params=pltpu.CompilerParams(needs_layout_passes=False,
                                             use_tc_tiling_on_sc=True),
        out_type=jax.ShapeDtypeStruct((rows_total, width), jnp.float32),
        scratch_types=[
            pltpu.VMEM((routes,), jnp.float32),
            pltpu.VMEM((4, 64, win), jnp.float32),
            pltpu.VMEM((2, 64, width), jnp.float32),
            pltpu.SemaphoreType.DMA,
            pltpu.SemaphoreType.DMA,
        ],
    )
    def k(table_hbm, routing_hbm, out_hbm, routing_v, win_v, comp_v, sem_g,
          sem_w):
        wid = lax.axis_index("s") * nc + lax.axis_index("c")
        base_row = wid * rows_per_w
        b = wid // w_per_batch

        pltpu.sync_copy(routing_hbm.at[b], routing_v)
        l_ids = lax.iota(jnp.int32, lanes)
        v = plsc.load_gather(routing_v, [l_ids & (routes - 1)])
        mx = plsc.load_gather(routing_v, [jnp.zeros((lanes,), jnp.int32)])
        for r in range(1, routes):
            mx = jnp.maximum(
                mx, plsc.load_gather(routing_v, [jnp.full((lanes,), r, jnp.int32)]))
        first = plsc.all_reduce_ffs((v == mx) & (l_ids < routes))
        route = jnp.int32(0)
        for r in range(1, routes):
            route = lax.select(jnp.any(first == r), jnp.int32(r), route)

        c_win = (route + route // 2) * 128
        off = route * width - c_win
        n_ch = rows_per_w // 64
        gathers = [
            pltpu.async_copy(
                table_hbm.at[pl.ds(base_row + i * 64, 64),
                             pl.ds(c_win, win)],
                win_v.at[i], sem_g)
            for i in range(n_ch)
        ]
        src_cols = [l_ids + (off + cix * lanes) for cix in range(width // lanes)]
        dst_cols = [l_ids + (cix * lanes) for cix in range(width // lanes)]

        writes = []
        for i in range(n_ch):
            gathers[i].wait()
            if i >= 2:
                writes[i - 2].wait()
            win_i = win_v.at[i]
            comp_i = comp_v.at[i % 2]

            @plsc.parallel_loop(0, 64, unroll=1)
            def body(r, win_i=win_i, comp_i=comp_i):
                r_ids = jnp.full((lanes,), r, jnp.int32)
                for cix in range(width // lanes):
                    vals = plsc.load_gather(win_i, [r_ids, src_cols[cix]])
                    plsc.store_scatter(comp_i, [r_ids, dst_cols[cix]], vals)
            writes.append(
                pltpu.async_copy(comp_i,
                                 out_hbm.at[pl.ds(base_row + i * 64, 64)],
                                 sem_w))
        for wr in writes[-2:]:
            wr.wait()

    return k


def kernel(inputs, routing_x):
    bsz, h, w_sp, c = inputs.shape
    routes = routing_x.shape[-1]
    width = c // routes
    rows_total = bsz * h * w_sp
    table = inputs.reshape(rows_total, c)
    out = _routed_slice(rows_total, c, width, routes, bsz)(table, routing_x)
    return out.reshape(bsz, h, w_sp, width)

# --- scband reference (transcript-rebuilt; emitter-appended) ---
"""Pipeline reference for scband-routing-block-30640296689903 (READ-ONLY COPY).

The authoritative reference and input builder live on the scoring server;
editing this copy changes nothing except your own understanding.
"""

import jax, jax.numpy as jnp
import numpy as np

ROUTES = 4

def setup_inputs(seed: int = 0) -> dict:
    key = jax.random.key(seed)
    k1, k2 = jax.random.split(key)
    inputs = jax.random.normal(k1, (8, 32, 32, 768), dtype=jnp.float32)
    routing_x = jax.random.normal(k2, (8, ROUTES), dtype=jnp.float32)
    return {"inputs": inputs, "routing_x": routing_x}

def reference(inputs, routing_x):
    # Faithful translation of RoutingBlock.choose_route:
    #   route = argmax(routing_x) -> one_hot -> channel mask (each route owns a
    #   contiguous block of route_width channels, via tf.repeat on axis 1) ->
    #   gather_nd(where mask==1) -> reshape to [B, H, W, route_width].
    # The mask construction selects, per batch element, the contiguous channel
    # slice [route*route_width : (route+1)*route_width]; we express the
    # gather_nd + reshape with an equivalent take_along_axis gather.
    routes = routing_x.shape[-1]
    route_width = inputs.shape[-1] // routes
    route = jnp.argmax(routing_x, axis=-1)                       # [B]
    onehot = jax.nn.one_hot(route, routes, dtype=inputs.dtype)   # [B, routes]
    # tf.repeat(onehot, route_width, axis=1) -> [B, C] channel mask; the ones
    # are exactly the contiguous block starting at route*route_width.
    idx = route[:, None] * route_width + jnp.arange(route_width)[None, :]  # [B, route_width]
    x = jnp.take_along_axis(inputs, idx[:, None, None, :], axis=3)
    x = jnp.reshape(x, (-1, inputs.shape[1], inputs.shape[2], route_width))
    return x

if __name__ == "__main__":
    import jax
    _d = setup_inputs()
    print(jax.jit(kernel)(*tuple(_d.values())))

</pallas_src>

<mosaic_0001>
#map = affine_map<(d0, d1) -> (0, 0)>
module attributes {stable_mosaic.version = 14 : i64} {
  func.func @k(%arg0: i32, %arg1: i32, %arg2: memref<8192x768xf32, #tpu.memory_space<hbm>>, %arg3: memref<8x4xf32, #tpu.memory_space<hbm>>, %arg4: memref<8192x192xf32, #tpu.memory_space<hbm>>, %arg5: memref<4xf32, #tpu.memory_space<vmem>>, %arg6: memref<4x64x256xf32, #tpu.memory_space<vmem>>, %arg7: memref<2x64x192xf32, #tpu.memory_space<vmem>>, %arg8: memref<!tpu.dma_semaphore, #tpu.memory_space<semaphore_mem>>, %arg9: memref<!tpu.dma_semaphore, #tpu.memory_space<semaphore_mem>>) attributes {dimension_semantics = [#tpu.dimension_semantics<core_parallel>, #tpu.dimension_semantics<subcore_parallel>], iteration_bounds = array<i64: 2, 16>, scalar_prefetch = 0 : i64, scratch_operands = 5 : i64, tpu.core_type = #tpu.core_type<sc_vector_subcore>, window_params = [{transform_indices = #map}, {transform_indices = #map}, {transform_indices = #map}]} {
    %mul3A = arith.constant 2 : i32
    %mul3A_0 = arith.muli %arg1, %mul3A : i32
    %add3A = arith.addi %mul3A_0, %arg0 : i32
    %mul3A_1 = arith.constant 256 : i32
    %mul3A_2 = arith.muli %add3A, %mul3A_1 : i32
    %jit3A = arith.constant 4 : i32
    %div3A = arith.divsi %add3A, %jit3A : i32
    %sign3A = arith.constant 0 : i32
    %sign3A_3 = arith.cmpi sgt, %add3A, %sign3A : i32
    %sign3A_4 = arith.extui %sign3A_3 : i1 to i32
    %sign3A_5 = arith.constant 0 : i32
    %sign3A_6 = arith.cmpi slt, %add3A, %sign3A_5 : i32
    %sign3A_7 = arith.extui %sign3A_6 : i1 to i32
    %sign3A_8 = arith.subi %sign3A_4, %sign3A_7 : i32
    %sign3A_9 = arith.constant 0 : i32
    %sign3A_10 = arith.cmpi sgt, %jit3A, %sign3A_9 : i32
    %sign3A_11 = arith.extui %sign3A_10 : i1 to i32
    %sign3A_12 = arith.constant 0 : i32
    %sign3A_13 = arith.cmpi slt, %jit3A, %sign3A_12 : i32
    %sign3A_14 = arith.extui %sign3A_13 : i1 to i32
    %sign3A_15 = arith.subi %sign3A_11, %sign3A_14 : i32
    %ne3A = arith.cmpi ne, %sign3A_8, %sign3A_15 : i32
    %rem3A = arith.remsi %add3A, %jit3A : i32
    %ne3A_16 = arith.constant 0 : i32
    %ne3A_17 = arith.cmpi ne, %rem3A, %ne3A_16 : i32
    %and3A = arith.andi %ne3A, %ne3A_17 : i1
    %sub3A = arith.constant 1 : i32
    %sub3A_18 = arith.subi %div3A, %sub3A : i32
    %select_n3A = arith.select %and3A, %sub3A_18, %div3A : i32
    "tpu.region"() ({
      %run_scoped3A = tpu.sem_alloc : memref<!tpu.dma_semaphore, #tpu.memory_space<semaphore_mem>>
      %dma_start3A_425 = arith.constant 0 : i32
      %dma_start3A_426 = tpu.memref_slice %arg3[%select_n3A, %dma_start3A_425] : memref<8x4xf32, #tpu.memory_space<hbm>> -> memref<1x4xf32, #tpu.memory_space<hbm>>
      %dma_start3A_427 = tpu.memref_squeeze %dma_start3A_426 : memref<1x4xf32, #tpu.memory_space<hbm>> -> memref<4xf32, #tpu.memory_space<hbm>>
      %dma_start3A_428 = arith.constant 0 : i32
      %dma_start3A_429 = tpu.memref_slice %arg3[%select_n3A, %dma_start3A_428] : memref<8x4xf32, #tpu.memory_space<hbm>> -> memref<1x4xf32, #tpu.memory_space<hbm>>
      %dma_start3A_430 = tpu.memref_squeeze %dma_start3A_429 : memref<1x4xf32, #tpu.memory_space<hbm>> -> memref<4xf32, #tpu.memory_space<hbm>>
      tpu.enqueue_dma source(%dma_start3A_430 : memref<4xf32, #tpu.memory_space<hbm>>) target(%arg5 : memref<4xf32, #tpu.memory_space<vmem>>) target_semaphore(%run_scoped3A : memref<!tpu.dma_semaphore, #tpu.memory_space<semaphore_mem>>)
      %dma_wait3A_431 = arith.constant 0 : i32
      %dma_wait3A_432 = tpu.memref_slice %arg3[%select_n3A, %dma_wait3A_431] : memref<8x4xf32, #tpu.memory_space<hbm>> -> memref<1x4xf32, #tpu.memory_space<hbm>>
      %dma_wait3A_433 = tpu.memref_squeeze %dma_wait3A_432 : memref<1x4xf32, #tpu.memory_space<hbm>> -> memref<4xf32, #tpu.memory_space<hbm>>
      %dma_wait3A_434 = arith.constant 0 : i32
      %dma_wait3A_435 = tpu.memref_slice %arg3[%select_n3A, %dma_wait3A_434] : memref<8x4xf32, #tpu.memory_space<hbm>> -> memref<1x4xf32, #tpu.memory_space<hbm>>
      %dma_wait3A_436 = tpu.memref_squeeze %dma_wait3A_435 : memref<1x4xf32, #tpu.memory_space<hbm>> -> memref<4xf32, #tpu.memory_space<hbm>>
      tpu.wait_dma2 semaphore(%run_scoped3A : memref<!tpu.dma_semaphore, #tpu.memory_space<semaphore_mem>>) src(%dma_wait3A_436 : memref<4xf32, #tpu.memory_space<hbm>>) dst(%arg5 : memref<4xf32, #tpu.memory_space<vmem>>)
      tpu.yield
    }) : () -> ()
    %iota3A = tpu.iota {dimensions = array<i32: 0>} : vector<16xi32>
    %and3A_19 = arith.constant 3 : i32
    %and3A_20 = vector.broadcast %and3A_19 : i32 to vector<16xi32>
    %and3A_21 = arith.andi %iota3A, %and3A_20 : vector<16xi32>
    %gather3A = tpu.vector_load_idx %arg5[%and3A_21] : memref<4xf32, #tpu.memory_space<vmem>>[vector<16xi32>], vector<16xf32>,
    %broadcast_in_dim3A = arith.constant 0 : i32
    %broadcast_in_dim3A_22 = vector.broadcast %broadcast_in_dim3A : i32 to vector<16xi32>
    %gather3A_23 = tpu.vector_load_idx %arg5[%broadcast_in_dim3A_22] : memref<4xf32, #tpu.memory_space<vmem>>[vector<16xi32>], vector<16xf32>,
    %broadcast_in_dim3A_24 = arith.constant 1 : i32
    %broadcast_in_dim3A_25 = vector.broadcast %broadcast_in_dim3A_24 : i32 to vector<16xi32>
    %gather3A_26 = tpu.vector_load_idx %arg5[%broadcast_in_dim3A_25] : memref<4xf32, #tpu.memory_space<vmem>>[vector<16xi32>], vector<16xf32>,
    %max3A = arith.maximumf %gather3A_23, %gather3A_26 : vector<16xf32>
    %broadcast_in_dim3A_27 = arith.constant 2 : i32
    %broadcast_in_dim3A_28 = vector.broadcast %broadcast_in_dim3A_27 : i32 to vector<16xi32>
    %gather3A_29 = tpu.vector_load_idx %arg5[%broadcast_in_dim3A_28] : memref<4xf32, #tpu.memory_space<vmem>>[vector<16xi32>], vector<16xf32>,
    %max3A_30 = arith.maximumf %max3A, %gather3A_29 : vector<16xf32>
    %broadcast_in_dim3A_31 = arith.constant 3 : i32
    %broadcast_in_dim3A_32 = vector.broadcast %broadcast_in_dim3A_31 : i32 to vector<16xi32>
    %gather3A_33 = tpu.vector_load_idx %arg5[%broadcast_in_dim3A_32] : memref<4xf32, #tpu.memory_space<vmem>>[vector<16xi32>], vector<16xf32>,
    %max3A_34 = arith.maximumf %max3A_30, %gather3A_33 : vector<16xf32>
    %eq3A = arith.cmpf oeq, %gather3A, %max3A_34 : vector<16xf32>
    %lt3A = arith.constant 4 : i32
    %lt3A_35 = vector.broadcast %lt3A : i32 to vector<16xi32>
    %lt3A_36 = arith.cmpi slt, %iota3A, %lt3A_35 : vector<16xi32>
    %and3A_37 = arith.andi %eq3A, %lt3A_36 : vector<16xi1>
    %all_reduce_ffs3A = tpu.all_reduce %and3A_37 {dim = 0 : i64, kind = #tpu.reduction_kind<find_first_set>} : vector<16xi1> -> vector<16xi32>
    %eq3A_38 = arith.constant 1 : i32
    %eq3A_39 = vector.broadcast %eq3A_38 : i32 to vector<16xi32>
    %eq3A_40 = arith.cmpi eq, %all_reduce_ffs3A, %eq3A_39 : vector<16xi32>
    %reduce_or3A = arith.constant 1.000000e+00 : f32
    %reduce_or3A_41 = arith.constant 0.000000e+00 : f32
    %reduce_or3A_42 = vector.broadcast %reduce_or3A : f32 to vector<16xf32>
    %reduce_or3A_43 = vector.broadcast %reduce_or3A_41 : f32 to vector<16xf32>
    %reduce_or3A_44 = arith.select %eq3A_40, %reduce_or3A_42, %reduce_or3A_43 : vector<16xi1>, vector<16xf32>
    %reduce_or3A_45 = arith.constant true
    %reduce_or3A_46 = vector.broadcast %reduce_or3A_45 : i1 to vector<16xi1>
    %reduce_or3A_47 = tpu.scan <max>, %reduce_or3A_44 masked %reduce_or3A_46 : vector<16xf32>, vector<16xi1> -> vector<16xf32>
    %reduce_or3A_48 = vector.extract %reduce_or3A_47[15] : f32 from vector<16xf32>
    %reduce_or3A_49 = arith.constant 0.000000e+00 : f32
    %reduce_or3A_50 = arith.cmpf ogt, %reduce_or3A_48, %reduce_or3A_49 : f32
    %select_n3A_51 = arith.constant 0 : i32
    %select_n3A_52 = arith.constant 1 : i32
    %select_n3A_53 = arith.select %reduce_or3A_50, %select_n3A_52, %select_n3A_51 : i32
    %eq3A_54 = arith.constant 2 : i32
    %eq3A_55 = vector.broadcast %eq3A_54 : i32 to vector<16xi32>
    %eq3A_56 = arith.cmpi eq, %all_reduce_ffs3A, %eq3A_55 : vector<16xi32>
    %reduce_or3A_57 = arith.constant 1.000000e+00 : f32
    %reduce_or3A_58 = arith.constant 0.000000e+00 : f32
    %reduce_or3A_59 = vector.broadcast %reduce_or3A_57 : f32 to vector<16xf32>
    %reduce_or3A_60 = vector.broadcast %reduce_or3A_58 : f32 to vector<16xf32>
    %reduce_or3A_61 = arith.select %eq3A_56, %reduce_or3A_59, %reduce_or3A_60 : vector<16xi1>, vector<16xf32>
    %reduce_or3A_62 = arith.constant true
    %reduce_or3A_63 = vector.broadcast %reduce_or3A_62 : i1 to vector<16xi1>
    %reduce_or3A_64 = tpu.scan <max>, %reduce_or3A_61 masked %reduce_or3A_63 : vector<16xf32>, vector<16xi1> -> vector<16xf32>
    %reduce_or3A_65 = vector.extract %reduce_or3A_64[15] : f32 from vector<16xf32>
    %reduce_or3A_66 = arith.constant 0.000000e+00 : f32
    %reduce_or3A_67 = arith.cmpf ogt, %reduce_or3A_65, %reduce_or3A_66 : f32
    %select_n3A_68 = arith.constant 2 : i32
    %select_n3A_69 = arith.select %reduce_or3A_67, %select_n3A_68, %select_n3A_53 : i32
    %eq3A_70 = arith.constant 3 : i32
    %eq3A_71 = vector.broadcast %eq3A_70 : i32 to vector<16xi32>
    %eq3A_72 = arith.cmpi eq, %all_reduce_ffs3A, %eq3A_71 : vector<16xi32>
    %reduce_or3A_73 = arith.constant 1.000000e+00 : f32
    %reduce_or3A_74 = arith.constant 0.000000e+00 : f32
    %reduce_or3A_75 = vector.broadcast %reduce_or3A_73 : f32 to vector<16xf32>
    %reduce_or3A_76 = vector.broadcast %reduce_or3A_74 : f32 to vector<16xf32>
    %reduce_or3A_77 = arith.select %eq3A_72, %reduce_or3A_75, %reduce_or3A_76 : vector<16xi1>, vector<16xf32>
    %reduce_or3A_78 = arith.constant true
    %reduce_or3A_79 = vector.broadcast %reduce_or3A_78 : i1 to vector<16xi1>
    %reduce_or3A_80 = tpu.scan <max>, %reduce_or3A_77 masked %reduce_or3A_79 : vector<16xf32>, vector<16xi1> -> vector<16xf32>
    %reduce_or3A_81 = vector.extract %reduce_or3A_80[15] : f32 from vector<16xf32>
    %reduce_or3A_82 = arith.constant 0.000000e+00 : f32
    %reduce_or3A_83 = arith.cmpf ogt, %reduce_or3A_81, %reduce_or3A_82 : f32
    %select_n3A_84 = arith.constant 3 : i32
    %select_n3A_85 = arith.select %reduce_or3A_83, %select_n3A_84, %select_n3A_69 : i32
    %jit3A_86 = arith.constant 2 : i32
    %div3A_87 = arith.divsi %select_n3A_85, %jit3A_86 : i32
    %sign3A_88 = arith.constant 0 : i32
    %sign3A_89 = arith.cmpi sgt, %select_n3A_85, %sign3A_88 : i32
    %sign3A_90 = arith.extui %sign3A_89 : i1 to i32
    %sign3A_91 = arith.constant 0 : i32
    %sign3A_92 = arith.cmpi slt, %select_n3A_85, %sign3A_91 : i32
    %sign3A_93 = arith.extui %sign3A_92 : i1 to i32
    %sign3A_94 = arith.subi %sign3A_90, %sign3A_93 : i32
    %sign3A_95 = arith.constant 0 : i32
    %sign3A_96 = arith.cmpi sgt, %jit3A_86, %sign3A_95 : i32
    %sign3A_97 = arith.extui %sign3A_96 : i1 to i32
    %sign3A_98 = arith.constant 0 : i32
    %sign3A_99 = arith.cmpi slt, %jit3A_86, %sign3A_98 : i32
    %sign3A_100 = arith.extui %sign3A_99 : i1 to i32
    %sign3A_101 = arith.subi %sign3A_97, %sign3A_100 : i32
    %ne3A_102 = arith.cmpi ne, %sign3A_94, %sign3A_101 : i32
    %rem3A_103 = arith.remsi %select_n3A_85, %jit3A_86 : i32
    %ne3A_104 = arith.constant 0 : i32
    %ne3A_105 = arith.cmpi ne, %rem3A_103, %ne3A_104 : i32
    %and3A_106 = arith.andi %ne3A_102, %ne3A_105 : i1
    %sub3A_107 = arith.constant 1 : i32
    %sub3A_108 = arith.subi %div3A_87, %sub3A_107 : i32
    %select_n3A_109 = arith.select %and3A_106, %sub3A_108, %div3A_87 : i32
    %add3A_110 = arith.addi %select_n3A_85, %select_n3A_109 : i32
    %mul3A_111 = arith.constant 128 : i32
    %mul3A_112 = arith.muli %add3A_110, %mul3A_111 : i32
    %mul3A_113 = arith.constant 192 : i32
    %mul3A_114 = arith.muli %select_n3A_85, %mul3A_113 : i32
    %sub3A_115 = arith.subi %mul3A_114, %mul3A_112 : i32
    %add3A_116 = arith.constant 0 : i32
    %add3A_117 = arith.addi %mul3A_2, %add3A_116 : i32
    %dma_start3A = arith.constant 0 : i32
    %dma_start3A_118 = arith.constant 0 : i32
    %dma_start3A_119 = arith.constant 0 : i32
    %dma_start3A_120 = tpu.memref_slice %arg6[%dma_start3A, %dma_start3A_118, %dma_start3A_119] : memref<4x64x256xf32, #tpu.memory_space<vmem>> -> memref<1x64x256xf32, #tpu.memory_space<vmem>>
    %dma_start3A_121 = tpu.memref_squeeze %dma_start3A_120 : memref<1x64x256xf32, #tpu.memory_space<vmem>> -> memref<64x256xf32, #tpu.memory_space<vmem>>
    %dma_start3A_122 = tpu.memref_slice %arg2[%add3A_117, %mul3A_112] : memref<8192x768xf32, #tpu.memory_space<hbm>> -> memref<64x256xf32, #tpu.memory_space<hbm>>
    %dma_start3A_123 = arith.constant 0 : i32
    %dma_start3A_124 = arith.constant 0 : i32
    %dma_start3A_125 = tpu.memref_slice %arg6[%dma_start3A, %dma_start3A_123, %dma_start3A_124] : memref<4x64x256xf32, #tpu.memory_space<vmem>> -> memref<1x64x256xf32, #tpu.memory_space<vmem>>
    %dma_start3A_126 = tpu.memref_squeeze %dma_start3A_125 : memref<1x64x256xf32, #tpu.memory_space<vmem>> -> memref<64x256xf32, #tpu.memory_space<vmem>>
    %dma_start3A_127 = tpu.memref_slice %arg2[%add3A_117, %mul3A_112] : memref<8192x768xf32, #tpu.memory_space<hbm>> -> memref<64x256xf32, #tpu.memory_space<hbm>>
    tpu.enqueue_dma source(%dma_start3A_127 : memref<64x256xf32, #tpu.memory_space<hbm>>) target(%dma_start3A_126 : memref<64x256xf32, #tpu.memory_space<vmem>>) target_semaphore(%arg8 : memref<!tpu.dma_semaphore, #tpu.memory_space<semaphore_mem>>)
    %add3A_128 = arith.constant 64 : i32
    %add3A_129 = arith.addi %mul3A_2, %add3A_128 : i32
    %dma_start3A_130 = arith.constant 1 : i32
    %dma_start3A_131 = arith.constant 0 : i32
    %dma_start3A_132 = arith.constant 0 : i32
    %dma_start3A_133 = tpu.memref_slice %arg6[%dma_start3A_130, %dma_start3A_131, %dma_start3A_132] : memref<4x64x256xf32, #tpu.memory_space<vmem>> -> memref<1x64x256xf32, #tpu.memory_space<vmem>>
    %dma_start3A_134 = tpu.memref_squeeze %dma_start3A_133 : memref<1x64x256xf32, #tpu.memory_space<vmem>> -> memref<64x256xf32, #tpu.memory_space<vmem>>
    %dma_start3A_135 = tpu.memref_slice %arg2[%add3A_129, %mul3A_112] : memref<8192x768xf32, #tpu.memory_space<hbm>> -> memref<64x256xf32, #tpu.memory_space<hbm>>
    %dma_start3A_136 = arith.constant 0 : i32
    %dma_start3A_137 = arith.constant 0 : i32
    %dma_start3A_138 = tpu.memref_slice %arg6[%dma_start3A_130, %dma_start3A_136, %dma_start3A_137] : memref<4x64x256xf32, #tpu.memory_space<vmem>> -> memref<1x64x256xf32, #tpu.memory_space<vmem>>
    %dma_start3A_139 = tpu.memref_squeeze %dma_start3A_138 : memref<1x64x256xf32, #tpu.memory_space<vmem>> -> memref<64x256xf32, #tpu.memory_space<vmem>>
    %dma_start3A_140 = tpu.memref_slice %arg2[%add3A_129, %mul3A_112] : memref<8192x768xf32, #tpu.memory_space<hbm>> -> memref<64x256xf32, #tpu.memory_space<hbm>>
    tpu.enqueue_dma source(%dma_start3A_140 : memref<64x256xf32, #tpu.memory_space<hbm>>) target(%dma_start3A_139 : memref<64x256xf32, #tpu.memory_space<vmem>>) target_semaphore(%arg8 : memref<!tpu.dma_semaphore, #tpu.memory_space<semaphore_mem>>)
    %add3A_141 = arith.constant 128 : i32
    %add3A_142 = arith.addi %mul3A_2, %add3A_141 : i32
    %dma_start3A_143 = arith.constant 2 : i32
    %dma_start3A_144 = arith.constant 0 : i32
    %dma_start3A_145 = arith.constant 0 : i32
    %dma_start3A_146 = tpu.memref_slice %arg6[%dma_start3A_143, %dma_start3A_144, %dma_start3A_145] : memref<4x64x256xf32, #tpu.memory_space<vmem>> -> memref<1x64x256xf32, #tpu.memory_space<vmem>>
    %dma_start3A_147 = tpu.memref_squeeze %dma_start3A_146 : memref<1x64x256xf32, #tpu.memory_space<vmem>> -> memref<64x256xf32, #tpu.memory_space<vmem>>
    %dma_start3A_148 = tpu.memref_slice %arg2[%add3A_142, %mul3A_112] : memref<8192x768xf32, #tpu.memory_space<hbm>> -> memref<64x256xf32, #tpu.memory_space<hbm>>
    %dma_start3A_149 = arith.constant 0 : i32
    %dma_start3A_150 = arith.constant 0 : i32
    %dma_start3A_151 = tpu.memref_slice %arg6[%dma_start3A_143, %dma_start3A_149, %dma_start3A_150] : memref<4x64x256xf32, #tpu.memory_space<vmem>> -> memref<1x64x256xf32, #tpu.memory_space<vmem>>
    %dma_start3A_152 = tpu.memref_squeeze %dma_start3A_151 : memref<1x64x256xf32, #tpu.memory_space<vmem>> -> memref<64x256xf32, #tpu.memory_space<vmem>>
    %dma_start3A_153 = tpu.memref_slice %arg2[%add3A_142, %mul3A_112] : memref<8192x768xf32, #tpu.memory_space<hbm>> -> memref<64x256xf32, #tpu.memory_space<hbm>>
    tpu.enqueue_dma source(%dma_start3A_153 : memref<64x256xf32, #tpu.memory_space<hbm>>) target(%dma_start3A_152 : memref<64x256xf32, #tpu.memory_space<vmem>>) target_semaphore(%arg8 : memref<!tpu.dma_semaphore, #tpu.memory_space<semaphore_mem>>)
    %add3A_154 = arith.constant 192 : i32
    %add3A_155 = arith.addi %mul3A_2, %add3A_154 : i32
    %dma_start3A_156 = arith.constant 3 : i32
    %dma_start3A_157 = arith.constant 0 : i32
    %dma_start3A_158 = arith.constant 0 : i32
    %dma_start3A_159 = tpu.memref_slice %arg6[%dma_start3A_156, %dma_start3A_157, %dma_start3A_158] : memref<4x64x256xf32, #tpu.memory_space<vmem>> -> memref<1x64x256xf32, #tpu.memory_space<vmem>>
    %dma_start3A_160 = tpu.memref_squeeze %dma_start3A_159 : memref<1x64x256xf32, #tpu.memory_space<vmem>> -> memref<64x256xf32, #tpu.memory_space<vmem>>
    %dma_start3A_161 = tpu.memref_slice %arg2[%add3A_155, %mul3A_112] : memref<8192x768xf32, #tpu.memory_space<hbm>> -> memref<64x256xf32, #tpu.memory_space<hbm>>
    %dma_start3A_162 = arith.constant 0 : i32
    %dma_start3A_163 = arith.constant 0 : i32
    %dma_start3A_164 = tpu.memref_slice %arg6[%dma_start3A_156, %dma_start3A_162, %dma_start3A_163] : memref<4x64x256xf32, #tpu.memory_space<vmem>> -> memref<1x64x256xf32, #tpu.memory_space<vmem>>
    %dma_start3A_165 = tpu.memref_squeeze %dma_start3A_164 : memref<1x64x256xf32, #tpu.memory_space<vmem>> -> memref<64x256xf32, #tpu.memory_space<vmem>>
    %dma_start3A_166 = tpu.memref_slice %arg2[%add3A_155, %mul3A_112] : memref<8192x768xf32, #tpu.memory_space<hbm>> -> memref<64x256xf32, #tpu.memory_space<hbm>>
    tpu.enqueue_dma source(%dma_start3A_166 : memref<64x256xf32, #tpu.memory_space<hbm>>) target(%dma_start3A_165 : memref<64x256xf32, #tpu.memory_space<vmem>>) target_semaphore(%arg8 : memref<!tpu.dma_semaphore, #tpu.memory_space<semaphore_mem>>)
    %add3A_167 = arith.constant 0 : i32
    %add3A_168 = arith.addi %sub3A_115, %add3A_167 : i32
    %add3A_169 = vector.broadcast %add3A_168 : i32 to vector<16xi32>
    %add3A_170 = arith.addi %iota3A, %add3A_169 : vector<16xi32>
    %add3A_171 = arith.constant 16 : i32
    %add3A_172 = arith.addi %sub3A_115, %add3A_171 : i32
    %add3A_173 = vector.broadcast %add3A_172 : i32 to vector<16xi32>
    %add3A_174 = arith.addi %iota3A, %add3A_173 : vector<16xi32>
    %add3A_175 = arith.constant 32 : i32
    %add3A_176 = arith.addi %sub3A_115, %add3A_175 : i32
    %add3A_177 = vector.broadcast %add3A_176 : i32 to vector<16xi32>
    %add3A_178 = arith.addi %iota3A, %add3A_177 : vector<16xi32>
    %add3A_179 = arith.constant 48 : i32
    %add3A_180 = arith.addi %sub3A_115, %add3A_179 : i32
    %add3A_181 = vector.broadcast %add3A_180 : i32 to vector<16xi32>
    %add3A_182 = arith.addi %iota3A, %add3A_181 : vector<16xi32>
    %add3A_183 = arith.constant 64 : i32
    %add3A_184 = arith.addi %sub3A_115, %add3A_183 : i32
    %add3A_185 = vector.broadcast %add3A_184 : i32 to vector<16xi32>
    %add3A_186 = arith.addi %iota3A, %add3A_185 : vector<16xi32>
    %add3A_187 = arith.constant 80 : i32
    %add3A_188 = arith.addi %sub3A_115, %add3A_187 : i32
    %add3A_189 = vector.broadcast %add3A_188 : i32 to vector<16xi32>
    %add3A_190 = arith.addi %iota3A, %add3A_189 : vector<16xi32>
    %add3A_191 = arith.constant 96 : i32
    %add3A_192 = arith.addi %sub3A_115, %add3A_191 : i32
    %add3A_193 = vector.broadcast %add3A_192 : i32 to vector<16xi32>
    %add3A_194 = arith.addi %iota3A, %add3A_193 : vector<16xi32>
    %add3A_195 = arith.constant 112 : i32
    %add3A_196 = arith.addi %sub3A_115, %add3A_195 : i32
    %add3A_197 = vector.broadcast %add3A_196 : i32 to vector<16xi32>
    %add3A_198 = arith.addi %iota3A, %add3A_197 : vector<16xi32>
    %add3A_199 = arith.constant 128 : i32
    %add3A_200 = arith.addi %sub3A_115, %add3A_199 : i32
    %add3A_201 = vector.broadcast %add3A_200 : i32 to vector<16xi32>
    %add3A_202 = arith.addi %iota3A, %add3A_201 : vector<16xi32>
    %add3A_203 = arith.constant 144 : i32
    %add3A_204 = arith.addi %sub3A_115, %add3A_203 : i32
    %add3A_205 = vector.broadcast %add3A_204 : i32 to vector<16xi32>
    %add3A_206 = arith.addi %iota3A, %add3A_205 : vector<16xi32>
    %add3A_207 = arith.constant 160 : i32
    %add3A_208 = arith.addi %sub3A_115, %add3A_207 : i32
    %add3A_209 = vector.broadcast %add3A_208 : i32 to vector<16xi32>
    %add3A_210 = arith.addi %iota3A, %add3A_209 : vector<16xi32>
    %add3A_211 = arith.constant 176 : i32
    %add3A_212 = arith.addi %sub3A_115, %add3A_211 : i32
    %add3A_213 = vector.broadcast %add3A_212 : i32 to vector<16xi32>
    %add3A_214 = arith.addi %iota3A, %add3A_213 : vector<16xi32>
    %add3A_215 = arith.constant 0 : i32
    %add3A_216 = vector.broadcast %add3A_215 : i32 to vector<16xi32>
    %add3A_217 = arith.addi %iota3A, %add3A_216 : vector<16xi32>
    %add3A_218 = arith.constant 16 : i32
    %add3A_219 = vector.broadcast %add3A_218 : i32 to vector<16xi32>
    %add3A_220 = arith.addi %iota3A, %add3A_219 : vector<16xi32>
    %add3A_221 = arith.constant 32 : i32
    %add3A_222 = vector.broadcast %add3A_221 : i32 to vector<16xi32>
    %add3A_223 = arith.addi %iota3A, %add3A_222 : vector<16xi32>
    %add3A_224 = arith.constant 48 : i32
    %add3A_225 = vector.broadcast %add3A_224 : i32 to vector<16xi32>
    %add3A_226 = arith.addi %iota3A, %add3A_225 : vector<16xi32>
    %add3A_227 = arith.constant 64 : i32
    %add3A_228 = vector.broadcast %add3A_227 : i32 to vector<16xi32>
    %add3A_229 = arith.addi %iota3A, %add3A_228 : vector<16xi32>
    %add3A_230 = arith.constant 80 : i32
    %add3A_231 = vector.broadcast %add3A_230 : i32 to vector<16xi32>
    %add3A_232 = arith.addi %iota3A, %add3A_231 : vector<16xi32>
    %add3A_233 = arith.constant 96 : i32
    %add3A_234 = vector.broadcast %add3A_233 : i32 to vector<16xi32>
    %add3A_235 = arith.addi %iota3A, %add3A_234 : vector<16xi32>
    %add3A_236 = arith.constant 112 : i32
    %add3A_237 = vector.broadcast %add3A_236 : i32 to vector<16xi32>
    %add3A_238 = arith.addi %iota3A, %add3A_237 : vector<16xi32>
    %add3A_239 = arith.constant 128 : i32
    %add3A_240 = vector.broadcast %add3A_239 : i32 to vector<16xi32>
    %add3A_241 = arith.addi %iota3A, %add3A_240 : vector<16xi32>
    %add3A_242 = arith.constant 144 : i32
    %add3A_243 = vector.broadcast %add3A_242 : i32 to vector<16xi32>
    %add3A_244 = arith.addi %iota3A, %add3A_243 : vector<16xi32>
    %add3A_245 = arith.constant 160 : i32
    %add3A_246 = vector.broadcast %add3A_245 : i32 to vector<16xi32>
    %add3A_247 = arith.addi %iota3A, %add3A_246 : vector<16xi32>
    %add3A_248 = arith.constant 176 : i32
    %add3A_249 = vector.broadcast %add3A_248 : i32 to vector<16xi32>
    %add3A_250 = arith.addi %iota3A, %add3A_249 : vector<16xi32>
    %dma_wait3A = arith.constant 0 : i32
    %dma_wait3A_251 = arith.constant 0 : i32
    %dma_wait3A_252 = arith.constant 0 : i32
    %dma_wait3A_253 = tpu.memref_slice %arg6[%dma_wait3A, %dma_wait3A_251, %dma_wait3A_252] : memref<4x64x256xf32, #tpu.memory_space<vmem>> -> memref<1x64x256xf32, #tpu.memory_space<vmem>>
    %dma_wait3A_254 = tpu.memref_squeeze %dma_wait3A_253 : memref<1x64x256xf32, #tpu.memory_space<vmem>> -> memref<64x256xf32, #tpu.memory_space<vmem>>
    %dma_wait3A_255 = tpu.memref_slice %arg2[%add3A_117, %mul3A_112] : memref<8192x768xf32, #tpu.memory_space<hbm>> -> memref<64x256xf32, #tpu.memory_space<hbm>>
    %dma_wait3A_256 = arith.constant 0 : i32
    %dma_wait3A_257 = arith.constant 0 : i32
    %dma_wait3A_258 = tpu.memref_slice %arg6[%dma_wait3A, %dma_wait3A_256, %dma_wait3A_257] : memref<4x64x256xf32, #tpu.memory_space<vmem>> -> memref<1x64x256xf32, #tpu.memory_space<vmem>>
    %dma_wait3A_259 = tpu.memref_squeeze %dma_wait3A_258 : memref<1x64x256xf32, #tpu.memory_space<vmem>> -> memref<64x256xf32, #tpu.memory_space<vmem>>
    %dma_wait3A_260 = tpu.memref_slice %arg2[%add3A_117, %mul3A_112] : memref<8192x768xf32, #tpu.memory_space<hbm>> -> memref<64x256xf32, #tpu.memory_space<hbm>>
    tpu.wait_dma2 semaphore(%arg8 : memref<!tpu.dma_semaphore, #tpu.memory_space<semaphore_mem>>) src(%dma_wait3A_260 : memref<64x256xf32, #tpu.memory_space<hbm>>) dst(%dma_wait3A_259 : memref<64x256xf32, #tpu.memory_space<vmem>>)
    %parallel_loop3A = arith.constant 0 : i32
    %parallel_loop3A_261 = arith.constant 64 : i32
    %parallel_loop3A_262 = arith.constant 1 : i32
    %parallel_loop3A_263 = arith.constant 0 : i32
    %parallel_loop3A_264 = arith.constant 0 : i32
    scf.for %parallel_loop3A_425 = %parallel_loop3A to %parallel_loop3A_261 step %parallel_loop3A_262  : i32 {
      %parallel_loop3A_426 = vector.broadcast %parallel_loop3A_425 : i32 to vector<16xi32>
      %parallel_loop3A_427 = arith.constant 0 : i32
      %parallel_loop3A_428 = arith.constant 0 : i32
      %parallel_loop3A_429 = tpu.memref_slice %arg6[%parallel_loop3A_263, %parallel_loop3A_427, %parallel_loop3A_428] : memref<4x64x256xf32, #tpu.memory_space<vmem>> -> memref<1x64x256xf32, #tpu.memory_space<vmem>>
      %parallel_loop3A_430 = tpu.memref_squeeze %parallel_loop3A_429 : memref<1x64x256xf32, #tpu.memory_space<vmem>> -> memref<64x256xf32, #tpu.memory_space<vmem>>
      %parallel_loop3A_431 = tpu.vector_load_idx %parallel_loop3A_430[%parallel_loop3A_426, %add3A_170] : memref<64x256xf32, #tpu.memory_space<vmem>>[vector<16xi32>, vector<16xi32>], vector<16xf32>,
      %parallel_loop3A_432 = arith.constant 0 : i32
      %parallel_loop3A_433 = arith.constant 0 : i32
      %parallel_loop3A_434 = tpu.memref_slice %arg7[%parallel_loop3A_264, %parallel_loop3A_432, %parallel_loop3A_433] : memref<2x64x192xf32, #tpu.memory_space<vmem>> -> memref<1x64x192xf32, #tpu.memory_space<vmem>>
      %parallel_loop3A_435 = tpu.memref_squeeze %parallel_loop3A_434 : memref<1x64x192xf32, #tpu.memory_space<vmem>> -> memref<64x192xf32, #tpu.memory_space<vmem>>
      tpu.vector_store_idx %parallel_loop3A_435[%parallel_loop3A_426, %add3A_217], %parallel_loop3A_431 : memref<64x192xf32, #tpu.memory_space<vmem>>[vector<16xi32>, vector<16xi32>], vector<16xf32>,
      %parallel_loop3A_436 = arith.constant 0 : i32
      %parallel_loop3A_437 = arith.constant 0 : i32
      %parallel_loop3A_438 = tpu.memref_slice %arg6[%parallel_loop3A_263, %parallel_loop3A_436, %parallel_loop3A_437] : memref<4x64x256xf32, #tpu.memory_space<vmem>> -> memref<1x64x256xf32, #tpu.memory_space<vmem>>
      %parallel_loop3A_439 = tpu.memref_squeeze %parallel_loop3A_438 : memref<1x64x256xf32, #tpu.memory_space<vmem>> -> memref<64x256xf32, #tpu.memory_space<vmem>>
      %parallel_loop3A_440 = tpu.vector_load_idx %parallel_loop3A_439[%parallel_loop3A_426, %add3A_174] : memref<64x256xf32, #tpu.memory_space<vmem>>[vector<16xi32>, vector<16xi32>], vector<16xf32>,
      %parallel_loop3A_441 = arith.constant 0 : i32
      %parallel_loop3A_442 = arith.constant 0 : i32
      %parallel_loop3A_443 = tpu.memref_slice %arg7[%parallel_loop3A_264, %parallel_loop3A_441, %parallel_loop3A_442] : memref<2x64x192xf32, #tpu.memory_space<vmem>> -> memref<1x64x192xf32, #tpu.memory_space<vmem>>
      %parallel_loop3A_444 = tpu.memref_squeeze %parallel_loop3A_443 : memref<1x64x192xf32, #tpu.memory_space<vmem>> -> memref<64x192xf32, #tpu.memory_space<vmem>>
      tpu.vector_store_idx %parallel_loop3A_444[%parallel_loop3A_426, %add3A_220], %parallel_loop3A_440 : memref<64x192xf32, #tpu.memory_space<vmem>>[vector<16xi32>, vector<16xi32>], vector<16xf32>,
      %parallel_loop3A_445 = arith.constant 0 : i32
      %parallel_loop3A_446 = arith.constant 0 : i32
      %parallel_loop3A_447 = tpu.memref_slice %arg6[%parallel_loop3A_263, %parallel_loop3A_445, %parallel_loop3A_446] : memref<4x64x256xf32, #tpu.memory_space<vmem>> -> memref<1x64x256xf32, #tpu.memory_space<vmem>>
      %parallel_loop3A_448 = tpu.memref_squeeze %parallel_loop3A_447 : memref<1x64x256xf32, #tpu.memory_space<vmem>> -> memref<64x256xf32, #tpu.memory_space<vmem>>
      %parallel_loop3A_449 = tpu.vector_load_idx %parallel_loop3A_448[%parallel_loop3A_426, %add3A_178] : memref<64x256xf32, #tpu.memory_space<vmem>>[vector<16xi32>, vector<16xi32>], vector<16xf32>,
      %parallel_loop3A_450 = arith.constant 0 : i32
      %parallel_loop3A_451 = arith.constant 0 : i32
      %parallel_loop3A_452 = tpu.memref_slice %arg7[%parallel_loop3A_264, %parallel_loop3A_450, %parallel_loop3A_451] : memref<2x64x192xf32, #tpu.memory_space<vmem>> -> memref<1x64x192xf32, #tpu.memory_space<vmem>>
      %parallel_loop3A_453 = tpu.memref_squeeze %parallel_loop3A_452 : memref<1x64x192xf32, #tpu.memory_space<vmem>> -> memref<64x192xf32, #tpu.memory_space<vmem>>
      tpu.vector_store_idx %parallel_loop3A_453[%parallel_loop3A_426, %add3A_223], %parallel_loop3A_449 : memref<64x192xf32, #tpu.memory_space<vmem>>[vector<16xi32>, vector<16xi32>], vector<16xf32>,
      %parallel_loop3A_454 = arith.constant 0 : i32
      %parallel_loop3A_455 = arith.constant 0 : i32
      %parallel_loop3A_456 = tpu.memref_slice %arg6[%parallel_loop3A_263, %parallel_loop3A_454, %parallel_loop3A_455] : memref<4x64x256xf32, #tpu.memory_space<vmem>> -> memref<1x64x256xf32, #tpu.memory_space<vmem>>
      %parallel_loop3A_457 = tpu.memref_squeeze %parallel_loop3A_456 : memref<1x64x256xf32, #tpu.memory_space<vmem>> -> memref<64x256xf32, #tpu.memory_space<vmem>>
      %parallel_loop3A_458 = tpu.vector_load_idx %parallel_loop3A_457[%parallel_loop3A_426, %add3A_182] : memref<64x256xf32, #tpu.memory_space<vmem>>[vector<16xi32>, vector<16xi32>], vector<16xf32>,
      %parallel_loop3A_459 = arith.constant 0 : i32
      %parallel_loop3A_460 = arith.constant 0 : i32
      %parallel_loop3A_461 = tpu.memref_slice %arg7[%parallel_loop3A_264, %parallel_loop3A_459, %parallel_loop3A_460] : memref<2x64x192xf32, #tpu.memory_space<vmem>> -> memref<1x64x192xf32, #tpu.memory_space<vmem>>
      %parallel_loop3A_462 = tpu.memref_squeeze %parallel_loop3A_461 : memref<1x64x192xf32, #tpu.memory_space<vmem>> -> memref<64x192xf32, #tpu.memory_space<vmem>>
      tpu.vector_store_idx %parallel_loop3A_462[%parallel_loop3A_426, %add3A_226], %parallel_loop3A_458 : memref<64x192xf32, #tpu.memory_space<vmem>>[vector<16xi32>, vector<16xi32>], vector<16xf32>,
      %parallel_loop3A_463 = arith.constant 0 : i32
      %parallel_loop3A_464 = arith.constant 0 : i32
      %parallel_loop3A_465 = tpu.memref_slice %arg6[%parallel_loop3A_263, %parallel_loop3A_463, %parallel_loop3A_464] : memref<4x64x256xf32, #tpu.memory_space<vmem>> -> memref<1x64x256xf32, #tpu.memory_space<vmem>>
      %parallel_loop3A_466 = tpu.memref_squeeze %parallel_loop3A_465 : memref<1x64x256xf32, #tpu.memory_space<vmem>> -> memref<64x256xf32, #tpu.memory_space<vmem>>
      %parallel_loop3A_467 = tpu.vector_load_idx %parallel_loop3A_466[%parallel_loop3A_426, %add3A_186] : memref<64x256xf32, #tpu.memory_space<vmem>>[vector<16xi32>, vector<16xi32>], vector<16xf32>,
      %parallel_loop3A_468 = arith.constant 0 : i32
      %parallel_loop3A_469 = arith.constant 0 : i32
      %parallel_loop3A_470 = tpu.memref_slice %arg7[%parallel_loop3A_264, %parallel_loop3A_468, %parallel_loop3A_469] : memref<2x64x192xf32, #tpu.memory_space<vmem>> -> memref<1x64x192xf32, #tpu.memory_space<vmem>>
      %parallel_loop3A_471 = tpu.memref_squeeze %parallel_loop3A_470 : memref<1x64x192xf32, #tpu.memory_space<vmem>> -> memref<64x192xf32, #tpu.memory_space<vmem>>
      tpu.vector_store_idx %parallel_loop3A_471[%parallel_loop3A_426, %add3A_229], %parallel_loop3A_467 : memref<64x192xf32, #tpu.memory_space<vmem>>[vector<16xi32>, vector<16xi32>], vector<16xf32>,
      %parallel_loop3A_472 = arith.constant 0 : i32
      %parallel_loop3A_473 = arith.constant 0 : i32
      %parallel_loop3A_474 = tpu.memref_slice %arg6[%parallel_loop3A_263, %parallel_loop3A_472, %parallel_loop3A_473] : memref<4x64x256xf32, #tpu.memory_space<vmem>> -> memref<1x64x256xf32, #tpu.memory_space<vmem>>
      %parallel_loop3A_475 = tpu.memref_squeeze %parallel_loop3A_474 : memref<1x64x256xf32, #tpu.memory_space<vmem>> -> memref<64x256xf32, #tpu.memory_space<vmem>>
      %parallel_loop3A_476 = tpu.vector_load_idx %parallel_loop3A_475[%parallel_loop3A_426, %add3A_190] : memref<64x256xf32, #tpu.memory_space<vmem>>[vector<16xi32>, vector<16xi32>], vector<16xf32>,
      %parallel_loop3A_477 = arith.constant 0 : i32
      %parallel_loop3A_478 = arith.constant 0 : i32
      %parallel_loop3A_479 = tpu.memref_slice %arg7[%parallel_loop3A_264, %parallel_loop3A_477, %parallel_loop3A_478] : memref<2x64x192xf32, #tpu.memory_space<vmem>> -> memref<1x64x192xf32, #tpu.memory_space<vmem>>
      %parallel_loop3A_480 = tpu.memref_squeeze %parallel_loop3A_479 : memref<1x64x192xf32, #tpu.memory_space<vmem>> -> memref<64x192xf32, #tpu.memory_space<vmem>>
      tpu.vector_store_idx %parallel_loop3A_480[%parallel_loop3A_426, %add3A_232], %parallel_loop3A_476 : memref<64x192xf32, #tpu.memory_space<vmem>>[vector<16xi32>, vector<16xi32>], vector<16xf32>,
      %parallel_loop3A_481 = arith.constant 0 : i32
      %parallel_loop3A_482 = arith.constant 0 : i32
      %parallel_loop3A_483 = tpu.memref_slice %arg6[%parallel_loop3A_263, %parallel_loop3A_481, %parallel_loop3A_482] : memref<4x64x256xf32, #tpu.memory_space<vmem>> -> memref<1x64x256xf32, #tpu.memory_space<vmem>>
      %parallel_loop3A_484 = tpu.memref_squeeze %parallel_loop3A_483 : memref<1x64x256xf32, #tpu.memory_space<vmem>> -> memref<64x256xf32, #tpu.memory_space<vmem>>
      %parallel_loop3A_485 = tpu.vector_load_idx %parallel_loop3A_484[%parallel_loop3A_426, %add3A_194] : memref<64x256xf32, #tpu.memory_space<vmem>>[vector<16xi32>, vector<16xi32>], vector<16xf32>,
      %parallel_loop3A_486 = arith.constant 0 : i32
      %parallel_loop3A_487 = arith.constant 0 : i32
      %parallel_loop3A_488 = tpu.memref_slice %arg7[%parallel_loop3A_264, %parallel_loop3A_486, %parallel_loop3A_487] : memref<2x64x192xf32, #tpu.memory_space<vmem>> -> memref<1x64x192xf32, #tpu.memory_space<vmem>>
      %parallel_loop3A_489 = tpu.memref_squeeze %parallel_loop3A_488 : memref<1x64x192xf32, #tpu.memory_space<vmem>> -> memref<64x192xf32, #tpu.memory_space<vmem>>
      tpu.vector_store_idx %parallel_loop3A_489[%parallel_loop3A_426, %add3A_235], %parallel_loop3A_485 : memref<64x192xf32, #tpu.memory_space<vmem>>[vector<16xi32>, vector<16xi32>], vector<16xf32>,
      %parallel_loop3A_490 = arith.constant 0 : i32
      %parallel_loop3A_491 = arith.constant 0 : i32
      %parallel_loop3A_492 = tpu.memref_slice %arg6[%parallel_loop3A_263, %parallel_loop3A_490, %parallel_loop3A_491] : memref<4x64x256xf32, #tpu.memory_space<vmem>> -> memref<1x64x256xf32, #tpu.memory_space<vmem>>
      %parallel_loop3A_493 = tpu.memref_squeeze %parallel_loop3A_492 : memref<1x64x256xf32, #tpu.memory_space<vmem>> -> memref<64x256xf32, #tpu.memory_space<vmem>>
      %parallel_loop3A_494 = tpu.vector_load_idx %parallel_loop3A_493[%parallel_loop3A_426, %add3A_198] : memref<64x256xf32, #tpu.memory_space<vmem>>[vector<16xi32>, vector<16xi32>], vector<16xf32>,
      %parallel_loop3A_495 = arith.constant 0 : i32
      %parallel_loop3A_496 = arith.constant 0 : i32
      %parallel_loop3A_497 = tpu.memref_slice %arg7[%parallel_loop3A_264, %parallel_loop3A_495, %parallel_loop3A_496] : memref<2x64x192xf32, #tpu.memory_space<vmem>> -> memref<1x64x192xf32, #tpu.memory_space<vmem>>
      %parallel_loop3A_498 = tpu.memref_squeeze %parallel_loop3A_497 : memref<1x64x192xf32, #tpu.memory_space<vmem>> -> memref<64x192xf32, #tpu.memory_space<vmem>>
      tpu.vector_store_idx %parallel_loop3A_498[%parallel_loop3A_426, %add3A_238], %parallel_loop3A_494 : memref<64x192xf32, #tpu.memory_space<vmem>>[vector<16xi32>, vector<16xi32>], vector<16xf32>,
      %parallel_loop3A_499 = arith.constant 0 : i32
      %parallel_loop3A_500 = arith.constant 0 : i32
      %parallel_loop3A_501 = tpu.memref_slice %arg6[%parallel_loop3A_263, %parallel_loop3A_499, %parallel_loop3A_500] : memref<4x64x256xf32, #tpu.memory_space<vmem>> -> memref<1x64x256xf32, #tpu.memory_space<vmem>>
      %parallel_loop3A_502 = tpu.memref_squeeze %parallel_loop3A_501 : memref<1x64x256xf32, #tpu.memory_space<vmem>> -> memref<64x256xf32, #tpu.memory_space<vmem>>
      %parallel_loop3A_503 = tpu.vector_load_idx %parallel_loop3A_502[%parallel_loop3A_426, %add3A_202] : memref<64x256xf32, #tpu.memory_space<vmem>>[vector<16xi32>, vector<16xi32>], vector<16xf32>,
      %parallel_loop3A_504 = arith.constant 0 : i32
      %parallel_loop3A_505 = arith.constant 0 : i32
      %parallel_loop3A_506 = tpu.memref_slice %arg7[%parallel_loop3A_264, %parallel_loop3A_504, %parallel_loop3A_505] : memref<2x64x192xf32, #tpu.memory_space<vmem>> -> memref<1x64x192xf32, #tpu.memory_space<vmem>>
      %parallel_loop3A_507 = tpu.memref_squeeze %parallel_loop3A_506 : memref<1x64x192xf32, #tpu.memory_space<vmem>> -> memref<64x192xf32, #tpu.memory_space<vmem>>
      tpu.vector_store_idx %parallel_loop3A_507[%parallel_loop3A_426, %add3A_241], %parallel_loop3A_503 : memref<64x192xf32, #tpu.memory_space<vmem>>[vector<16xi32>, vector<16xi32>], vector<16xf32>,
      %parallel_loop3A_508 = arith.constant 0 : i32
      %parallel_loop3A_509 = arith.constant 0 : i32
      %parallel_loop3A_510 = tpu.memref_slice %arg6[%parallel_loop3A_263, %parallel_loop3A_508, %parallel_loop3A_509] : memref<4x64x256xf32, #tpu.memory_space<vmem>> -> memref<1x64x256xf32, #tpu.memory_space<vmem>>
      %parallel_loop3A_511 = tpu.memref_squeeze %parallel_loop3A_510 : memref<1x64x256xf32, #tpu.memory_space<vmem>> -> memref<64x256xf32, #tpu.memory_space<vmem>>
      %parallel_loop3A_512 = tpu.vector_load_idx %parallel_loop3A_511[%parallel_loop3A_426, %add3A_206] : memref<64x256xf32, #tpu.memory_space<vmem>>[vector<16xi32>, vector<16xi32>], vector<16xf32>,
      %parallel_loop3A_513 = arith.constant 0 : i32
      %parallel_loop3A_514 = arith.constant 0 : i32
      %parallel_loop3A_515 = tpu.memref_slice %arg7[%parallel_loop3A_264, %parallel_loop3A_513, %parallel_loop3A_514] : memref<2x64x192xf32, #tpu.memory_space<vmem>> -> memref<1x64x192xf32, #tpu.memory_space<vmem>>
      %parallel_loop3A_516 = tpu.memref_squeeze %parallel_loop3A_515 : memref<1x64x192xf32, #tpu.memory_space<vmem>> -> memref<64x192xf32, #tpu.memory_space<vmem>>
      tpu.vector_store_idx %parallel_loop3A_516[%parallel_loop3A_426, %add3A_244], %parallel_loop3A_512 : memref<64x192xf32, #tpu.memory_space<vmem>>[vector<16xi32>, vector<16xi32>], vector<16xf32>,
      %parallel_loop3A_517 = arith.constant 0 : i32
      %parallel_loop3A_518 = arith.constant 0 : i32
      %parallel_loop3A_519 = tpu.memref_slice %arg6[%parallel_loop3A_263, %parallel_loop3A_517, %parallel_loop3A_518] : memref<4x64x256xf32, #tpu.memory_space<vmem>> -> memref<1x64x256xf32, #tpu.memory_space<vmem>>
      %parallel_loop3A_520 = tpu.memref_squeeze %parallel_loop3A_519 : memref<1x64x256xf32, #tpu.memory_space<vmem>> -> memref<64x256xf32, #tpu.memory_space<vmem>>
      %parallel_loop3A_521 = tpu.vector_load_idx %parallel_loop3A_520[%parallel_loop3A_426, %add3A_210] : memref<64x256xf32, #tpu.memory_space<vmem>>[vector<16xi32>, vector<16xi32>], vector<16xf32>,
      %parallel_loop3A_522 = arith.constant 0 : i32
      %parallel_loop3A_523 = arith.constant 0 : i32
      %parallel_loop3A_524 = tpu.memref_slice %arg7[%parallel_loop3A_264, %parallel_loop3A_522, %parallel_loop3A_523] : memref<2x64x192xf32, #tpu.memory_space<vmem>> -> memref<1x64x192xf32, #tpu.memory_space<vmem>>
      %parallel_loop3A_525 = tpu.memref_squeeze %parallel_loop3A_524 : memref<1x64x192xf32, #tpu.memory_space<vmem>> -> memref<64x192xf32, #tpu.memory_space<vmem>>
      tpu.vector_store_idx %parallel_loop3A_525[%parallel_loop3A_426, %add3A_247], %parallel_loop3A_521 : memref<64x192xf32, #tpu.memory_space<vmem>>[vector<16xi32>, vector<16xi32>], vector<16xf32>,
      %parallel_loop3A_526 = arith.constant 0 : i32
      %parallel_loop3A_527 = arith.constant 0 : i32
      %parallel_loop3A_528 = tpu.memref_slice %arg6[%parallel_loop3A_263, %parallel_loop3A_526, %parallel_loop3A_527] : memref<4x64x256xf32, #tpu.memory_space<vmem>> -> memref<1x64x256xf32, #tpu.memory_space<vmem>>
      %parallel_loop3A_529 = tpu.memref_squeeze %parallel_loop3A_528 : memref<1x64x256xf32, #tpu.memory_space<vmem>> -> memref<64x256xf32, #tpu.memory_space<vmem>>
      %parallel_loop3A_530 = tpu.vector_load_idx %parallel_loop3A_529[%parallel_loop3A_426, %add3A_214] : memref<64x256xf32, #tpu.memory_space<vmem>>[vector<16xi32>, vector<16xi32>], vector<16xf32>,
      %parallel_loop3A_531 = arith.constant 0 : i32
      %parallel_loop3A_532 = arith.constant 0 : i32
      %parallel_loop3A_533 = tpu.memref_slice %arg7[%parallel_loop3A_264, %parallel_loop3A_531, %parallel_loop3A_532] : memref<2x64x192xf32, #tpu.memory_space<vmem>> -> memref<1x64x192xf32, #tpu.memory_space<vmem>>
      %parallel_loop3A_534 = tpu.memref_squeeze %parallel_loop3A_533 : memref<1x64x192xf32, #tpu.memory_space<vmem>> -> memref<64x192xf32, #tpu.memory_space<vmem>>
      tpu.vector_store_idx %parallel_loop3A_534[%parallel_loop3A_426, %add3A_250], %parallel_loop3A_530 : memref<64x192xf32, #tpu.memory_space<vmem>>[vector<16xi32>, vector<16xi32>], vector<16xf32>,
    } {sc.loop_unroll_factor = 1 : i64, sc.parallel_access}
    %add3A_265 = arith.constant 0 : i32
    %add3A_266 = arith.addi %mul3A_2, %add3A_265 : i32
    %dma_start3A_267 = arith.constant 0 : i32
    %dma_start3A_268 = arith.constant 0 : i32
    %dma_start3A_269 = arith.constant 0 : i32
    %dma_start3A_270 = tpu.memref_slice %arg7[%dma_start3A_267, %dma_start3A_268, %dma_start3A_269] : memref<2x64x192xf32, #tpu.memory_space<vmem>> -> memref<1x64x192xf32, #tpu.memory_space<vmem>>
    %dma_start3A_271 = tpu.memref_squeeze %dma_start3A_270 : memref<1x64x192xf32, #tpu.memory_space<vmem>> -> memref<64x192xf32, #tpu.memory_space<vmem>>
    %dma_start3A_272 = arith.constant 0 : i32
    %dma_start3A_273 = tpu.memref_slice %arg4[%add3A_266, %dma_start3A_272] : memref<8192x192xf32, #tpu.memory_space<hbm>> -> memref<64x192xf32, #tpu.memory_space<hbm>>
    %dma_start3A_274 = arith.constant 0 : i32
    %dma_start3A_275 = tpu.memref_slice %arg4[%add3A_266, %dma_start3A_274] : memref<8192x192xf32, #tpu.memory_space<hbm>> -> memref<64x192xf32, #tpu.memory_space<hbm>>
    %dma_start3A_276 = arith.constant 0 : i32
    %dma_start3A_277 = arith.constant 0 : i32
    %dma_start3A_278 = tpu.memref_slice %arg7[%dma_start3A_267, %dma_start3A_276, %dma_start3A_277] : memref<2x64x192xf32, #tpu.memory_space<vmem>> -> memref<1x64x192xf32, #tpu.memory_space<vmem>>
    %dma_start3A_279 = tpu.memref_squeeze %dma_start3A_278 : memref<1x64x192xf32, #tpu.memory_space<vmem>> -> memref<64x192xf32, #tpu.memory_space<vmem>>
    tpu.enqueue_dma source(%dma_start3A_279 : memref<64x192xf32, #tpu.memory_space<vmem>>) target(%dma_start3A_275 : memref<64x192xf32, #tpu.memory_space<hbm>>) target_semaphore(%arg9 : memref<!tpu.dma_semaphore, #tpu.memory_space<semaphore_mem>>)
    %dma_wait3A_280 = arith.constant 1 : i32
    %dma_wait3A_281 = arith.constant 0 : i32
    %dma_wait3A_282 = arith.constant 0 : i32
    %dma_wait3A_283 = tpu.memref_slice %arg6[%dma_wait3A_280, %dma_wait3A_281, %dma_wait3A_282] : memref<4x64x256xf32, #tpu.memory_space<vmem>> -> memref<1x64x256xf32, #tpu.memory_space<vmem>>
    %dma_wait3A_284 = tpu.memref_squeeze %dma_wait3A_283 : memref<1x64x256xf32, #tpu.memory_space<vmem>> -> memref<64x256xf32, #tpu.memory_space<vmem>>
    %dma_wait3A_285 = tpu.memref_slice %arg2[%add3A_129, %mul3A_112] : memref<8192x768xf32, #tpu.memory_space<hbm>> -> memref<64x256xf32, #tpu.memory_space<hbm>>
    %dma_wait3A_286 = arith.constant 0 : i32
    %dma_wait3A_287 = arith.constant 0 : i32
    %dma_wait3A_288 = tpu.memref_slice %arg6[%dma_wait3A_280, %dma_wait3A_286, %dma_wait3A_287] : memref<4x64x256xf32, #tpu.memory_space<vmem>> -> memref<1x64x256xf32, #tpu.memory_space<vmem>>
    %dma_wait3A_289 = tpu.memref_squeeze %dma_wait3A_288 : memref<1x64x256xf32, #tpu.memory_space<vmem>> -> memref<64x256xf32, #tpu.memory_space<vmem>>
    %dma_wait3A_290 = tpu.memref_slice %arg2[%add3A_129, %mul3A_112] : memref<8192x768xf32, #tpu.memory_space<hbm>> -> memref<64x256xf32, #tpu.memory_space<hbm>>
    tpu.wait_dma2 semaphore(%arg8 : memref<!tpu.dma_semaphore, #tpu.memory_space<semaphore_mem>>) src(%dma_wait3A_290 : memref<64x256xf32, #tpu.memory_space<hbm>>) dst(%dma_wait3A_289 : memref<64x256xf32, #tpu.memory_space<vmem>>)
    %parallel_loop3A_291 = arith.constant 0 : i32
    %parallel_loop3A_292 = arith.constant 64 : i32
    %parallel_loop3A_293 = arith.constant 1 : i32
    %parallel_loop3A_294 = arith.constant 1 : i32
    %parallel_loop3A_295 = arith.constant 1 : i32
    scf.for %parallel_loop3A_425 = %parallel_loop3A_291 to %parallel_loop3A_292 step %parallel_loop3A_293  : i32 {
      %parallel_loop3A_426 = vector.broadcast %parallel_loop3A_425 : i32 to vector<16xi32>
      %parallel_loop3A_427 = arith.constant 0 : i32
      %parallel_loop3A_428 = arith.constant 0 : i32
      %parallel_loop3A_429 = tpu.memref_slice %arg6[%parallel_loop3A_294, %parallel_loop3A_427, %parallel_loop3A_428] : memref<4x64x256xf32, #tpu.memory_space<vmem>> -> memref<1x64x256xf32, #tpu.memory_space<vmem>>
      %parallel_loop3A_430 = tpu.memref_squeeze %parallel_loop3A_429 : memref<1x64x256xf32, #tpu.memory_space<vmem>> -> memref<64x256xf32, #tpu.memory_space<vmem>>
      %parallel_loop3A_431 = tpu.vector_load_idx %parallel_loop3A_430[%parallel_loop3A_426, %add3A_170] : memref<64x256xf32, #tpu.memory_space<vmem>>[vector<16xi32>, vector<16xi32>], vector<16xf32>,
      %parallel_loop3A_432 = arith.constant 0 : i32
      %parallel_loop3A_433 = arith.constant 0 : i32
      %parallel_loop3A_434 = tpu.memref_slice %arg7[%parallel_loop3A_295, %parallel_loop3A_432, %parallel_loop3A_433] : memref<2x64x192xf32, #tpu.memory_space<vmem>> -> memref<1x64x192xf32, #tpu.memory_space<vmem>>
      %parallel_loop3A_435 = tpu.memref_squeeze %parallel_loop3A_434 : memref<1x64x192xf32, #tpu.memory_space<vmem>> -> memref<64x192xf32, #tpu.memory_space<vmem>>
      tpu.vector_store_idx %parallel_loop3A_435[%parallel_loop3A_426, %add3A_217], %parallel_loop3A_431 : memref<64x192xf32, #tpu.memory_space<vmem>>[vector<16xi32>, vector<16xi32>], vector<16xf32>,
      %parallel_loop3A_436 = arith.constant 0 : i32
      %parallel_loop3A_437 = arith.constant 0 : i32
      %parallel_loop3A_438 = tpu.memref_slice %arg6[%parallel_loop3A_294, %parallel_loop3A_436, %parallel_loop3A_437] : memref<4x64x256xf32, #tpu.memory_space<vmem>> -> memref<1x64x256xf32, #tpu.memory_space<vmem>>
      %parallel_loop3A_439 = tpu.memref_squeeze %parallel_loop3A_438 : memref<1x64x256xf32, #tpu.memory_space<vmem>> -> memref<64x256xf32, #tpu.memory_space<vmem>>
      %parallel_loop3A_440 = tpu.vector_load_idx %parallel_loop3A_439[%parallel_loop3A_426, %add3A_174] : memref<64x256xf32, #tpu.memory_space<vmem>>[vector<16xi32>, vector<16xi32>], vector<16xf32>,
      %parallel_loop3A_441 = arith.constant 0 : i32
      %parallel_loop3A_442 = arith.constant 0 : i32
      %parallel_loop3A_443 = tpu.memref_slice %arg7[%parallel_loop3A_295, %parallel_loop3A_441, %parallel_loop3A_442] : memref<2x64x192xf32, #tpu.memory_space<vmem>> -> memref<1x64x192xf32, #tpu.memory_space<vmem>>
      %parallel_loop3A_444 = tpu.memref_squeeze %parallel_loop3A_443 : memref<1x64x192xf32, #tpu.memory_space<vmem>> -> memref<64x192xf32, #tpu.memory_space<vmem>>
      tpu.vector_store_idx %parallel_loop3A_444[%parallel_loop3A_426, %add3A_220], %parallel_loop3A_440 : memref<64x192xf32, #tpu.memory_space<vmem>>[vector<16xi32>, vector<16xi32>], vector<16xf32>,
      %parallel_loop3A_445 = arith.constant 0 : i32
      %parallel_loop3A_446 = arith.constant 0 : i32
      %parallel_loop3A_447 = tpu.memref_slice %arg6[%parallel_loop3A_294, %parallel_loop3A_445, %parallel_loop3A_446] : memref<4x64x256xf32, #tpu.memory_space<vmem>> -> memref<1x64x256xf32, #tpu.memory_space<vmem>>
      %parallel_loop3A_448 = tpu.memref_squeeze %parallel_loop3A_447 : memref<1x64x256xf32, #tpu.memory_space<vmem>> -> memref<64x256xf32, #tpu.memory_space<vmem>>
      %parallel_loop3A_449 = tpu.vector_load_idx %parallel_loop3A_448[%parallel_loop3A_426, %add3A_178] : memref<64x256xf32, #tpu.memory_space<vmem>>[vector<16xi32>, vector<16xi32>], vector<16xf32>,
      %parallel_loop3A_450 = arith.constant 0 : i32
      %parallel_loop3A_451 = arith.constant 0 : i32
      %parallel_loop3A_452 = tpu.memref_slice %arg7[%parallel_loop3A_295, %parallel_loop3A_450, %parallel_loop3A_451] : memref<2x64x192xf32, #tpu.memory_space<vmem>> -> memref<1x64x192xf32, #tpu.memory_space<vmem>>
      %parallel_loop3A_453 = tpu.memref_squeeze %parallel_loop3A_452 : memref<1x64x192xf32, #tpu.memory_space<vmem>> -> memref<64x192xf32, #tpu.memory_space<vmem>>
      tpu.vector_store_idx %parallel_loop3A_453[%parallel_loop3A_426, %add3A_223], %parallel_loop3A_449 : memref<64x192xf32, #tpu.memory_space<vmem>>[vector<16xi32>, vector<16xi32>], vector<16xf32>,
      %parallel_loop3A_454 = arith.constant 0 : i32
      %parallel_loop3A_455 = arith.constant 0 : i32
      %parallel_loop3A_456 = tpu.memref_slice %arg6[%parallel_loop3A_294, %parallel_loop3A_454, %parallel_loop3A_455] : memref<4x64x256xf32, #tpu.memory_space<vmem>> -> memref<1x64x256xf32, #tpu.memory_space<vmem>>
      %parallel_loop3A_457 = tpu.memref_squeeze %parallel_loop3A_456 : memref<1x64x256xf32, #tpu.memory_space<vmem>> -> memref<64x256xf32, #tpu.memory_space<vmem>>
      %parallel_loop3A_458 = tpu.vector_load_idx %parallel_loop3A_457[%parallel_loop3A_426, %add3A_182] : memref<64x256xf32, #tpu.memory_space<vmem>>[vector<16xi32>, vector<16xi32>], vector<16xf32>,
      %parallel_loop3A_459 = arith.constant 0 : i32
      %parallel_loop3A_460 = arith.constant 0 : i32
      %parallel_loop3A_461 = tpu.memref_slice %arg7[%parallel_loop3A_295, %parallel_loop3A_459, %parallel_loop3A_460] : memref<2x64x192xf32, #tpu.memory_space<vmem>> -> memref<1x64x192xf32, #tpu.memory_space<vmem>>
      %parallel_loop3A_462 = tpu.memref_squeeze %parallel_loop3A_461 : memref<1x64x192xf32, #tpu.memory_space<vmem>> -> memref<64x192xf32, #tpu.memory_space<vmem>>
      tpu.vector_store_idx %parallel_loop3A_462[%parallel_loop3A_426, %add3A_226], %parallel_loop3A_458 : memref<64x192xf32, #tpu.memory_space<vmem>>[vector<16xi32>, vector<16xi32>], vector<16xf32>,
      %parallel_loop3A_463 = arith.constant 0 : i32
      %parallel_loop3A_464 = arith.constant 0 : i32
      %parallel_loop3A_465 = tpu.memref_slice %arg6[%parallel_loop3A_294, %parallel_loop3A_463, %parallel_loop3A_464] : memref<4x64x256xf32, #tpu.memory_space<vmem>> -> memref<1x64x256xf32, #tpu.memory_space<vmem>>
      %parallel_loop3A_466 = tpu.memref_squeeze %parallel_loop3A_465 : memref<1x64x256xf32, #tpu.memory_space<vmem>> -> memref<64x256xf32, #tpu.memory_space<vmem>>
      %parallel_loop3A_467 = tpu.vector_load_idx %parallel_loop3A_466[%parallel_loop3A_426, %add3A_186] : memref<64x256xf32, #tpu.memory_space<vmem>>[vector<16xi32>, vector<16xi32>], vector<16xf32>,
      %parallel_loop3A_468 = arith.constant 0 : i32
      %parallel_loop3A_469 = arith.constant 0 : i32
      %parallel_loop3A_470 = tpu.memref_slice %arg7[%parallel_loop3A_295, %parallel_loop3A_468, %parallel_loop3A_469] : memref<2x64x192xf32, #tpu.memory_space<vmem>> -> memref<1x64x192xf32, #tpu.memory_space<vmem>>
      %parallel_loop3A_471 = tpu.memref_squeeze %parallel_loop3A_470 : memref<1x64x192xf32, #tpu.memory_space<vmem>> -> memref<64x192xf32, #tpu.memory_space<vmem>>
      tpu.vector_store_idx %parallel_loop3A_471[%parallel_loop3A_426, %add3A_229], %parallel_loop3A_467 : memref<64x192xf32, #tpu.memory_space<vmem>>[vector<16xi32>, vector<16xi32>], vector<16xf32>,
      %parallel_loop3A_472 = arith.constant 0 : i32
      %parallel_loop3A_473 = arith.constant 0 : i32
      %parallel_loop3A_474 = tpu.memref_slice %arg6[%parallel_loop3A_294, %parallel_loop3A_472, %parallel_loop3A_473] : memref<4x64x256xf32, #tpu.memory_space<vmem>> -> memref<1x64x256xf32, #tpu.memory_space<vmem>>
      %parallel_loop3A_475 = tpu.memref_squeeze %parallel_loop3A_474 : memref<1x64x256xf32, #tpu.memory_space<vmem>> -> memref<64x256xf32, #tpu.memory_space<vmem>>
      %parallel_loop3A_476 = tpu.vector_load_idx %parallel_loop3A_475[%parallel_loop3A_426, %add3A_190] : memref<64x256xf32, #tpu.memory_space<vmem>>[vector<16xi32>, vector<16xi32>], vector<16xf32>,
      %parallel_loop3A_477 = arith.constant 0 : i32
      %parallel_loop3A_478 = arith.constant 0 : i32
      %parallel_loop3A_479 = tpu.memref_slice %arg7[%parallel_loop3A_295, %parallel_loop3A_477, %parallel_loop3A_478] : memref<2x64x192xf32, #tpu.memory_space<vmem>> -> memref<1x64x192xf32, #tpu.memory_space<vmem>>
      %parallel_loop3A_480 = tpu.memref_squeeze %parallel_loop3A_479 : memref<1x64x192xf32, #tpu.memory_space<vmem>> -> memref<64x192xf32, #tpu.memory_space<vmem>>
      tpu.vector_store_idx %parallel_loop3A_480[%parallel_loop3A_426, %add3A_232], %parallel_loop3A_476 : memref<64x192xf32, #tpu.memory_space<vmem>>[vector<16xi32>, vector<16xi32>], vector<16xf32>,
      %parallel_loop3A_481 = arith.constant 0 : i32
      %parallel_loop3A_482 = arith.constant 0 : i32
      %parallel_loop3A_483 = tpu.memref_slice %arg6[%parallel_loop3A_294, %parallel_loop3A_481, %parallel_loop3A_482] : memref<4x64x256xf32, #tpu.memory_space<vmem>> -> memref<1x64x256xf32, #tpu.memory_space<vmem>>
      %parallel_loop3A_484 = tpu.memref_squeeze %parallel_loop3A_483 : memref<1x64x256xf32, #tpu.memory_space<vmem>> -> memref<64x256xf32, #tpu.memory_space<vmem>>
      %parallel_loop3A_485 = tpu.vector_load_idx %parallel_loop3A_484[%parallel_loop3A_426, %add3A_194] : memref<64x256xf32, #tpu.memory_space<vmem>>[vector<16xi32>, vector<16xi32>], vector<16xf32>,
      %parallel_loop3A_486 = arith.constant 0 : i32
      %parallel_loop3A_487 = arith.constant 0 : i32
      %parallel_loop3A_488 = tpu.memref_slice %arg7[%parallel_loop3A_295, %parallel_loop3A_486, %parallel_loop3A_487] : memref<2x64x192xf32, #tpu.memory_space<vmem>> -> memref<1x64x192xf32, #tpu.memory_space<vmem>>
      %parallel_loop3A_489 = tpu.memref_squeeze %parallel_loop3A_488 : memref<1x64x192xf32, #tpu.memory_space<vmem>> -> memref<64x192xf32, #tpu.memory_space<vmem>>
      tpu.vector_store_idx %parallel_loop3A_489[%parallel_loop3A_426, %add3A_235], %parallel_loop3A_485 : memref<64x192xf32, #tpu.memory_space<vmem>>[vector<16xi32>, vector<16xi32>], vector<16xf32>,
      %parallel_loop3A_490 = arith.constant 0 : i32
      %parallel_loop3A_491 = arith.constant 0 : i32
      %parallel_loop3A_492 = tpu.memref_slice %arg6[%parallel_loop3A_294, %parallel_loop3A_490, %parallel_loop3A_491] : memref<4x64x256xf32, #tpu.memory_space<vmem>> -> memref<1x64x256xf32, #tpu.memory_space<vmem>>
      %parallel_loop3A_493 = tpu.memref_squeeze %parallel_loop3A_492 : memref<1x64x256xf32, #tpu.memory_space<vmem>> -> memref<64x256xf32, #tpu.memory_space<vmem>>
      %parallel_loop3A_494 = tpu.vector_load_idx %parallel_loop3A_493[%parallel_loop3A_426, %add3A_198] : memref<64x256xf32, #tpu.memory_space<vmem>>[vector<16xi32>, vector<16xi32>], vector<16xf32>,
      %parallel_loop3A_495 = arith.constant 0 : i32
      %parallel_loop3A_496 = arith.constant 0 : i32
      %parallel_loop3A_497 = tpu.memref_slice %arg7[%parallel_loop3A_295, %parallel_loop3A_495, %parallel_loop3A_496] : memref<2x64x192xf32, #tpu.memory_space<vmem>> -> memref<1x64x192xf32, #tpu.memory_space<vmem>>
      %parallel_loop3A_498 = tpu.memref_squeeze %parallel_loop3A_497 : memref<1x64x192xf32, #tpu.memory_space<vmem>> -> memref<64x192xf32, #tpu.memory_space<vmem>>
      tpu.vector_store_idx %parallel_loop3A_498[%parallel_loop3A_426, %add3A_238], %parallel_loop3A_494 : memref<64x192xf32, #tpu.memory_space<vmem>>[vector<16xi32>, vector<16xi32>], vector<16xf32>,
      %parallel_loop3A_499 = arith.constant 0 : i32
      %parallel_loop3A_500 = arith.constant 0 : i32
      %parallel_loop3A_501 = tpu.memref_slice %arg6[%parallel_loop3A_294, %parallel_loop3A_499, %parallel_loop3A_500] : memref<4x64x256xf32, #tpu.memory_space<vmem>> -> memref<1x64x256xf32, #tpu.memory_space<vmem>>
      %parallel_loop3A_502 = tpu.memref_squeeze %parallel_loop3A_501 : memref<1x64x256xf32, #tpu.memory_space<vmem>> -> memref<64x256xf32, #tpu.memory_space<vmem>>
      %parallel_loop3A_503 = tpu.vector_load_idx %parallel_loop3A_502[%parallel_loop3A_426, %add3A_202] : memref<64x256xf32, #tpu.memory_space<vmem>>[vector<16xi32>, vector<16xi32>], vector<16xf32>,
      %parallel_loop3A_504 = arith.constant 0 : i32
      %parallel_loop3A_505 = arith.constant 0 : i32
      %parallel_loop3A_506 = tpu.memref_slice %arg7[%parallel_loop3A_295, %parallel_loop3A_504, %parallel_loop3A_505] : memref<2x64x192xf32, #tpu.memory_space<vmem>> -> memref<1x64x192xf32, #tpu.memory_space<vmem>>
      %parallel_loop3A_507 = tpu.memref_squeeze %parallel_loop3A_506 : memref<1x64x192xf32, #tpu.memory_space<vmem>> -> memref<64x192xf32, #tpu.memory_space<vmem>>
      tpu.vector_store_idx %parallel_loop3A_507[%parallel_loop3A_426, %add3A_241], %parallel_loop3A_503 : memref<64x192xf32, #tpu.memory_space<vmem>>[vector<16xi32>, vector<16xi32>], vector<16xf32>,
      %parallel_loop3A_508 = arith.constant 0 : i32
      %parallel_loop3A_509 = arith.constant 0 : i32
      %parallel_loop3A_510 = tpu.memref_slice %arg6[%parallel_loop3A_294, %parallel_loop3A_508, %parallel_loop3A_509] : memref<4x64x256xf32, #tpu.memory_space<vmem>> -> memref<1x64x256xf32, #tpu.memory_space<vmem>>
      %parallel_loop3A_511 = tpu.memref_squeeze %parallel_loop3A_510 : memref<1x64x256xf32, #tpu.memory_space<vmem>> -> memref<64x256xf32, #tpu.memory_space<vmem>>
      %parallel_loop3A_512 = tpu.vector_load_idx %parallel_loop3A_511[%parallel_loop3A_426, %add3A_206] : memref<64x256xf32, #tpu.memory_space<vmem>>[vector<16xi32>, vector<16xi32>], vector<16xf32>,
      %parallel_loop3A_513 = arith.constant 0 : i32
      %parallel_loop3A_514 = arith.constant 0 : i32
      %parallel_loop3A_515 = tpu.memref_slice %arg7[%parallel_loop3A_295, %parallel_loop3A_513, %parallel_loop3A_514] : memref<2x64x192xf32, #tpu.memory_space<vmem>> -> memref<1x64x192xf32, #tpu.memory_space<vmem>>
      %parallel_loop3A_516 = tpu.memref_squeeze %parallel_loop3A_515 : memref<1x64x192xf32, #tpu.memory_space<vmem>> -> memref<64x192xf32, #tpu.memory_space<vmem>>
      tpu.vector_store_idx %parallel_loop3A_516[%parallel_loop3A_426, %add3A_244], %parallel_loop3A_512 : memref<64x192xf32, #tpu.memory_space<vmem>>[vector<16xi32>, vector<16xi32>], vector<16xf32>,
      %parallel_loop3A_517 = arith.constant 0 : i32
      %parallel_loop3A_518 = arith.constant 0 : i32
      %parallel_loop3A_519 = tpu.memref_slice %arg6[%parallel_loop3A_294, %parallel_loop3A_517, %parallel_loop3A_518] : memref<4x64x256xf32, #tpu.memory_space<vmem>> -> memref<1x64x256xf32, #tpu.memory_space<vmem>>
      %parallel_loop3A_520 = tpu.memref_squeeze %parallel_loop3A_519 : memref<1x64x256xf32, #tpu.memory_space<vmem>> -> memref<64x256xf32, #tpu.memory_space<vmem>>
      %parallel_loop3A_521 = tpu.vector_load_idx %parallel_loop3A_520[%parallel_loop3A_426, %add3A_210] : memref<64x256xf32, #tpu.memory_space<vmem>>[vector<16xi32>, vector<16xi32>], vector<16xf32>,
      %parallel_loop3A_522 = arith.constant 0 : i32
      %parallel_loop3A_523 = arith.constant 0 : i32
      %parallel_loop3A_524 = tpu.memref_slice %arg7[%parallel_loop3A_295, %parallel_loop3A_522, %parallel_loop3A_523] : memref<2x64x192xf32, #tpu.memory_space<vmem>> -> memref<1x64x192xf32, #tpu.memory_space<vmem>>
      %parallel_loop3A_525 = tpu.memref_squeeze %parallel_loop3A_524 : memref<1x64x192xf32, #tpu.memory_space<vmem>> -> memref<64x192xf32, #tpu.memory_space<vmem>>
      tpu.vector_store_idx %parallel_loop3A_525[%parallel_loop3A_426, %add3A_247], %parallel_loop3A_521 : memref<64x192xf32, #tpu.memory_space<vmem>>[vector<16xi32>, vector<16xi32>], vector<16xf32>,
      %parallel_loop3A_526 = arith.constant 0 : i32
      %parallel_loop3A_527 = arith.constant 0 : i32
      %parallel_loop3A_528 = tpu.memref_slice %arg6[%parallel_loop3A_294, %parallel_loop3A_526, %parallel_loop3A_527] : memref<4x64x256xf32, #tpu.memory_space<vmem>> -> memref<1x64x256xf32, #tpu.memory_space<vmem>>
      %parallel_loop3A_529 = tpu.memref_squeeze %parallel_loop3A_528 : memref<1x64x256xf32, #tpu.memory_space<vmem>> -> memref<64x256xf32, #tpu.memory_space<vmem>>
      %parallel_loop3A_530 = tpu.vector_load_idx %parallel_loop3A_529[%parallel_loop3A_426, %add3A_214] : memref<64x256xf32, #tpu.memory_space<vmem>>[vector<16xi32>, vector<16xi32>], vector<16xf32>,
      %parallel_loop3A_531 = arith.constant 0 : i32
      %parallel_loop3A_532 = arith.constant 0 : i32
      %parallel_loop3A_533 = tpu.memref_slice %arg7[%parallel_loop3A_295, %parallel_loop3A_531, %parallel_loop3A_532] : memref<2x64x192xf32, #tpu.memory_space<vmem>> -> memref<1x64x192xf32, #tpu.memory_space<vmem>>
      %parallel_loop3A_534 = tpu.memref_squeeze %parallel_loop3A_533 : memref<1x64x192xf32, #tpu.memory_space<vmem>> -> memref<64x192xf32, #tpu.memory_space<vmem>>
      tpu.vector_store_idx %parallel_loop3A_534[%parallel_loop3A_426, %add3A_250], %parallel_loop3A_530 : memref<64x192xf32, #tpu.memory_space<vmem>>[vector<16xi32>, vector<16xi32>], vector<16xf32>,
    } {sc.loop_unroll_factor = 1 : i64, sc.parallel_access}
    %add3A_296 = arith.constant 64 : i32
    %add3A_297 = arith.addi %mul3A_2, %add3A_296 : i32
    %dma_start3A_298 = arith.constant 1 : i32
    %dma_start3A_299 = arith.constant 0 : i32
    %dma_start3A_300 = arith.constant 0 : i32
    %dma_start3A_301 = tpu.memref_slice %arg7[%dma_start3A_298, %dma_start3A_299, %dma_start3A_300] : memref<2x64x192xf32, #tpu.memory_space<vmem>> -> memref<1x64x192xf32, #tpu.memory_space<vmem>>
    %dma_start3A_302 = tpu.memref_squeeze %dma_start3A_301 : memref<1x64x192xf32, #tpu.memory_space<vmem>> -> memref<64x192xf32, #tpu.memory_space<vmem>>
    %dma_start3A_303 = arith.constant 0 : i32
    %dma_start3A_304 = tpu.memref_slice %arg4[%add3A_297, %dma_start3A_303] : memref<8192x192xf32, #tpu.memory_space<hbm>> -> memref<64x192xf32, #tpu.memory_space<hbm>>
    %dma_start3A_305 = arith.constant 0 : i32
    %dma_start3A_306 = tpu.memref_slice %arg4[%add3A_297, %dma_start3A_305] : memref<8192x192xf32, #tpu.memory_space<hbm>> -> memref<64x192xf32, #tpu.memory_space<hbm>>
    %dma_start3A_307 = arith.constant 0 : i32
    %dma_start3A_308 = arith.constant 0 : i32
    %dma_start3A_309 = tpu.memref_slice %arg7[%dma_start3A_298, %dma_start3A_307, %dma_start3A_308] : memref<2x64x192xf32, #tpu.memory_space<vmem>> -> memref<1x64x192xf32, #tpu.memory_space<vmem>>
    %dma_start3A_310 = tpu.memref_squeeze %dma_start3A_309 : memref<1x64x192xf32, #tpu.memory_space<vmem>> -> memref<64x192xf32, #tpu.memory_space<vmem>>
    tpu.enqueue_dma source(%dma_start3A_310 : memref<64x192xf32, #tpu.memory_space<vmem>>) target(%dma_start3A_306 : memref<64x192xf32, #tpu.memory_space<hbm>>) target_semaphore(%arg9 : memref<!tpu.dma_semaphore, #tpu.memory_space<semaphore_mem>>)
    %dma_wait3A_311 = arith.constant 2 : i32
    %dma_wait3A_312 = arith.constant 0 : i32
    %dma_wait3A_313 = arith.constant 0 : i32
    %dma_wait3A_314 = tpu.memref_slice %arg6[%dma_wait3A_311, %dma_wait3A_312, %dma_wait3A_313] : memref<4x64x256xf32, #tpu.memory_space<vmem>> -> memref<1x64x256xf32, #tpu.memory_space<vmem>>
    %dma_wait3A_315 = tpu.memref_squeeze %dma_wait3A_314 : memref<1x64x256xf32, #tpu.memory_space<vmem>> -> memref<64x256xf32, #tpu.memory_space<vmem>>
    %dma_wait3A_316 = tpu.memref_slice %arg2[%add3A_142, %mul3A_112] : memref<8192x768xf32, #tpu.memory_space<hbm>> -> memref<64x256xf32, #tpu.memory_space<hbm>>
    %dma_wait3A_317 = arith.constant 0 : i32
    %dma_wait3A_318 = arith.constant 0 : i32
    %dma_wait3A_319 = tpu.memref_slice %arg6[%dma_wait3A_311, %dma_wait3A_317, %dma_wait3A_318] : memref<4x64x256xf32, #tpu.memory_space<vmem>> -> memref<1x64x256xf32, #tpu.memory_space<vmem>>
    %dma_wait3A_320 = tpu.memref_squeeze %dma_wait3A_319 : memref<1x64x256xf32, #tpu.memory_space<vmem>> -> memref<64x256xf32, #tpu.memory_space<vmem>>
    %dma_wait3A_321 = tpu.memref_slice %arg2[%add3A_142, %mul3A_112] : memref<8192x768xf32, #tpu.memory_space<hbm>> -> memref<64x256xf32, #tpu.memory_space<hbm>>
    tpu.wait_dma2 semaphore(%arg8 : memref<!tpu.dma_semaphore, #tpu.memory_space<semaphore_mem>>) src(%dma_wait3A_321 : memref<64x256xf32, #tpu.memory_space<hbm>>) dst(%dma_wait3A_320 : memref<64x256xf32, #tpu.memory_space<vmem>>)
    %dma_wait3A_322 = arith.constant 0 : i32
    %dma_wait3A_323 = arith.constant 0 : i32
    %dma_wait3A_324 = arith.constant 0 : i32
    %dma_wait3A_325 = tpu.memref_slice %arg7[%dma_wait3A_322, %dma_wait3A_323, %dma_wait3A_324] : memref<2x64x192xf32, #tpu.memory_space<vmem>> -> memref<1x64x192xf32, #tpu.memory_space<vmem>>
    %dma_wait3A_326 = tpu.memref_squeeze %dma_wait3A_325 : memref<1x64x192xf32, #tpu.memory_space<vmem>> -> memref<64x192xf32, #tpu.memory_space<vmem>>
    %dma_wait3A_327 = arith.constant 0 : i32
    %dma_wait3A_328 = tpu.memref_slice %arg4[%add3A_266, %dma_wait3A_327] : memref<8192x192xf32, #tpu.memory_space<hbm>> -> memref<64x192xf32, #tpu.memory_space<hbm>>
    %dma_wait3A_329 = arith.constant 0 : i32
    %dma_wait3A_330 = tpu.memref_slice %arg4[%add3A_266, %dma_wait3A_329] : memref<8192x192xf32, #tpu.memory_space<hbm>> -> memref<64x192xf32, #tpu.memory_space<hbm>>
    %dma_wait3A_331 = arith.constant 0 : i32
    %dma_wait3A_332 = arith.constant 0 : i32
    %dma_wait3A_333 = tpu.memref_slice %arg7[%dma_wait3A_322, %dma_wait3A_331, %dma_wait3A_332] : memref<2x64x192xf32, #tpu.memory_space<vmem>> -> memref<1x64x192xf32, #tpu.memory_space<vmem>>
    %dma_wait3A_334 = tpu.memref_squeeze %dma_wait3A_333 : memref<1x64x192xf32, #tpu.memory_space<vmem>> -> memref<64x192xf32, #tpu.memory_space<vmem>>
    tpu.wait_dma2 semaphore(%arg9 : memref<!tpu.dma_semaphore, #tpu.memory_space<semaphore_mem>>) src(%dma_wait3A_334 : memref<64x192xf32, #tpu.memory_space<vmem>>) dst(%dma_wait3A_330 : memref<64x192xf32, #tpu.memory_space<hbm>>)
    %parallel_loop3A_335 = arith.constant 0 : i32
    %parallel_loop3A_336 = arith.constant 64 : i32
    %parallel_loop3A_337 = arith.constant 1 : i32
    %parallel_loop3A_338 = arith.constant 2 : i32
    %parallel_loop3A_339 = arith.constant 0 : i32
    scf.for %parallel_loop3A_425 = %parallel_loop3A_335 to %parallel_loop3A_336 step %parallel_loop3A_337  : i32 {
      %parallel_loop3A_426 = vector.broadcast %parallel_loop3A_425 : i32 to vector<16xi32>
      %parallel_loop3A_427 = arith.constant 0 : i32
      %parallel_loop3A_428 = arith.constant 0 : i32
      %parallel_loop3A_429 = tpu.memref_slice %arg6[%parallel_loop3A_338, %parallel_loop3A_427, %parallel_loop3A_428] : memref<4x64x256xf32, #tpu.memory_space<vmem>> -> memref<1x64x256xf32, #tpu.memory_space<vmem>>
      %parallel_loop3A_430 = tpu.memref_squeeze %parallel_loop3A_429 : memref<1x64x256xf32, #tpu.memory_space<vmem>> -> memref<64x256xf32, #tpu.memory_space<vmem>>
      %parallel_loop3A_431 = tpu.vector_load_idx %parallel_loop3A_430[%parallel_loop3A_426, %add3A_170] : memref<64x256xf32, #tpu.memory_space<vmem>>[vector<16xi32>, vector<16xi32>], vector<16xf32>,
      %parallel_loop3A_432 = arith.constant 0 : i32
      %parallel_loop3A_433 = arith.constant 0 : i32
      %parallel_loop3A_434 = tpu.memref_slice %arg7[%parallel_loop3A_339, %parallel_loop3A_432, %parallel_loop3A_433] : memref<2x64x192xf32, #tpu.memory_space<vmem>> -> memref<1x64x192xf32, #tpu.memory_space<vmem>>
      %parallel_loop3A_435 = tpu.memref_squeeze %parallel_loop3A_434 : memref<1x64x192xf32, #tpu.memory_space<vmem>> -> memref<64x192xf32, #tpu.memory_space<vmem>>
      tpu.vector_store_idx %parallel_loop3A_435[%parallel_loop3A_426, %add3A_217], %parallel_loop3A_431 : memref<64x192xf32, #tpu.memory_space<vmem>>[vector<16xi32>, vector<16xi32>], vector<16xf32>,
      %parallel_loop3A_436 = arith.constant 0 : i32
      %parallel_loop3A_437 = arith.constant 0 : i32
      %parallel_loop3A_438 = tpu.memref_slice %arg6[%parallel_loop3A_338, %parallel_loop3A_436, %parallel_loop3A_437] : memref<4x64x256xf32, #tpu.memory_space<vmem>> -> memref<1x64x256xf32, #tpu.memory_space<vmem>>
      %parallel_loop3A_439 = tpu.memref_squeeze %parallel_loop3A_438 : memref<1x64x256xf32, #tpu.memory_space<vmem>> -> memref<64x256xf32, #tpu.memory_space<vmem>>
      %parallel_loop3A_440 = tpu.vector_load_idx %parallel_loop3A_439[%parallel_loop3A_426, %add3A_174] : memref<64x256xf32, #tpu.memory_space<vmem>>[vector<16xi32>, vector<16xi32>], vector<16xf32>,
      %parallel_loop3A_441 = arith.constant 0 : i32
      %parallel_loop3A_442 = arith.constant 0 : i32
      %parallel_loop3A_443 = tpu.memref_slice %arg7[%parallel_loop3A_339, %parallel_loop3A_441, %parallel_loop3A_442] : memref<2x64x192xf32, #tpu.memory_space<vmem>> -> memref<1x64x192xf32, #tpu.memory_space<vmem>>
      %parallel_loop3A_444 = tpu.memref_squeeze %parallel_loop3A_443 : memref<1x64x192xf32, #tpu.memory_space<vmem>> -> memref<64x192xf32, #tpu.memory_space<vmem>>
      tpu.vector_store_idx %parallel_loop3A_444[%parallel_loop3A_426, %add3A_220], %parallel_loop3A_440 : memref<64x192xf32, #tpu.memory_space<vmem>>[vector<16xi32>, vector<16xi32>], vector<16xf32>,
      %parallel_loop3A_445 = arith.constant 0 : i32
      %parallel_loop3A_446 = arith.constant 0 : i32
      %parallel_loop3A_447 = tpu.memref_slice %arg6[%parallel_loop3A_338, %parallel_loop3A_445, %parallel_loop3A_446] : memref<4x64x256xf32, #tpu.memory_space<vmem>> -> memref<1x64x256xf32, #tpu.memory_space<vmem>>
      %parallel_loop3A_448 = tpu.memref_squeeze %parallel_loop3A_447 : memref<1x64x256xf32, #tpu.memory_space<vmem>> -> memref<64x256xf32, #tpu.memory_space<vmem>>
      %parallel_loop3A_449 = tpu.vector_load_idx %parallel_loop3A_448[%parallel_loop3A_426, %add3A_178] : memref<64x256xf32, #tpu.memory_space<vmem>>[vector<16xi32>, vector<16xi32>], vector<16xf32>,
      %parallel_loop3A_450 = arith.constant 0 : i32
      %parallel_loop3A_451 = arith.constant 0 : i32
      %parallel_loop3A_452 = tpu.memref_slice %arg7[%parallel_loop3A_339, %parallel_loop3A_450, %parallel_loop3A_451] : memref<2x64x192xf32, #tpu.memory_space<vmem>> -> memref<1x64x192xf32, #tpu.memory_space<vmem>>
      %parallel_loop3A_453 = tpu.memref_squeeze %parallel_loop3A_452 : memref<1x64x192xf32, #tpu.memory_space<vmem>> -> memref<64x192xf32, #tpu.memory_space<vmem>>
      tpu.vector_store_idx %parallel_loop3A_453[%parallel_loop3A_426, %add3A_223], %parallel_loop3A_449 : memref<64x192xf32, #tpu.memory_space<vmem>>[vector<16xi32>, vector<16xi32>], vector<16xf32>,
      %parallel_loop3A_454 = arith.constant 0 : i32
      %parallel_loop3A_455 = arith.constant 0 : i32
      %parallel_loop3A_456 = tpu.memref_slice %arg6[%parallel_loop3A_338, %parallel_loop3A_454, %parallel_loop3A_455] : memref<4x64x256xf32, #tpu.memory_space<vmem>> -> memref<1x64x256xf32, #tpu.memory_space<vmem>>
      %parallel_loop3A_457 = tpu.memref_squeeze %parallel_loop3A_456 : memref<1x64x256xf32, #tpu.memory_space<vmem>> -> memref<64x256xf32, #tpu.memory_space<vmem>>
      %parallel_loop3A_458 = tpu.vector_load_idx %parallel_loop3A_457[%parallel_loop3A_426, %add3A_182] : memref<64x256xf32, #tpu.memory_space<vmem>>[vector<16xi32>, vector<16xi32>], vector<16xf32>,
      %parallel_loop3A_459 = arith.constant 0 : i32
      %parallel_loop3A_460 = arith.constant 0 : i32
      %parallel_loop3A_461 = tpu.memref_slice %arg7[%parallel_loop3A_339, %parallel_loop3A_459, %parallel_loop3A_460] : memref<2x64x192xf32, #tpu.memory_space<vmem>> -> memref<1x64x192xf32, #tpu.memory_space<vmem>>
      %parallel_loop3A_462 = tpu.memref_squeeze %parallel_loop3A_461 : memref<1x64x192xf32, #tpu.memory_space<vmem>> -> memref<64x192xf32, #tpu.memory_space<vmem>>
      tpu.vector_store_idx %parallel_loop3A_462[%parallel_loop3A_426, %add3A_226], %parallel_loop3A_458 : memref<64x192xf32, #tpu.memory_space<vmem>>[vector<16xi32>, vector<16xi32>], vector<16xf32>,
      %parallel_loop3A_463 = arith.constant 0 : i32
      %parallel_loop3A_464 = arith.constant 0 : i32
      %parallel_loop3A_465 = tpu.memref_slice %arg6[%parallel_loop3A_338, %parallel_loop3A_463, %parallel_loop3A_464] : memref<4x64x256xf32, #tpu.memory_space<vmem>> -> memref<1x64x256xf32, #tpu.memory_space<vmem>>
      %parallel_loop3A_466 = tpu.memref_squeeze %parallel_loop3A_465 : memref<1x64x256xf32, #tpu.memory_space<vmem>> -> memref<64x256xf32, #tpu.memory_space<vmem>>
      %parallel_loop3A_467 = tpu.vector_load_idx %parallel_loop3A_466[%parallel_loop3A_426, %add3A_186] : memref<64x256xf32, #tpu.memory_space<vmem>>[vector<16xi32>, vector<16xi32>], vector<16xf32>,
      %parallel_loop3A_468 = arith.constant 0 : i32
      %parallel_loop3A_469 = arith.constant 0 : i32
      %parallel_loop3A_470 = tpu.memref_slice %arg7[%parallel_loop3A_339, %parallel_loop3A_468, %parallel_loop3A_469] : memref<2x64x192xf32, #tpu.memory_space<vmem>> -> memref<1x64x192xf32, #tpu.memory_space<vmem>>
      %parallel_loop3A_471 = tpu.memref_squeeze %parallel_loop3A_470 : memref<1x64x192xf32, #tpu.memory_space<vmem>> -> memref<64x192xf32, #tpu.memory_space<vmem>>
      tpu.vector_store_idx %parallel_loop3A_471[%parallel_loop3A_426, %add3A_229], %parallel_loop3A_467 : memref<64x192xf32, #tpu.memory_space<vmem>>[vector<16xi32>, vector<16xi32>], vector<16xf32>,
      %parallel_loop3A_472 = arith.constant 0 : i32
      %parallel_loop3A_473 = arith.constant 0 : i32
      %parallel_loop3A_474 = tpu.memref_slice %arg6[%parallel_loop3A_338, %parallel_loop3A_472, %parallel_loop3A_473] : memref<4x64x256xf32, #tpu.memory_space<vmem>> -> memref<1x64x256xf32, #tpu.memory_space<vmem>>
      %parallel_loop3A_475 = tpu.memref_squeeze %parallel_loop3A_474 : memref<1x64x256xf32, #tpu.memory_space<vmem>> -> memref<64x256xf32, #tpu.memory_space<vmem>>
      %parallel_loop3A_476 = tpu.vector_load_idx %parallel_loop3A_475[%parallel_loop3A_426, %add3A_190] : memref<64x256xf32, #tpu.memory_space<vmem>>[vector<16xi32>, vector<16xi32>], vector<16xf32>,
      %parallel_loop3A_477 = arith.constant 0 : i32
      %parallel_loop3A_478 = arith.constant 0 : i32
      %parallel_loop3A_479 = tpu.memref_slice %arg7[%parallel_loop3A_339, %parallel_loop3A_477, %parallel_loop3A_478] : memref<2x64x192xf32, #tpu.memory_space<vmem>> -> memref<1x64x192xf32, #tpu.memory_space<vmem>>
      %parallel_loop3A_480 = tpu.memref_squeeze %parallel_loop3A_479 : memref<1x64x192xf32, #tpu.memory_space<vmem>> -> memref<64x192xf32, #tpu.memory_space<vmem>>
      tpu.vector_store_idx %parallel_loop3A_480[%parallel_loop3A_426, %add3A_232], %parallel_loop3A_476 : memref<64x192xf32, #tpu.memory_space<vmem>>[vector<16xi32>, vector<16xi32>], vector<16xf32>,
      %parallel_loop3A_481 = arith.constant 0 : i32
      %parallel_loop3A_482 = arith.constant 0 : i32
      %parallel_loop3A_483 = tpu.memref_slice %arg6[%parallel_loop3A_338, %parallel_loop3A_481, %parallel_loop3A_482] : memref<4x64x256xf32, #tpu.memory_space<vmem>> -> memref<1x64x256xf32, #tpu.memory_space<vmem>>
      %parallel_loop3A_484 = tpu.memref_squeeze %parallel_loop3A_483 : memref<1x64x256xf32, #tpu.memory_space<vmem>> -> memref<64x256xf32, #tpu.memory_space<vmem>>
      %parallel_loop3A_485 = tpu.vector_load_idx %parallel_loop3A_484[%parallel_loop3A_426, %add3A_194] : memref<64x256xf32, #tpu.memory_space<vmem>>[vector<16xi32>, vector<16xi32>], vector<16xf32>,
      %parallel_loop3A_486 = arith.constant 0 : i32
      %parallel_loop3A_487 = arith.constant 0 : i32
      %parallel_loop3A_488 = tpu.memref_slice %arg7[%parallel_loop3A_339, %parallel_loop3A_486, %parallel_loop3A_487] : memref<2x64x192xf32, #tpu.memory_space<vmem>> -> memref<1x64x192xf32, #tpu.memory_space<vmem>>
      %parallel_loop3A_489 = tpu.memref_squeeze %parallel_loop3A_488 : memref<1x64x192xf32, #tpu.memory_space<vmem>> -> memref<64x192xf32, #tpu.memory_space<vmem>>
      tpu.vector_store_idx %parallel_loop3A_489[%parallel_loop3A_426, %add3A_235], %parallel_loop3A_485 : memref<64x192xf32, #tpu.memory_space<vmem>>[vector<16xi32>, vector<16xi32>], vector<16xf32>,
      %parallel_loop3A_490 = arith.constant 0 : i32
      %parallel_loop3A_491 = arith.constant 0 : i32
      %parallel_loop3A_492 = tpu.memref_slice %arg6[%parallel_loop3A_338, %parallel_loop3A_490, %parallel_loop3A_491] : memref<4x64x256xf32, #tpu.memory_space<vmem>> -> memref<1x64x256xf32, #tpu.memory_space<vmem>>
      %parallel_loop3A_493 = tpu.memref_squeeze %parallel_loop3A_492 : memref<1x64x256xf32, #tpu.memory_space<vmem>> -> memref<64x256xf32, #tpu.memory_space<vmem>>
      %parallel_loop3A_494 = tpu.vector_load_idx %parallel_loop3A_493[%parallel_loop3A_426, %add3A_198] : memref<64x256xf32, #tpu.memory_space<vmem>>[vector<16xi32>, vector<16xi32>], vector<16xf32>,
      %parallel_loop3A_495 = arith.constant 0 : i32
      %parallel_loop3A_496 = arith.constant 0 : i32
      %parallel_loop3A_497 = tpu.memref_slice %arg7[%parallel_loop3A_339, %parallel_loop3A_495, %parallel_loop3A_496] : memref<2x64x192xf32, #tpu.memory_space<vmem>> -> memref<1x64x192xf32, #tpu.memory_space<vmem>>
      %parallel_loop3A_498 = tpu.memref_squeeze %parallel_loop3A_497 : memref<1x64x192xf32, #tpu.memory_space<vmem>> -> memref<64x192xf32, #tpu.memory_space<vmem>>
      tpu.vector_store_idx %parallel_loop3A_498[%parallel_loop3A_426, %add3A_238], %parallel_loop3A_494 : memref<64x192xf32, #tpu.memory_space<vmem>>[vector<16xi32>, vector<16xi32>], vector<16xf32>,
      %parallel_loop3A_499 = arith.constant 0 : i32
      %parallel_loop3A_500 = arith.constant 0 : i32
      %parallel_loop3A_501 = tpu.memref_slice %arg6[%parallel_loop3A_338, %parallel_loop3A_499, %parallel_loop3A_500] : memref<4x64x256xf32, #tpu.memory_space<vmem>> -> memref<1x64x256xf32, #tpu.memory_space<vmem>>
      %parallel_loop3A_502 = tpu.memref_squeeze %parallel_loop3A_501 : memref<1x64x256xf32, #tpu.memory_space<vmem>> -> memref<64x256xf32, #tpu.memory_space<vmem>>
      %parallel_loop3A_503 = tpu.vector_load_idx %parallel_loop3A_502[%parallel_loop3A_426, %add3A_202] : memref<64x256xf32, #tpu.memory_space<vmem>>[vector<16xi32>, vector<16xi32>], vector<16xf32>,
      %parallel_loop3A_504 = arith.constant 0 : i32
      %parallel_loop3A_505 = arith.constant 0 : i32
      %parallel_loop3A_506 = tpu.memref_slice %arg7[%parallel_loop3A_339, %parallel_loop3A_504, %parallel_loop3A_505] : memref<2x64x192xf32, #tpu.memory_space<vmem>> -> memref<1x64x192xf32, #tpu.memory_space<vmem>>
      %parallel_loop3A_507 = tpu.memref_squeeze %parallel_loop3A_506 : memref<1x64x192xf32, #tpu.memory_space<vmem>> -> memref<64x192xf32, #tpu.memory_space<vmem>>
      tpu.vector_store_idx %parallel_loop3A_507[%parallel_loop3A_426, %add3A_241], %parallel_loop3A_503 : memref<64x192xf32, #tpu.memory_space<vmem>>[vector<16xi32>, vector<16xi32>], vector<16xf32>,
      %parallel_loop3A_508 = arith.constant 0 : i32
      %parallel_loop3A_509 = arith.constant 0 : i32
      %parallel_loop3A_510 = tpu.memref_slice %arg6[%parallel_loop3A_338, %parallel_loop3A_508, %parallel_loop3A_509] : memref<4x64x256xf32, #tpu.memory_space<vmem>> -> memref<1x64x256xf32, #tpu.memory_space<vmem>>
      %parallel_loop3A_511 = tpu.memref_squeeze %parallel_loop3A_510 : memref<1x64x256xf32, #tpu.memory_space<vmem>> -> memref<64x256xf32, #tpu.memory_space<vmem>>
      %parallel_loop3A_512 = tpu.vector_load_idx %parallel_loop3A_511[%parallel_loop3A_426, %add3A_206] : memref<64x256xf32, #tpu.memory_space<vmem>>[vector<16xi32>, vector<16xi32>], vector<16xf32>,
      %parallel_loop3A_513 = arith.constant 0 : i32
      %parallel_loop3A_514 = arith.constant 0 : i32
      %parallel_loop3A_515 = tpu.memref_slice %arg7[%parallel_loop3A_339, %parallel_loop3A_513, %parallel_loop3A_514] : memref<2x64x192xf32, #tpu.memory_space<vmem>> -> memref<1x64x192xf32, #tpu.memory_space<vmem>>
      %parallel_loop3A_516 = tpu.memref_squeeze %parallel_loop3A_515 : memref<1x64x192xf32, #tpu.memory_space<vmem>> -> memref<64x192xf32, #tpu.memory_space<vmem>>
      tpu.vector_store_idx %parallel_loop3A_516[%parallel_loop3A_426, %add3A_244], %parallel_loop3A_512 : memref<64x192xf32, #tpu.memory_space<vmem>>[vector<16xi32>, vector<16xi32>], vector<16xf32>,
      %parallel_loop3A_517 = arith.constant 0 : i32
      %parallel_loop3A_518 = arith.constant 0 : i32
      %parallel_loop3A_519 = tpu.memref_slice %arg6[%parallel_loop3A_338, %parallel_loop3A_517, %parallel_loop3A_518] : memref<4x64x256xf32, #tpu.memory_space<vmem>> -> memref<1x64x256xf32, #tpu.memory_space<vmem>>
      %parallel_loop3A_520 = tpu.memref_squeeze %parallel_loop3A_519 : memref<1x64x256xf32, #tpu.memory_space<vmem>> -> memref<64x256xf32, #tpu.memory_space<vmem>>
      %parallel_loop3A_521 = tpu.vector_load_idx %parallel_loop3A_520[%parallel_loop3A_426, %add3A_210] : memref<64x256xf32, #tpu.memory_space<vmem>>[vector<16xi32>, vector<16xi32>], vector<16xf32>,
      %parallel_loop3A_522 = arith.constant 0 : i32
      %parallel_loop3A_523 = arith.constant 0 : i32
      %parallel_loop3A_524 = tpu.memref_slice %arg7[%parallel_loop3A_339, %parallel_loop3A_522, %parallel_loop3A_523] : memref<2x64x192xf32, #tpu.memory_space<vmem>> -> memref<1x64x192xf32, #tpu.memory_space<vmem>>
      %parallel_loop3A_525 = tpu.memref_squeeze %parallel_loop3A_524 : memref<1x64x192xf32, #tpu.memory_space<vmem>> -> memref<64x192xf32, #tpu.memory_space<vmem>>
      tpu.vector_store_idx %parallel_loop3A_525[%parallel_loop3A_426, %add3A_247], %parallel_loop3A_521 : memref<64x192xf32, #tpu.memory_space<vmem>>[vector<16xi32>, vector<16xi32>], vector<16xf32>,
      %parallel_loop3A_526 = arith.constant 0 : i32
      %parallel_loop3A_527 = arith.constant 0 : i32
      %parallel_loop3A_528 = tpu.memref_slice %arg6[%parallel_loop3A_338, %parallel_loop3A_526, %parallel_loop3A_527] : memref<4x64x256xf32, #tpu.memory_space<vmem>> -> memref<1x64x256xf32, #tpu.memory_space<vmem>>
      %parallel_loop3A_529 = tpu.memref_squeeze %parallel_loop3A_528 : memref<1x64x256xf32, #tpu.memory_space<vmem>> -> memref<64x256xf32, #tpu.memory_space<vmem>>
      %parallel_loop3A_530 = tpu.vector_load_idx %parallel_loop3A_529[%parallel_loop3A_426, %add3A_214] : memref<64x256xf32, #tpu.memory_space<vmem>>[vector<16xi32>, vector<16xi32>], vector<16xf32>,
      %parallel_loop3A_531 = arith.constant 0 : i32
      %parallel_loop3A_532 = arith.constant 0 : i32
      %parallel_loop3A_533 = tpu.memref_slice %arg7[%parallel_loop3A_339, %parallel_loop3A_531, %parallel_loop3A_532] : memref<2x64x192xf32, #tpu.memory_space<vmem>> -> memref<1x64x192xf32, #tpu.memory_space<vmem>>
      %parallel_loop3A_534 = tpu.memref_squeeze %parallel_loop3A_533 : memref<1x64x192xf32, #tpu.memory_space<vmem>> -> memref<64x192xf32, #tpu.memory_space<vmem>>
      tpu.vector_store_idx %parallel_loop3A_534[%parallel_loop3A_426, %add3A_250], %parallel_loop3A_530 : memref<64x192xf32, #tpu.memory_space<vmem>>[vector<16xi32>, vector<16xi32>], vector<16xf32>,
    } {sc.loop_unroll_factor = 1 : i64, sc.parallel_access}
    %add3A_340 = arith.constant 128 : i32
    %add3A_341 = arith.addi %mul3A_2, %add3A_340 : i32
    %dma_start3A_342 = arith.constant 0 : i32
    %dma_start3A_343 = arith.constant 0 : i32
    %dma_start3A_344 = arith.constant 0 : i32
    %dma_start3A_345 = tpu.memref_slice %arg7[%dma_start3A_342, %dma_start3A_343, %dma_start3A_344] : memref<2x64x192xf32, #tpu.memory_space<vmem>> -> memref<1x64x192xf32, #tpu.memory_space<vmem>>
    %dma_start3A_346 = tpu.memref_squeeze %dma_start3A_345 : memref<1x64x192xf32, #tpu.memory_space<vmem>> -> memref<64x192xf32, #tpu.memory_space<vmem>>
    %dma_start3A_347 = arith.constant 0 : i32
    %dma_start3A_348 = tpu.memref_slice %arg4[%add3A_341, %dma_start3A_347] : memref<8192x192xf32, #tpu.memory_space<hbm>> -> memref<64x192xf32, #tpu.memory_space<hbm>>
    %dma_start3A_349 = arith.constant 0 : i32
    %dma_start3A_350 = tpu.memref_slice %arg4[%add3A_341, %dma_start3A_349] : memref<8192x192xf32, #tpu.memory_space<hbm>> -> memref<64x192xf32, #tpu.memory_space<hbm>>
    %dma_start3A_351 = arith.constant 0 : i32
    %dma_start3A_352 = arith.constant 0 : i32
    %dma_start3A_353 = tpu.memref_slice %arg7[%dma_start3A_342, %dma_start3A_351, %dma_start3A_352] : memref<2x64x192xf32, #tpu.memory_space<vmem>> -> memref<1x64x192xf32, #tpu.memory_space<vmem>>
    %dma_start3A_354 = tpu.memref_squeeze %dma_start3A_353 : memref<1x64x192xf32, #tpu.memory_space<vmem>> -> memref<64x192xf32, #tpu.memory_space<vmem>>
    tpu.enqueue_dma source(%dma_start3A_354 : memref<64x192xf32, #tpu.memory_space<vmem>>) target(%dma_start3A_350 : memref<64x192xf32, #tpu.memory_space<hbm>>) target_semaphore(%arg9 : memref<!tpu.dma_semaphore, #tpu.memory_space<semaphore_mem>>)
    %dma_wait3A_355 = arith.constant 3 : i32
    %dma_wait3A_356 = arith.constant 0 : i32
    %dma_wait3A_357 = arith.constant 0 : i32
    %dma_wait3A_358 = tpu.memref_slice %arg6[%dma_wait3A_355, %dma_wait3A_356, %dma_wait3A_357] : memref<4x64x256xf32, #tpu.memory_space<vmem>> -> memref<1x64x256xf32, #tpu.memory_space<vmem>>
    %dma_wait3A_359 = tpu.memref_squeeze %dma_wait3A_358 : memref<1x64x256xf32, #tpu.memory_space<vmem>> -> memref<64x256xf32, #tpu.memory_space<vmem>>
    %dma_wait3A_360 = tpu.memref_slice %arg2[%add3A_155, %mul3A_112] : memref<8192x768xf32, #tpu.memory_space<hbm>> -> memref<64x256xf32, #tpu.memory_space<hbm>>
    %dma_wait3A_361 = arith.constant 0 : i32
    %dma_wait3A_362 = arith.constant 0 : i32
    %dma_wait3A_363 = tpu.memref_slice %arg6[%dma_wait3A_355, %dma_wait3A_361, %dma_wait3A_362] : memref<4x64x256xf32, #tpu.memory_space<vmem>> -> memref<1x64x256xf32, #tpu.memory_space<vmem>>
    %dma_wait3A_364 = tpu.memref_squeeze %dma_wait3A_363 : memref<1x64x256xf32, #tpu.memory_space<vmem>> -> memref<64x256xf32, #tpu.memory_space<vmem>>
    %dma_wait3A_365 = tpu.memref_slice %arg2[%add3A_155, %mul3A_112] : memref<8192x768xf32, #tpu.memory_space<hbm>> -> memref<64x256xf32, #tpu.memory_space<hbm>>
    tpu.wait_dma2 semaphore(%arg8 : memref<!tpu.dma_semaphore, #tpu.memory_space<semaphore_mem>>) src(%dma_wait3A_365 : memref<64x256xf32, #tpu.memory_space<hbm>>) dst(%dma_wait3A_364 : memref<64x256xf32, #tpu.memory_space<vmem>>)
    %dma_wait3A_366 = arith.constant 1 : i32
    %dma_wait3A_367 = arith.constant 0 : i32
    %dma_wait3A_368 = arith.constant 0 : i32
    %dma_wait3A_369 = tpu.memref_slice %arg7[%dma_wait3A_366, %dma_wait3A_367, %dma_wait3A_368] : memref<2x64x192xf32, #tpu.memory_space<vmem>> -> memref<1x64x192xf32, #tpu.memory_space<vmem>>
    %dma_wait3A_370 = tpu.memref_squeeze %dma_wait3A_369 : memref<1x64x192xf32, #tpu.memory_space<vmem>> -> memref<64x192xf32, #tpu.memory_space<vmem>>
    %dma_wait3A_371 = arith.constant 0 : i32
    %dma_wait3A_372 = tpu.memref_slice %arg4[%add3A_297, %dma_wait3A_371] : memref<8192x192xf32, #tpu.memory_space<hbm>> -> memref<64x192xf32, #tpu.memory_space<hbm>>
    %dma_wait3A_373 = arith.constant 0 : i32
    %dma_wait3A_374 = tpu.memref_slice %arg4[%add3A_297, %dma_wait3A_373] : memref<8192x192xf32, #tpu.memory_space<hbm>> -> memref<64x192xf32, #tpu.memory_space<hbm>>
    %dma_wait3A_375 = arith.constant 0 : i32
    %dma_wait3A_376 = arith.constant 0 : i32
    %dma_wait3A_377 = tpu.memref_slice %arg7[%dma_wait3A_366, %dma_wait3A_375, %dma_wait3A_376] : memref<2x64x192xf32, #tpu.memory_space<vmem>> -> memref<1x64x192xf32, #tpu.memory_space<vmem>>
    %dma_wait3A_378 = tpu.memref_squeeze %dma_wait3A_377 : memref<1x64x192xf32, #tpu.memory_space<vmem>> -> memref<64x192xf32, #tpu.memory_space<vmem>>
    tpu.wait_dma2 semaphore(%arg9 : memref<!tpu.dma_semaphore, #tpu.memory_space<semaphore_mem>>) src(%dma_wait3A_378 : memref<64x192xf32, #tpu.memory_space<vmem>>) dst(%dma_wait3A_374 : memref<64x192xf32, #tpu.memory_space<hbm>>)
    %parallel_loop3A_379 = arith.constant 0 : i32
    %parallel_loop3A_380 = arith.constant 64 : i32
    %parallel_loop3A_381 = arith.constant 1 : i32
    %parallel_loop3A_382 = arith.constant 3 : i32
    %parallel_loop3A_383 = arith.constant 1 : i32
    scf.for %parallel_loop3A_425 = %parallel_loop3A_379 to %parallel_loop3A_380 step %parallel_loop3A_381  : i32 {
      %parallel_loop3A_426 = vector.broadcast %parallel_loop3A_425 : i32 to vector<16xi32>
      %parallel_loop3A_427 = arith.constant 0 : i32
      %parallel_loop3A_428 = arith.constant 0 : i32
      %parallel_loop3A_429 = tpu.memref_slice %arg6[%parallel_loop3A_382, %parallel_loop3A_427, %parallel_loop3A_428] : memref<4x64x256xf32, #tpu.memory_space<vmem>> -> memref<1x64x256xf32, #tpu.memory_space<vmem>>
      %parallel_loop3A_430 = tpu.memref_squeeze %parallel_loop3A_429 : memref<1x64x256xf32, #tpu.memory_space<vmem>> -> memref<64x256xf32, #tpu.memory_space<vmem>>
      %parallel_loop3A_431 = tpu.vector_load_idx %parallel_loop3A_430[%parallel_loop3A_426, %add3A_170] : memref<64x256xf32, #tpu.memory_space<vmem>>[vector<16xi32>, vector<16xi32>], vector<16xf32>,
      %parallel_loop3A_432 = arith.constant 0 : i32
      %parallel_loop3A_433 = arith.constant 0 : i32
      %parallel_loop3A_434 = tpu.memref_slice %arg7[%parallel_loop3A_383, %parallel_loop3A_432, %parallel_loop3A_433] : memref<2x64x192xf32, #tpu.memory_space<vmem>> -> memref<1x64x192xf32, #tpu.memory_space<vmem>>
      %parallel_loop3A_435 = tpu.memref_squeeze %parallel_loop3A_434 : memref<1x64x192xf32, #tpu.memory_space<vmem>> -> memref<64x192xf32, #tpu.memory_space<vmem>>
      tpu.vector_store_idx %parallel_loop3A_435[%parallel_loop3A_426, %add3A_217], %parallel_loop3A_431 : memref<64x192xf32, #tpu.memory_space<vmem>>[vector<16xi32>, vector<16xi32>], vector<16xf32>,
      %parallel_loop3A_436 = arith.constant 0 : i32
      %parallel_loop3A_437 = arith.constant 0 : i32
      %parallel_loop3A_438 = tpu.memref_slice %arg6[%parallel_loop3A_382, %parallel_loop3A_436, %parallel_loop3A_437] : memref<4x64x256xf32, #tpu.memory_space<vmem>> -> memref<1x64x256xf32, #tpu.memory_space<vmem>>
      %parallel_loop3A_439 = tpu.memref_squeeze %parallel_loop3A_438 : memref<1x64x256xf32, #tpu.memory_space<vmem>> -> memref<64x256xf32, #tpu.memory_space<vmem>>
      %parallel_loop3A_440 = tpu.vector_load_idx %parallel_loop3A_439[%parallel_loop3A_426, %add3A_174] : memref<64x256xf32, #tpu.memory_space<vmem>>[vector<16xi32>, vector<16xi32>], vector<16xf32>,
      %parallel_loop3A_441 = arith.constant 0 : i32
      %parallel_loop3A_442 = arith.constant 0 : i32
      %parallel_loop3A_443 = tpu.memref_slice %arg7[%parallel_loop3A_383, %parallel_loop3A_441, %parallel_loop3A_442] : memref<2x64x192xf32, #tpu.memory_space<vmem>> -> memref<1x64x192xf32, #tpu.memory_space<vmem>>
      %parallel_loop3A_444 = tpu.memref_squeeze %parallel_loop3A_443 : memref<1x64x192xf32, #tpu.memory_space<vmem>> -> memref<64x192xf32, #tpu.memory_space<vmem>>
      tpu.vector_store_idx %parallel_loop3A_444[%parallel_loop3A_426, %add3A_220], %parallel_loop3A_440 : memref<64x192xf32, #tpu.memory_space<vmem>>[vector<16xi32>, vector<16xi32>], vector<16xf32>,
      %parallel_loop3A_445 = arith.constant 0 : i32
      %parallel_loop3A_446 = arith.constant 0 : i32
      %parallel_loop3A_447 = tpu.memref_slice %arg6[%parallel_loop3A_382, %parallel_loop3A_445, %parallel_loop3A_446] : memref<4x64x256xf32, #tpu.memory_space<vmem>> -> memref<1x64x256xf32, #tpu.memory_space<vmem>>
      %parallel_loop3A_448 = tpu.memref_squeeze %parallel_loop3A_447 : memref<1x64x256xf32, #tpu.memory_space<vmem>> -> memref<64x256xf32, #tpu.memory_space<vmem>>
      %parallel_loop3A_449 = tpu.vector_load_idx %parallel_loop3A_448[%parallel_loop3A_426, %add3A_178] : memref<64x256xf32, #tpu.memory_space<vmem>>[vector<16xi32>, vector<16xi32>], vector<16xf32>,
      %parallel_loop3A_450 = arith.constant 0 : i32
      %parallel_loop3A_451 = arith.constant 0 : i32
      %parallel_loop3A_452 = tpu.memref_slice %arg7[%parallel_loop3A_383, %parallel_loop3A_450, %parallel_loop3A_451] : memref<2x64x192xf32, #tpu.memory_space<vmem>> -> memref<1x64x192xf32, #tpu.memory_space<vmem>>
      %parallel_loop3A_453 = tpu.memref_squeeze %parallel_loop3A_452 : memref<1x64x192xf32, #tpu.memory_space<vmem>> -> memref<64x192xf32, #tpu.memory_space<vmem>>
      tpu.vector_store_idx %parallel_loop3A_453[%parallel_loop3A_426, %add3A_223], %parallel_loop3A_449 : memref<64x192xf32, #tpu.memory_space<vmem>>[vector<16xi32>, vector<16xi32>], vector<16xf32>,
      %parallel_loop3A_454 = arith.constant 0 : i32
      %parallel_loop3A_455 = arith.constant 0 : i32
      %parallel_loop3A_456 = tpu.memref_slice %arg6[%parallel_loop3A_382, %parallel_loop3A_454, %parallel_loop3A_455] : memref<4x64x256xf32, #tpu.memory_space<vmem>> -> memref<1x64x256xf32, #tpu.memory_space<vmem>>
      %parallel_loop3A_457 = tpu.memref_squeeze %parallel_loop3A_456 : memref<1x64x256xf32, #tpu.memory_space<vmem>> -> memref<64x256xf32, #tpu.memory_space<vmem>>
      %parallel_loop3A_458 = tpu.vector_load_idx %parallel_loop3A_457[%parallel_loop3A_426, %add3A_182] : memref<64x256xf32, #tpu.memory_space<vmem>>[vector<16xi32>, vector<16xi32>], vector<16xf32>,
      %parallel_loop3A_459 = arith.constant 0 : i32
      %parallel_loop3A_460 = arith.constant 0 : i32
      %parallel_loop3A_461 = tpu.memref_slice %arg7[%parallel_loop3A_383, %parallel_loop3A_459, %parallel_loop3A_460] : memref<2x64x192xf32, #tpu.memory_space<vmem>> -> memref<1x64x192xf32, #tpu.memory_space<vmem>>
      %parallel_loop3A_462 = tpu.memref_squeeze %parallel_loop3A_461 : memref<1x64x192xf32, #tpu.memory_space<vmem>> -> memref<64x192xf32, #tpu.memory_space<vmem>>
      tpu.vector_store_idx %parallel_loop3A_462[%parallel_loop3A_426, %add3A_226], %parallel_loop3A_458 : memref<64x192xf32, #tpu.memory_space<vmem>>[vector<16xi32>, vector<16xi32>], vector<16xf32>,
      %parallel_loop3A_463 = arith.constant 0 : i32
      %parallel_loop3A_464 = arith.constant 0 : i32
      %parallel_loop3A_465 = tpu.memref_slice %arg6[%parallel_loop3A_382, %parallel_loop3A_463, %parallel_loop3A_464] : memref<4x64x256xf32, #tpu.memory_space<vmem>> -> memref<1x64x256xf32, #tpu.memory_space<vmem>>
      %parallel_loop3A_466 = tpu.memref_squeeze %parallel_loop3A_465 : memref<1x64x256xf32, #tpu.memory_space<vmem>> -> memref<64x256xf32, #tpu.memory_space<vmem>>
      %parallel_loop3A_467 = tpu.vector_load_idx %parallel_loop3A_466[%parallel_loop3A_426, %add3A_186] : memref<64x256xf32, #tpu.memory_space<vmem>>[vector<16xi32>, vector<16xi32>], vector<16xf32>,
      %parallel_loop3A_468 = arith.constant 0 : i32
      %parallel_loop3A_469 = arith.constant 0 : i32
      %parallel_loop3A_470 = tpu.memref_slice %arg7[%parallel_loop3A_383, %parallel_loop3A_468, %parallel_loop3A_469] : memref<2x64x192xf32, #tpu.memory_space<vmem>> -> memref<1x64x192xf32, #tpu.memory_space<vmem>>
      %parallel_loop3A_471 = tpu.memref_squeeze %parallel_loop3A_470 : memref<1x64x192xf32, #tpu.memory_space<vmem>> -> memref<64x192xf32, #tpu.memory_space<vmem>>
      tpu.vector_store_idx %parallel_loop3A_471[%parallel_loop3A_426, %add3A_229], %parallel_loop3A_467 : memref<64x192xf32, #tpu.memory_space<vmem>>[vector<16xi32>, vector<16xi32>], vector<16xf32>,
      %parallel_loop3A_472 = arith.constant 0 : i32
      %parallel_loop3A_473 = arith.constant 0 : i32
      %parallel_loop3A_474 = tpu.memref_slice %arg6[%parallel_loop3A_382, %parallel_loop3A_472, %parallel_loop3A_473] : memref<4x64x256xf32, #tpu.memory_space<vmem>> -> memref<1x64x256xf32, #tpu.memory_space<vmem>>
      %parallel_loop3A_475 = tpu.memref_squeeze %parallel_loop3A_474 : memref<1x64x256xf32, #tpu.memory_space<vmem>> -> memref<64x256xf32, #tpu.memory_space<vmem>>
      %parallel_loop3A_476 = tpu.vector_load_idx %parallel_loop3A_475[%parallel_loop3A_426, %add3A_190] : memref<64x256xf32, #tpu.memory_space<vmem>>[vector<16xi32>, vector<16xi32>], vector<16xf32>,
      %parallel_loop3A_477 = arith.constant 0 : i32
      %parallel_loop3A_478 = arith.constant 0 : i32
      %parallel_loop3A_479 = tpu.memref_slice %arg7[%parallel_loop3A_383, %parallel_loop3A_477, %parallel_loop3A_478] : memref<2x64x192xf32, #tpu.memory_space<vmem>> -> memref<1x64x192xf32, #tpu.memory_space<vmem>>
      %parallel_loop3A_480 = tpu.memref_squeeze %parallel_loop3A_479 : memref<1x64x192xf32, #tpu.memory_space<vmem>> -> memref<64x192xf32, #tpu.memory_space<vmem>>
      tpu.vector_store_idx %parallel_loop3A_480[%parallel_loop3A_426, %add3A_232], %parallel_loop3A_476 : memref<64x192xf32, #tpu.memory_space<vmem>>[vector<16xi32>, vector<16xi32>], vector<16xf32>,
      %parallel_loop3A_481 = arith.constant 0 : i32
      %parallel_loop3A_482 = arith.constant 0 : i32
      %parallel_loop3A_483 = tpu.memref_slice %arg6[%parallel_loop3A_382, %parallel_loop3A_481, %parallel_loop3A_482] : memref<4x64x256xf32, #tpu.memory_space<vmem>> -> memref<1x64x256xf32, #tpu.memory_space<vmem>>
      %parallel_loop3A_484 = tpu.memref_squeeze %parallel_loop3A_483 : memref<1x64x256xf32, #tpu.memory_space<vmem>> -> memref<64x256xf32, #tpu.memory_space<vmem>>
      %parallel_loop3A_485 = tpu.vector_load_idx %parallel_loop3A_484[%parallel_loop3A_426, %add3A_194] : memref<64x256xf32, #tpu.memory_space<vmem>>[vector<16xi32>, vector<16xi32>], vector<16xf32>,
      %parallel_loop3A_486 = arith.constant 0 : i32
      %parallel_loop3A_487 = arith.constant 0 : i32
      %parallel_loop3A_488 = tpu.memref_slice %arg7[%parallel_loop3A_383, %parallel_loop3A_486, %parallel_loop3A_487] : memref<2x64x192xf32, #tpu.memory_space<vmem>> -> memref<1x64x192xf32, #tpu.memory_space<vmem>>
      %parallel_loop3A_489 = tpu.memref_squeeze %parallel_loop3A_488 : memref<1x64x192xf32, #tpu.memory_space<vmem>> -> memref<64x192xf32, #tpu.memory_space<vmem>>
      tpu.vector_store_idx %parallel_loop3A_489[%parallel_loop3A_426, %add3A_235], %parallel_loop3A_485 : memref<64x192xf32, #tpu.memory_space<vmem>>[vector<16xi32>, vector<16xi32>], vector<16xf32>,
      %parallel_loop3A_490 = arith.constant 0 : i32
      %parallel_loop3A_491 = arith.constant 0 : i32
      %parallel_loop3A_492 = tpu.memref_slice %arg6[%parallel_loop3A_382, %parallel_loop3A_490, %parallel_loop3A_491] : memref<4x64x256xf32, #tpu.memory_space<vmem>> -> memref<1x64x256xf32, #tpu.memory_space<vmem>>
      %parallel_loop3A_493 = tpu.memref_squeeze %parallel_loop3A_492 : memref<1x64x256xf32, #tpu.memory_space<vmem>> -> memref<64x256xf32, #tpu.memory_space<vmem>>
      %parallel_loop3A_494 = tpu.vector_load_idx %parallel_loop3A_493[%parallel_loop3A_426, %add3A_198] : memref<64x256xf32, #tpu.memory_space<vmem>>[vector<16xi32>, vector<16xi32>], vector<16xf32>,
      %parallel_loop3A_495 = arith.constant 0 : i32
      %parallel_loop3A_496 = arith.constant 0 : i32
      %parallel_loop3A_497 = tpu.memref_slice %arg7[%parallel_loop3A_383, %parallel_loop3A_495, %parallel_loop3A_496] : memref<2x64x192xf32, #tpu.memory_space<vmem>> -> memref<1x64x192xf32, #tpu.memory_space<vmem>>
      %parallel_loop3A_498 = tpu.memref_squeeze %parallel_loop3A_497 : memref<1x64x192xf32, #tpu.memory_space<vmem>> -> memref<64x192xf32, #tpu.memory_space<vmem>>
      tpu.vector_store_idx %parallel_loop3A_498[%parallel_loop3A_426, %add3A_238], %parallel_loop3A_494 : memref<64x192xf32, #tpu.memory_space<vmem>>[vector<16xi32>, vector<16xi32>], vector<16xf32>,
      %parallel_loop3A_499 = arith.constant 0 : i32
      %parallel_loop3A_500 = arith.constant 0 : i32
      %parallel_loop3A_501 = tpu.memref_slice %arg6[%parallel_loop3A_382, %parallel_loop3A_499, %parallel_loop3A_500] : memref<4x64x256xf32, #tpu.memory_space<vmem>> -> memref<1x64x256xf32, #tpu.memory_space<vmem>>
      %parallel_loop3A_502 = tpu.memref_squeeze %parallel_loop3A_501 : memref<1x64x256xf32, #tpu.memory_space<vmem>> -> memref<64x256xf32, #tpu.memory_space<vmem>>
      %parallel_loop3A_503 = tpu.vector_load_idx %parallel_loop3A_502[%parallel_loop3A_426, %add3A_202] : memref<64x256xf32, #tpu.memory_space<vmem>>[vector<16xi32>, vector<16xi32>], vector<16xf32>,
      %parallel_loop3A_504 = arith.constant 0 : i32
      %parallel_loop3A_505 = arith.constant 0 : i32
      %parallel_loop3A_506 = tpu.memref_slice %arg7[%parallel_loop3A_383, %parallel_loop3A_504, %parallel_loop3A_505] : memref<2x64x192xf32, #tpu.memory_space<vmem>> -> memref<1x64x192xf32, #tpu.memory_space<vmem>>
      %parallel_loop3A_507 = tpu.memref_squeeze %parallel_loop3A_506 : memref<1x64x192xf32, #tpu.memory_space<vmem>> -> memref<64x192xf32, #tpu.memory_space<vmem>>
      tpu.vector_store_idx %parallel_loop3A_507[%parallel_loop3A_426, %add3A_241], %parallel_loop3A_503 : memref<64x192xf32, #tpu.memory_space<vmem>>[vector<16xi32>, vector<16xi32>], vector<16xf32>,
      %parallel_loop3A_508 = arith.constant 0 : i32
      %parallel_loop3A_509 = arith.constant 0 : i32
      %parallel_loop3A_510 = tpu.memref_slice %arg6[%parallel_loop3A_382, %parallel_loop3A_508, %parallel_loop3A_509] : memref<4x64x256xf32, #tpu.memory_space<vmem>> -> memref<1x64x256xf32, #tpu.memory_space<vmem>>
      %parallel_loop3A_511 = tpu.memref_squeeze %parallel_loop3A_510 : memref<1x64x256xf32, #tpu.memory_space<vmem>> -> memref<64x256xf32, #tpu.memory_space<vmem>>
      %parallel_loop3A_512 = tpu.vector_load_idx %parallel_loop3A_511[%parallel_loop3A_426, %add3A_206] : memref<64x256xf32, #tpu.memory_space<vmem>>[vector<16xi32>, vector<16xi32>], vector<16xf32>,
      %parallel_loop3A_513 = arith.constant 0 : i32
      %parallel_loop3A_514 = arith.constant 0 : i32
      %parallel_loop3A_515 = tpu.memref_slice %arg7[%parallel_loop3A_383, %parallel_loop3A_513, %parallel_loop3A_514] : memref<2x64x192xf32, #tpu.memory_space<vmem>> -> memref<1x64x192xf32, #tpu.memory_space<vmem>>
      %parallel_loop3A_516 = tpu.memref_squeeze %parallel_loop3A_515 : memref<1x64x192xf32, #tpu.memory_space<vmem>> -> memref<64x192xf32, #tpu.memory_space<vmem>>
      tpu.vector_store_idx %parallel_loop3A_516[%parallel_loop3A_426, %add3A_244], %parallel_loop3A_512 : memref<64x192xf32, #tpu.memory_space<vmem>>[vector<16xi32>, vector<16xi32>], vector<16xf32>,
      %parallel_loop3A_517 = arith.constant 0 : i32
      %parallel_loop3A_518 = arith.constant 0 : i32
      %parallel_loop3A_519 = tpu.memref_slice %arg6[%parallel_loop3A_382, %parallel_loop3A_517, %parallel_loop3A_518] : memref<4x64x256xf32, #tpu.memory_space<vmem>> -> memref<1x64x256xf32, #tpu.memory_space<vmem>>
      %parallel_loop3A_520 = tpu.memref_squeeze %parallel_loop3A_519 : memref<1x64x256xf32, #tpu.memory_space<vmem>> -> memref<64x256xf32, #tpu.memory_space<vmem>>
      %parallel_loop3A_521 = tpu.vector_load_idx %parallel_loop3A_520[%parallel_loop3A_426, %add3A_210] : memref<64x256xf32, #tpu.memory_space<vmem>>[vector<16xi32>, vector<16xi32>], vector<16xf32>,
      %parallel_loop3A_522 = arith.constant 0 : i32
      %parallel_loop3A_523 = arith.constant 0 : i32
      %parallel_loop3A_524 = tpu.memref_slice %arg7[%parallel_loop3A_383, %parallel_loop3A_522, %parallel_loop3A_523] : memref<2x64x192xf32, #tpu.memory_space<vmem>> -> memref<1x64x192xf32, #tpu.memory_space<vmem>>
      %parallel_loop3A_525 = tpu.memref_squeeze %parallel_loop3A_524 : memref<1x64x192xf32, #tpu.memory_space<vmem>> -> memref<64x192xf32, #tpu.memory_space<vmem>>
      tpu.vector_store_idx %parallel_loop3A_525[%parallel_loop3A_426, %add3A_247], %parallel_loop3A_521 : memref<64x192xf32, #tpu.memory_space<vmem>>[vector<16xi32>, vector<16xi32>], vector<16xf32>,
      %parallel_loop3A_526 = arith.constant 0 : i32
      %parallel_loop3A_527 = arith.constant 0 : i32
      %parallel_loop3A_528 = tpu.memref_slice %arg6[%parallel_loop3A_382, %parallel_loop3A_526, %parallel_loop3A_527] : memref<4x64x256xf32, #tpu.memory_space<vmem>> -> memref<1x64x256xf32, #tpu.memory_space<vmem>>
      %parallel_loop3A_529 = tpu.memref_squeeze %parallel_loop3A_528 : memref<1x64x256xf32, #tpu.memory_space<vmem>> -> memref<64x256xf32, #tpu.memory_space<vmem>>
      %parallel_loop3A_530 = tpu.vector_load_idx %parallel_loop3A_529[%parallel_loop3A_426, %add3A_214] : memref<64x256xf32, #tpu.memory_space<vmem>>[vector<16xi32>, vector<16xi32>], vector<16xf32>,
      %parallel_loop3A_531 = arith.constant 0 : i32
      %parallel_loop3A_532 = arith.constant 0 : i32
      %parallel_loop3A_533 = tpu.memref_slice %arg7[%parallel_loop3A_383, %parallel_loop3A_531, %parallel_loop3A_532] : memref<2x64x192xf32, #tpu.memory_space<vmem>> -> memref<1x64x192xf32, #tpu.memory_space<vmem>>
      %parallel_loop3A_534 = tpu.memref_squeeze %parallel_loop3A_533 : memref<1x64x192xf32, #tpu.memory_space<vmem>> -> memref<64x192xf32, #tpu.memory_space<vmem>>
      tpu.vector_store_idx %parallel_loop3A_534[%parallel_loop3A_426, %add3A_250], %parallel_loop3A_530 : memref<64x192xf32, #tpu.memory_space<vmem>>[vector<16xi32>, vector<16xi32>], vector<16xf32>,
    } {sc.loop_unroll_factor = 1 : i64, sc.parallel_access}
    %add3A_384 = arith.constant 192 : i32
    %add3A_385 = arith.addi %mul3A_2, %add3A_384 : i32
    %dma_start3A_386 = arith.constant 1 : i32
    %dma_start3A_387 = arith.constant 0 : i32
    %dma_start3A_388 = arith.constant 0 : i32
    %dma_start3A_389 = tpu.memref_slice %arg7[%dma_start3A_386, %dma_start3A_387, %dma_start3A_388] : memref<2x64x192xf32, #tpu.memory_space<vmem>> -> memref<1x64x192xf32, #tpu.memory_space<vmem>>
    %dma_start3A_390 = tpu.memref_squeeze %dma_start3A_389 : memref<1x64x192xf32, #tpu.memory_space<vmem>> -> memref<64x192xf32, #tpu.memory_space<vmem>>
    %dma_start3A_391 = arith.constant 0 : i32
    %dma_start3A_392 = tpu.memref_slice %arg4[%add3A_385, %dma_start3A_391] : memref<8192x192xf32, #tpu.memory_space<hbm>> -> memref<64x192xf32, #tpu.memory_space<hbm>>
    %dma_start3A_393 = arith.constant 0 : i32
    %dma_start3A_394 = tpu.memref_slice %arg4[%add3A_385, %dma_start3A_393] : memref<8192x192xf32, #tpu.memory_space<hbm>> -> memref<64x192xf32, #tpu.memory_space<hbm>>
    %dma_start3A_395 = arith.constant 0 : i32
    %dma_start3A_396 = arith.constant 0 : i32
    %dma_start3A_397 = tpu.memref_slice %arg7[%dma_start3A_386, %dma_start3A_395, %dma_start3A_396] : memref<2x64x192xf32, #tpu.memory_space<vmem>> -> memref<1x64x192xf32, #tpu.memory_space<vmem>>
    %dma_start3A_398 = tpu.memref_squeeze %dma_start3A_397 : memref<1x64x192xf32, #tpu.memory_space<vmem>> -> memref<64x192xf32, #tpu.memory_space<vmem>>
    tpu.enqueue_dma source(%dma_start3A_398 : memref<64x192xf32, #tpu.memory_space<vmem>>) target(%dma_start3A_394 : memref<64x192xf32, #tpu.memory_space<hbm>>) target_semaphore(%arg9 : memref<!tpu.dma_semaphore, #tpu.memory_space<semaphore_mem>>)
    %dma_wait3A_399 = arith.constant 0 : i32
    %dma_wait3A_400 = arith.constant 0 : i32
    %dma_wait3A_401 = arith.constant 0 : i32
    %dma_wait3A_402 = tpu.memref_slice %arg7[%dma_wait3A_399, %dma_wait3A_400, %dma_wait3A_401] : memref<2x64x192xf32, #tpu.memory_space<vmem>> -> memref<1x64x192xf32, #tpu.memory_space<vmem>>
    %dma_wait3A_403 = tpu.memref_squeeze %dma_wait3A_402 : memref<1x64x192xf32, #tpu.memory_space<vmem>> -> memref<64x192xf32, #tpu.memory_space<vmem>>
    %dma_wait3A_404 = arith.constant 0 : i32
    %dma_wait3A_405 = tpu.memref_slice %arg4[%add3A_341, %dma_wait3A_404] : memref<8192x192xf32, #tpu.memory_space<hbm>> -> memref<64x192xf32, #tpu.memory_space<hbm>>
    %dma_wait3A_406 = arith.constant 0 : i32
    %dma_wait3A_407 = tpu.memref_slice %arg4[%add3A_341, %dma_wait3A_406] : memref<8192x192xf32, #tpu.memory_space<hbm>> -> memref<64x192xf32, #tpu.memory_space<hbm>>
    %dma_wait3A_408 = arith.constant 0 : i32
    %dma_wait3A_409 = arith.constant 0 : i32
    %dma_wait3A_410 = tpu.memref_slice %arg7[%dma_wait3A_399, %dma_wait3A_408, %dma_wait3A_409] : memref<2x64x192xf32, #tpu.memory_space<vmem>> -> memref<1x64x192xf32, #tpu.memory_space<vmem>>
    %dma_wait3A_411 = tpu.memref_squeeze %dma_wait3A_410 : memref<1x64x192xf32, #tpu.memory_space<vmem>> -> memref<64x192xf32, #tpu.memory_space<vmem>>
    tpu.wait_dma2 semaphore(%arg9 : memref<!tpu.dma_semaphore, #tpu.memory_space<semaphore_mem>>) src(%dma_wait3A_411 : memref<64x192xf32, #tpu.memory_space<vmem>>) dst(%dma_wait3A_407 : memref<64x192xf32, #tpu.memory_space<hbm>>)
    %dma_wait3A_412 = arith.constant 1 : i32
    %dma_wait3A_413 = arith.constant 0 : i32
    %dma_wait3A_414 = arith.constant 0 : i32
    %dma_wait3A_415 = tpu.memref_slice %arg7[%dma_wait3A_412, %dma_wait3A_413, %dma_wait3A_414] : memref<2x64x192xf32, #tpu.memory_space<vmem>> -> memref<1x64x192xf32, #tpu.memory_space<vmem>>
    %dma_wait3A_416 = tpu.memref_squeeze %dma_wait3A_415 : memref<1x64x192xf32, #tpu.memory_space<vmem>> -> memref<64x192xf32, #tpu.memory_space<vmem>>
    %dma_wait3A_417 = arith.constant 0 : i32
    %dma_wait3A_418 = tpu.memref_slice %arg4[%add3A_385, %dma_wait3A_417] : memref<8192x192xf32, #tpu.memory_space<hbm>> -> memref<64x192xf32, #tpu.memory_space<hbm>>
    %dma_wait3A_419 = arith.constant 0 : i32
    %dma_wait3A_420 = tpu.memref_slice %arg4[%add3A_385, %dma_wait3A_419] : memref<8192x192xf32, #tpu.memory_space<hbm>> -> memref<64x192xf32, #tpu.memory_space<hbm>>
    %dma_wait3A_421 = arith.constant 0 : i32
    %dma_wait3A_422 = arith.constant 0 : i32
    %dma_wait3A_423 = tpu.memref_slice %arg7[%dma_wait3A_412, %dma_wait3A_421, %dma_wait3A_422] : memref<2x64x192xf32, #tpu.memory_space<vmem>> -> memref<1x64x192xf32, #tpu.memory_space<vmem>>
    %dma_wait3A_424 = tpu.memref_squeeze %dma_wait3A_423 : memref<1x64x192xf32, #tpu.memory_space<vmem>> -> memref<64x192xf32, #tpu.memory_space<vmem>>
    tpu.wait_dma2 semaphore(%arg9 : memref<!tpu.dma_semaphore, #tpu.memory_space<semaphore_mem>>) src(%dma_wait3A_424 : memref<64x192xf32, #tpu.memory_space<vmem>>) dst(%dma_wait3A_420 : memref<64x192xf32, #tpu.memory_space<hbm>>)
    return
  }
}

</mosaic_0001>

<sc_bundles>
// kernel: kernel.3.cloned.1.call-start
scs
__scs_entry_jumppad:
0x0: {  	(pc) =	sbr.rel $0x88, $3  }
0x1: {  	(tag) =	ssettag $0x0;
	lr =	simm.s32 $0x1  }
0x2: {  	[smem:$0x3F9F] =	sst lr;
	_ =	strace $0xD0000000  }
0x3: {  	_ = 	snop  }
0x4: {  	_ = 	snop  }
0x5: {  	_ = 	snop  }
0x6: {  	_ = 	snop  }
0x7: {  	_ = 	snop  }
__scs_overlays_trampoline_lowered:
0x8: {  	[smem:$0x3FAE] =	sst s0  }
0x9: {  	[smem:$0x3FAF] =	sst s1  }
0xa: {  	[smem:$0x3FB0] =	sst s2  }
0xb: {  	[smem:$0x3FB1] =	sst s3  }
0xc: {  	[smem:$0x3FB2] =	sst s4  }
0xd: {  	[smem:$0x3FB3] =	sst s5  }
0xe: {  	[smem:$0x3FB4] =	sst s6  }
0xf: {  	[smem:$0x3FB5] =	sst s7  }
0x10: {  	[smem:$0x3FB6] =	sst s8  }
0x11: {  	[smem:$0x3FB7] =	sst s9;
	s0 =	simm.s32 @!p0 $0x0  }
0x12: {  	s1 =	sld [smem:$0x3F9D];
	s0 =	simm.s32 @p0 $0x1  }
0x13: {  	[smem:$0x3FB8] =	sst s0;
	s0 =	simm.s32 @!p1 $0x0  }
0x14: {  	s2 =	sld [smem:$0x3F9C];
	s0 =	simm.s32 @p1 $0x1  }
0x15: {  	[smem:$0x3FB9] =	sst s0;
	s0 =	simm.s32 @!p2 $0x0  }
0x16: {  	s3 =	sld [smem:$0x3FDB];
	s0 =	simm.s32 @p2 $0x1  }
0x17: {  	s4 =	simm.s32 $0x1BF5;
	[smem:$0x3FBB] =	sst s0  }
0x18: {  	s0 =	sld [smem:$0x3F9E];
	_ =	swait.ge [sflag:s4], $0x0  }
0x19: {  	s7 =	sld [smem:$0x3F9F]  }
0x1a: {  	s8 =	sadd.s32 $0xFFFFE003, lr  }
0x1b: {  	s9 =	sadd.s32 $0xFFFFFEF7, lr;
	s5 =	simm.s32 $0xFFFFFFFF;
	p2 =	slt.u32 s8, $0xFFFFF086  }
0x1c: {  	p1 =	slt.u32 s9, $0xF7A;
	s5 =	simm.s32 @!p2 $0x0  }
0x1d: {  	s5 =	simm.s32 @p1 $0x1;
	p0 =	seq.s32 s7, s2  }
0x1e: {  	s7 =	smul.u32 @!p0 $0xF7A, s2;
	p2 =	seq.s32 @!p0 s5, $0x0  }
0x1f: {  	s9 =	smul.u32 $0xF7A, s1;
	s8 =	simm.s32 @!p0 $0x1BF5;
	p2 =	por !p2, p0  }
0x20: {  	[sflag:s8] =	ssyncset.s32 @!p0 $0xFFFFF086;
	s6 =	sadd.s32 @!p0 s3, s7;
	s7 =	simm.s32 @!p0 $0x108  }
0x21: {  	s3 =	sadd.s32 s3, s9;
	s6 =	sadd.s32 @!p0 $0x88, s6;
	s7 =	simm.s32 @p2 $0x1082  }
0x22: {  	[simem:s7], [sflag:s8] =	dma.local @!p0 [hbm:s6], $0xF7A  }
0x23: {  	s9 =	sor.u32 $0xD0000000, s2;
	s6 =	simm.s32 $0x108;
	_ =	swait.ge @!p0 [sflag:s8], $0x0  }
0x24: {  	s3 =	sadd.s32 $0x88, s3;
	s6 =	simm.s32 @!p1 $0x1082;
	[sflag:s4] =	ssyncset.s32 $0xFFFFF086  }
0x25: {  	[simem:s6], [sflag:s4] =	dma.local [hbm:s3], $0xF7A  }
0x26: {  	[smem:$0x3F9F] =	sst s1;
	(tag) =	ssettag s2;
	_ =	strace s9  }
0x27: {  	s1 =	sld [smem:$0x3FAF]  }
0x28: {  	s2 =	sld [smem:$0x3FB0]  }
0x29: {  	s4 =	sld [smem:$0x3FB2]  }
0x2a: {  	p0 =	seq.s32 s5, $0x0;
	s5 =	sld [smem:$0x3FB3]  }
0x2b: {  	s6 =	sld [smem:$0x3FB4]  }
0x2c: {  	s7 =	sld [smem:$0x3FB5]  }
0x2d: {  	s3 =	simm.s32 $0x108;
	s8 =	sld [smem:$0x3FB6]  }
0x2e: {  	s3 =	simm.s32 @!p0 $0x1082;
	s9 =	sld [smem:$0x3FB7]  }
0x2f: {  	lr =	sadd.s32 s0, s3;
	s0 =	sld [smem:$0x3FAE]  }
0x30: {  	s3 =	sld [smem:$0x3FB1]  }
0x31: {  	[smem:$0x3FBA] =	sst s10  }
0x32: {  	s10 =	sld [smem:$0x3FB8];
	_ =	sdelay $0x3  }
0x33: {  	p0 =	seq.s32 s10, $0x1;
	s10 =	sld [smem:$0x3FBA];
	_ =	sdelay $0x3  }
0x34: {  	[smem:$0x3FBA] =	sst s10  }
0x35: {  	s10 =	sld [smem:$0x3FB9];
	_ =	sdelay $0x3  }
0x36: {  	p1 =	seq.s32 s10, $0x1;
	s10 =	sld [smem:$0x3FBA];
	_ =	sdelay $0x3  }
0x37: {  	[smem:$0x3FBA] =	sst s10  }
0x38: {  	s10 =	sld [smem:$0x3FBB]  }
0x39: {  	_ = 	snop;
	(pc) =	sbr.ind lr, $3  }
0x3a: {  	_ = 	snop  }
0x3b: {  	_ = 	snop  }
0x3c: {  	p2 =	seq.s32 s10, $0x1;
	s10 =	sld [smem:$0x3FBA]  }
0x3d: {  	_ =	shalt  }
0x3e: {  	_ =	shalt  }
0x3f: {  	_ =	shalt  }
0x40: {  	_ =	shalt  }
0x41: {  	_ =	shalt  }
0x42: {  	_ =	shalt  }
0x43: {  	_ =	shalt  }
0x44: {  	_ =	shalt  }
0x45: {  	_ =	shalt  }
0x46: {  	_ =	shalt  }
0x47: {  	_ =	shalt  }
0x48: {  	_ =	shalt  }
0x49: {  	_ =	shalt  }
0x4a: {  	_ =	shalt  }
0x4b: {  	_ =	shalt  }
0x4c: {  	_ =	shalt  }
0x4d: {  	_ =	shalt  }
0x4e: {  	_ =	shalt  }
0x4f: {  	_ =	shalt  }
0x50: {  	_ =	shalt  }
0x51: {  	_ =	shalt  }
0x52: {  	_ =	shalt  }
0x53: {  	_ =	shalt  }
0x54: {  	_ =	shalt  }
0x55: {  	_ =	shalt  }
0x56: {  	_ =	shalt  }
0x57: {  	_ =	shalt  }
0x58: {  	_ =	shalt  }
0x59: {  	_ =	shalt  }
0x5a: {  	_ =	shalt  }
0x5b: {  	_ =	shalt  }
0x5c: {  	_ =	shalt  }
0x5d: {  	_ =	shalt  }
0x5e: {  	_ =	shalt  }
0x5f: {  	_ =	shalt  }
0x60: {  	_ =	shalt  }
0x61: {  	_ =	shalt  }
0x62: {  	_ =	shalt  }
0x63: {  	_ =	shalt  }
0x64: {  	_ =	shalt  }
0x65: {  	_ =	shalt  }
0x66: {  	_ =	shalt  }
0x67: {  	_ =	shalt  }
0x68: {  	_ =	shalt  }
0x69: {  	_ =	shalt  }
0x6a: {  	_ =	shalt  }
0x6b: {  	_ =	shalt  }
0x6c: {  	_ =	shalt  }
0x6d: {  	_ =	shalt  }
0x6e: {  	_ =	shalt  }
0x6f: {  	_ =	shalt  }
0x70: {  	_ =	shalt  }
0x71: {  	_ =	shalt  }
0x72: {  	_ =	shalt  }
0x73: {  	_ =	shalt  }
0x74: {  	_ =	shalt  }
0x75: {  	_ =	shalt  }
0x76: {  	_ =	shalt  }
0x77: {  	_ =	shalt  }
0x78: {  	_ =	shalt  }
0x79: {  	_ =	shalt  }
0x7a: {  	_ =	shalt  }
0x7b: {  	_ =	shalt  }
0x7c: {  	_ =	shalt  }
0x7d: {  	_ =	shalt  }
0x7e: {  	_ =	shalt  }
0x7f: {  	_ =	shalt  }
0x80: {  	_ =	shalt  }
0x81: {  	_ =	shalt  }
0x82: {  	_ =	shalt  }
0x83: {  	_ =	shalt  }
0x84: {  	_ =	shalt  }
0x85: {  	_ =	shalt  }
0x86: {  	_ =	shalt  }
0x87: {  	_ =	shalt  }
.Lfunc_end0:
.L_simem_size_0:
called_computation_lowered:
.L_overlay_start_0:
0x88: {  	s2 =	sld [smem:$0x3FD9]  }
0x89: {  	s3 =	sld [smem:$0x3FFE];
	_ =	sdelay $0x1  }
0x8a: {  	s1 =	srdreg.scid  }
0x8b: {  	s0 =	sand.u32 $0x1, s1  }
0x8c: {  	s17 =	sshll.u32 s0, $0xA;
	s2 =	sadd.s32 s3, s2  }
0x8d: {  	s2 =	sadd.s32 s2, s17  }
0x8e: {  	[smem:$0x3FC6] =	sst s2  }
0x8f: {  	_ = 	snop  }
0x90: {  	s2 =	sld [smem:$0x3FC9]  }
0x91: {  	s18 =	sld [smem:$0x3FD0];
	(tm) =	ssettm $0x1  }
0x92: {  	s4 =	sld [smem:$0x3FFB];
	_ =	sdelay $0x3  }
0x93: {  	_ =	strace s4  }
0x94: {  	s4 =	sld [smem:$0x3FFC];
	_ =	sdelay $0x3  }
0x95: {  	_ =	strace s4  }
0x96: {  	s4 =	sld [smem:$0x3FFD];
	_ =	sdelay $0x3  }
0x97: {  	_ =	strace s4  }
0x98: {  	_ =	strace $0x8FFFFFFF  }
0x99: {  	s19 =	sld [smem:$0x3FDB];
	_ =	sdelay $0x1  }
0x9a: {  	s5 =	simm.s32 $_scs_section_size  }
0x9b: {  	s6 =	simm.s32 $_size__tile_overlayer_lowered;
	s7 =	simm.s32 $_tile_overlayer_lowered  }
0x9c: {  	s22 =	simm.s32 $0x1BFF;
	s21 =	sshll.u32 s7, $0x1;
	s4 =	sadd.s32 s5, s19  }
0x9d: {  	s8 =	simm.s32 $0x0;
	s20 =	sshll.u32 s6, $0x1;
	s6 =	sadd.s32 s21, s4  }
0x9e: {  	[timem:s8], [sflag:s22] =	dma.local [hbm:s6], s20  }
0x9f: {  	_ =	swait.ge [sflag:s22], s20  }
0xa0: {  	s5 =	ssub.s32 $0x0, s20;
	[sflag:s22] =	ssyncset.done $0x0  }
0xa1: {  	[sflag:s22] =	ssyncadd.s32 s5;
	_ =	sdelay $0x1  }
0xa2: {  	s23 =	simm.s32 $0x1B8B  }
0xa3: {  	_ =	swait.ge [sflag:s23], $0x1  }
0xa4: {  	[sflag:s23] =	ssyncset.done $0x0  }
0xa5: {  	s25 =	simm.s32 $0x1B8E;
	s24 =	sld [smem:$0x3FFE];
	[sflag:s23] =	ssyncadd.s32 $0xFFFFFFFF  }
0xa6: {  	s26 =	simm.s32 $execute0_lowered;
	[smem:$0x3FD2] =	sst s25  }
0xa7: {  	s6 =	sshll.u32 s26, $0x1;
	_ =	strace $0x80000046;
	[dreg:$0x1] =	wrdreg $0xFFFFFFFF  }
0xa8: {  	s28 =	simm.s32 $_size_execute0_lowered;
	s4 =	sadd.s32 s4, s6;
	[dreg:$0x0] =	wrdreg $0x0  }
0xa9: {  	s6 =	sshll.u32 s28, $0x1;
	[dreg:$0x2] =	wrdreg s4  }
0xaa: {  	[dreg:$0x3] =	wrdreg s6  }
0xab: {  	[dreg:$0x4] =	wrdreg $0xC0  }
0xac: {  	_ =	task [dreg:s8], $0x5FFFF  }
0xad: {  	[dreg:$0x1] =	wrdreg $0xFFFFFFFF  }
0xae: {  	[dreg:$0x0] =	wrdreg $0x60  }
0xaf: {  	[dreg:$0x2] =	wrdreg s2  }
0xb0: {  	[dreg:$0x3] =	wrdreg s24  }
0xb1: {  	[dreg:$0x4] =	wrdreg s18  }
0xb2: {  	[dreg:$0x5] =	wrdreg $0x9  }
0xb3: {  	_ =	task.clear_ibuf [dreg:s8], $0x6FFFF;
	_ =	strace $0x90000046  }
0xb4: {  	s29 =	simm.s32 $0x9;
	_ =	strace $0x80000048  }
0xb5: {  	_ =	swait.ge [sflag:s29], $0x1  }
0xb6: {  	[sflag:s29] =	ssyncadd.s32 $0xFFFFFFFF  }
0xb7: {  	_ =	strace $0x90000048  }
0xb8: {  	_ =	sfence  }
0xb9: {  	s30 =	sld [smem:$0x0];
	_ =	sdelay $0x2  }
0xba: {  	s31 =	sshll.u32 s1, $0xD;
	s1 =	sshrl.u32 s1, $0x2  }
0xbb: {  	s3 =	sand.u32 $0x4000, s31;
	s1 =	sadd.s32 s1, s30  }
0xbc: {  	s0 =	sor.u32 s3, s0;
	s1 =	sshll.u32 s1, $0x11  }
0xbd: {  	s0 =	sor.u32 s1, s0  }
0xbe: {  	s0 =	sadd.s32 $0x8F2B, s0  }
0xbf: {  	[sflag:s0] =	ssyncadd.remote.s32 $0x1  }
0xc0: {  	_ =	sfence.sel $0xFFFF  }
0xc1: {  	[dreg:$0x0] =	wrdreg $0xFFFFFFFF;
	(pc) =	sbr.abs _section_cstart, $3  }
0xc2: {  	[dreg:$0x1] =	wrdreg $0xFFFFFFFF  }
0xc3: {  	_ =	task.clear_ibuf [dreg:s8], $0x2FFFF;
	_ =	strace $0x9FFFFFFF  }
0xc4: {  	(tm) =	ssettm $0x7FFFFFFF  }
0xc5: {  	_ =	shalt  }
tec
execute0_lowered:
.L_overlay_start_1:
0x0: {  	(tag) =	ssettag $0x1  }
0x1: {  	s1 =	rddreg [dreg:$0x0]  }
0x2: {  	s4 =	rddreg [dreg:$0x1]  }
0x3: {  	s12 =	rddreg [dreg:$0x2]  }
0x4: {  	s0 =	rddreg [dreg:$0x3];
	s3 =	simm.s32 $0x0;
	s2 =	stileid.u32  }
0x5: {  	s5 =	srdreg.scid;
	s16 =	simm.s32 $0x800;
	s17 =	simm.s32 $0x1800  }
0x6: {  	s18 =	simm.s32 $0x80;
	s19 =	simm.s32 $0x4080;
	s20 =	simm.s32 $0x8080  }
0x7: {  	s21 =	simm.s32 $0xC080;
	s22 =	simm.s32 $0x10080;
	s23 =	simm.s32 $0x14080  }
0x8: {  	s24 =	simm.s32 $0x2;
	s25 =	simm.s32 $0x0;
	[smem:$0x7FF] =	sst s3  }
0x9: {  	s6 =	sshll.u32 s2, $0x3;
	s5 =	sand.u32 $0x1, s5;
	s7 =	sshll.u32 s2, $0x1  }
0xa: {  	_ =	strace $0x80000047;
	s6 =	sand.u32 $0x70, s6;
	s9 =	sor.u32 s5, s7  }
0xb: {  	s8 =	ssub.s32 $0x2, s5;
	s26 =	sadd.s32 s6, s4;
	s10 =	sshll.u32 s9, $0x5  }
0xc: {  	s28 =	sshrl.u32 s8, $0x1;
	s4 =	smul.u32 $0x30000, s9;
	s11 =	sor.u32 $0x8, s10  }
0xd: {  	v0 =	vlaneseq.u32;
	v2 =	vimm.s32 $0x1;
	v3 =	vimm.s32 $0x2;
	s9 =	sshll.u32 s9, $0xD;
	s14 =	sor.u32 $0x10, s10;
	s6 =	smul.u32 $0x1800, s11  }
0xe: {  	v4 =	vimm.s32 $0x3;
	vm0 =	vmmov $0xf;
	v5 =	vimm.f32 $0.0e+00;
	s13 =	ssub.s32 s8, s28;
	s15 =	sor.u32 $0x18, s10;
	s7 =	smul.u32 $0x1800, s14  }
0xf: {  	v1 =	vand.u32 $0x3, v0;
	v6 =	vor.u32 $0x10, v0;
	v7 =	vor.u32 $0x20, v0;
	s5 =	sadd.s32 $0x400, s26;
	s9 =	sadd.s32 s12, s9;
	s8 =	smul.u32 $0x1800, s15  }
0x10: {  	v8 =	vor.u32 $0x30, v0;
	v9 =	vor.u32 $0x40, v0;
	v10 =	vor.u32 $0x50, v0;
	s29 =	sshll.u32 s11, $0x8;
	s30 =	sshll.u32 s14, $0x8;
	s31 =	sshll.u32 s15, $0x8  }
0x11: {  	v11 =	vor.u32 $0x60, v0;
	v12 =	vor.u32 $0x70, v0;
	v13 =	vor.u32 $0x400, v0;
	s13 =	smax.u32 s13, $0x1;
	s14 =	simm.s32 $0x3;
	s15 =	simm.s32 $0x1  }
0x12: {  	v14 =	vor.u32 $0x410, v0;
	v15 =	vor.u32 $0x420, v0;
	v16 =	vor.u32 $0x430, v0;
	s10 =	sadd.s32 s12, s29;
	s11 =	sadd.s32 s12, s30;
	s12 =	sadd.s32 s12, s31  }
.LBB2_1:
0x13: {  	[tilespmem:s3], [sflag:$0x3] =	stream.linear.gather [hbm4b:s5+s3], $0x80, $0x38;
	[tilespmem:$0x18080] =	vst v63  }
0x14: {  	_ =	swait.ge [sflag:s14], $0x80  }
0x15: {  	[sflag:s14] =	ssyncset.done $0x0  }
0x16: {  	[sflag:s14] =	ssyncadd.s32 $0xFFFFFF80  }
0x17: {  	v17 =	vld.msk [tilespmem:s3+$0x0], $0xffff  }
0x18: {  	v18 =	vld.idx.msk [tilespmem:v2+s3+$0x0], $0xffff  }
0x19: {  	v19 =	vld.idx.msk [tilespmem:v3+s3+$0x0], $0xffff  }
0x1a: {  	v20 =	vld.idx.msk [tilespmem:v4+s3+$0x0], $0xffff  }
0x1b: {  	v21 =	vld.idx.msk [tilespmem:v1+s3+$0x0], $0xffff;
	_ =	sdelay $0x1  }
0x1c: {  	v17 =	vmax.f32 v17, v18  }
0x1d: {  	v17 =	vmax.f32 v17, v19  }
0x1e: {  	v17 =	vmax.f32 v17, v20  }
0x1f: {  	vm1 =	veq.f32 v21, v17  }
0x20: {  	vm1 =	vmand vm1, vm0  }
0x21: {  	v17 =	vmctz.xlane vm1;
	_ =	sdelay $0x1  }
0x22: {  	vm1 =	veq.s32 v17, $0x1  }
0x23: {  	v18 =	vsel vm1, $0x3F800000, v5;
	vm1 =	veq.s32 v17, $0x2  }
0x24: {  	(xrf0) =	vmax.scan.msk.f32 $0xffff, v18;
	v18 =	vsel vm1, $0x3F800000, v5;
	vm1 =	veq.s32 v17, $0x3  }
0x25: {  	(xrf0) =	vmax.scan.msk.f32 $0xffff, v18;
	v17 =	vsel vm1, $0x3F800000, v5  }
0x26: {  	(xrf0) =	vmax.scan.msk.f32 $0xffff, v17;
	_ =	sdelay $0x3  }
0x27: {  	v17, _, _ =	vpop (xrf0)  }
0x28: {  	v18, _, _ =	vpop (xrf0);
	(v2sf) =	vpush v17, $0xF  }
0x29: {  	(v2sf) =	vpush v18, $0xF;
	v17, _, _ =	vpop (xrf0)  }
0x2a: {  	(v2sf) =	vpush v17, $0xF;
	_ =	sdelay $0xc  }
0x2b: {  	s26 =	spop (v2sf)  }
0x2c: {  	s28 =	spop (v2sf);
	p0 =	sgt.f32 s26, $0.0e+00  }
0x2d: {  	s26 =	simm.s32 $0x1;
	p1 =	sgt.f32 s28, $0.0e+00;
	s29 =	spop (v2sf)  }
0x2e: {  	s26 =	simm.s32 @!p0 $0x0;
	p0 =	sgt.f32 s29, $0.0e+00  }
0x2f: {  	s26 =	simm.s32 @p1 $0x2  }
0x30: {  	s26 =	simm.s32 @p0 $0x3  }
0x31: {  	s30 =	sshrl.u32 s26, $0x1  }
0x32: {  	s28 =	sadd.s32 s26, s30  }
0x33: {  	s29 =	sshll.u32 s28, $0xA  }
0x34: {  	s30 =	sor.u32 s4, s29  }
0x35: {  	s26 =	smul.u32 $0xC0, s26;
	s30 =	sshrl.u32 s30, $0x3  }
0x36: {  	s28 =	sshll.u32 s28, $0x7;
	s31 =	sor.u32 s6, s29;
	s30 =	sadd.s32 s1, s30  }
0x37: {  	[tilespmem:s18], [sflag:$0x1] =	stream.strided.gather [hbm4b:s30+s16], $0x4000, s17, s16, $0x38;
	[tilespmem:$0x18080] =	vst v63  }
0x38: {  	s26 =	ssub.s32 s26, s28;
	s30 =	sshrl.u32 s31, $0x3;
	s31 =	sor.u32 s7, s29  }
0x39: {  	v17 =	vmov s26;
	s30 =	sadd.s32 s1, s30;
	s28 =	sshrl.u32 s31, $0x3  }
0x3a: {  	v19 =	vmov s3;
	v18 =	vor.u32 s26, v0;
	v17 =	vshll.u32 v17, $0x3;
	[tilespmem:s19], [sflag:$0x1] =	stream.strided.gather [hbm4b:s30+s16], $0x4000, s17, s16, $0x38;
	[tilespmem:$0x18080] =	vst v63  }
0x3b: {  	v20 =	vshll.u32 v19, $0x8;
	v18 =	vand.u32 $0x4F, v18;
	v17 =	vand.u32 $0xFFFFFC00, v17;
	s28 =	sadd.s32 s1, s28;
	s30 =	sor.u32 s8, s29  }
0x3c: {  	v40 =	vand.u32 $0x3800, v20;
	v17 =	vor.u32 v18, v17;
	v18 =	vshll.u32 v19, $0x7;
	[tilespmem:s20], [sflag:$0x1] =	stream.strided.gather [hbm4b:s28+s16], $0x4000, s17, s16, $0x38;
	[tilespmem:$0x18080] =	vst v63  }
0x3d: {  	v42 =	vand.u32 $0x380, v18;
	v18 =	vadd.s32 v17, v40;
	s28 =	sshrl.u32 s30, $0x3  }
0x3e: {  	s31 =	sor.u32 $0x10, s26;
	v19 =	vor.u32 v42, v18;
	s28 =	sadd.s32 s1, s28  }
0x3f: {  	v18 =	vmov s31;
	[tilespmem:s21], [sflag:$0x1] =	stream.strided.gather [hbm4b:s28+s16], $0x4000, s17, s16, $0x38;
	[tilespmem:$0x18080] =	vst v63  }
0x40: {  	v20 =	vor.u32 s31, v0;
	v18 =	vshll.u32 v18, $0x3;
	_ =	swait.ge [sflag:s15], $0x4000  }
0x41: {  	v20 =	vand.u32 $0x5F, v20;
	v18 =	vand.u32 $0xFFFFFC00, v18;
	[sflag:s15] =	ssyncset.done $0x0  }
0x42: {  	v41 =	vor.u32 v42, v40;
	v18 =	vor.u32 v20, v18;
	[sflag:s15] =	ssyncadd.s32 $0xFFFFC000  }
0x43: {  	v22 =	vor.u32 v0, v41;
	v20 =	vadd.s32 v18, v40;
	v21 =	vld.idx.msk [tilespmem:v19+s18+$0x0], $0xffff  }
0x44: {  	s29 =	sor.u32 $0x20, s26;
	v20 =	vor.u32 v42, v20  }
0x45: {  	v23 =	vor.u32 s29, v0;
	v19 =	vmov s29  }
0x46: {  	v23 =	vand.u32 $0x6F, v23;
	v19 =	vshll.u32 v19, $0x3  }
0x47: {  	s31 =	simm.s32 $0x1;
	v39 =	vor.u32 v9, v41;
	v54 =	vor.u32 v10, v41;
	v19 =	vand.u32 $0xFFFFFC00, v19  }
0x48: {  	v24 =	vmov s31;
	v61 =	vor.u32 v11, v41;
	v19 =	vor.u32 v23, v19;
	[tilespmem:v22+s22+$0x0] =	vst.idx.msk $0xffff, v21  }
0x49: {  	s31 =	sadd.s32 $0x50, s26;
	v26 =	vshll.u32 v24, $0x8;
	v22 =	vor.u32 v6, v41;
	v21 =	vld.idx.msk [tilespmem:v20+s18+$0x0], $0xffff;
	v20 =	vadd.s32 v19, v40  }
0x4a: {  	s30 =	sor.u32 $0x30, s26;
	v24 =	vshll.u32 v24, $0x7;
	v27 =	vmov s31;
	v25 =	vor.u32 v42, v20  }
0x4b: {  	v33 =	vor.u32 s31, v0;
	v30 =	vand.u32 $0x3800, v26;
	v20 =	vmov s30  }
0x4c: {  	v31 =	vand.u32 $0x380, v24;
	v23 =	vor.u32 s30, v0;
	v20 =	vshll.u32 v20, $0x3  }
0x4d: {  	v24 =	vadd.s32 v17, v30;
	v23 =	vand.u32 $0x7F, v23;
	v20 =	vand.u32 $0xFFFFFC00, v20  }
0x4e: {  	s31 =	sadd.s32 $0x70, s26;
	v27 =	vshll.u32 v27, $0x3;
	v20 =	vor.u32 v23, v20;
	v23 =	vor.u32 v31, v24;
	[tilespmem:v22+s22+$0x0] =	vst.idx.msk $0xffff, v21  }
0x4f: {  	v36 =	vmov s31;
	v24 =	vor.u32 v7, v41;
	v21 =	vadd.s32 v20, v40;
	v22 =	vld.idx.msk [tilespmem:v25+s18+$0x0], $0xffff  }
0x50: {  	v37 =	vor.u32 s31, v0;
	v29 =	vor.u32 v31, v30;
	s30 =	sadd.s32 $0x40, s26;
	v25 =	vor.u32 v42, v21  }
0x51: {  	s31 =	sadd.s32 $0x90, s26;
	v28 =	vadd.s32 v18, v30;
	v27 =	vand.u32 $0xFFFFFC00, v27;
	v21 =	vmov s30  }
0x52: {  	v45 =	vmov s31;
	v26 =	vor.u32 s30, v0;
	v21 =	vshll.u32 v21, $0x3  }
0x53: {  	v32 =	vor.u32 v0, v29;
	v26 =	vand.u32 $0x4F, v26;
	v21 =	vand.u32 $0xFFFFFC00, v21;
	v23 =	vld.idx.msk [tilespmem:v23+s18+$0x0], $0xffff  }
0x54: {  	v46 =	vor.u32 s31, v0;
	v21 =	vor.u32 v26, v21;
	v26 =	vor.u32 v31, v28;
	[tilespmem:v24+s22+$0x0] =	vst.idx.msk $0xffff, v22  }
0x55: {  	v36 =	vshll.u32 v36, $0x3;
	v28 =	vor.u32 v8, v41;
	v22 =	vadd.s32 v21, v40;
	v25 =	vld.idx.msk [tilespmem:v25+s18+$0x0], $0xffff  }
0x56: {  	v51 =	vor.u32 v6, v29;
	v53 =	vor.u32 v7, v29;
	v34 =	vor.u32 v42, v22  }
0x57: {  	v58 =	vor.u32 v8, v29;
	v59 =	vshll.u32 v45, $0x3;
	v45 =	vor.u32 v10, v29;
	s30 =	sadd.s32 $0x60, s26  }
0x58: {  	v35 =	vor.u32 s30, v0;
	v24 =	vmov s30;
	s30 =	simm.s32 $0x2;
	v22 =	vand.u32 $0x5F, v33;
	[tilespmem:v32+s22+$0x0] =	vst.idx.msk $0xffff, v23  }
0x59: {  	s29 =	sadd.s32 $0x80, s26;
	v22 =	vor.u32 v22, v27;
	v27 =	vmov s30;
	v23 =	vld.idx.msk [tilespmem:v26+s18+$0x0], $0xffff;
	v26 =	vadd.s32 v19, v30  }
0x5a: {  	v38 =	vmov s29;
	v52 =	vshll.u32 v27, $0x8;
	v26 =	vor.u32 v31, v26;
	[tilespmem:v28+s22+$0x0] =	vst.idx.msk $0xffff, v25  }
0x5b: {  	v27 =	vshll.u32 v27, $0x7;
	v28 =	vadd.s32 v22, v40;
	v25 =	vld.idx.msk [tilespmem:v34+s18+$0x0], $0xffff;
	v34 =	vand.u32 $0x3800, v52  }
0x5c: {  	v33 =	vand.u32 $0x380, v27;
	v43 =	vor.u32 v42, v28;
	v27 =	vadd.s32 v17, v34  }
0x5d: {  	v44 =	vor.u32 s29, v0;
	v24 =	vshll.u32 v24, $0x3;
	s30 =	sadd.s32 $0xA0, s26;
	v27 =	vor.u32 v33, v27  }
0x5e: {  	v47 =	vor.u32 s30, v0;
	v28 =	vand.u32 $0x6F, v35;
	v32 =	vor.u32 v33, v34;
	[tilespmem:v51+s22+$0x0] =	vst.idx.msk $0xffff, v23  }
0x5f: {  	v57 =	vadd.s32 v18, v34;
	v23 =	vand.u32 $0xFFFFFC00, v24;
	v24 =	vld.idx.msk [tilespmem:v26+s18+$0x0], $0xffff;
	v26 =	vadd.s32 v20, v30  }
0x60: {  	v47 =	vand.u32 $0x6F, v47;
	v28 =	vor.u32 v28, v23;
	v23 =	vor.u32 v31, v26;
	[tilespmem:v39+s22+$0x0] =	vst.idx.msk $0xffff, v25  }
0x61: {  	v48 =	vor.u32 v0, v32;
	v55 =	vadd.s32 v28, v40;
	v25 =	vand.u32 $0x7F, v37;
	v26 =	vld.idx.msk [tilespmem:v43+s18+$0x0], $0xffff  }
0x62: {  	v39 =	vor.u32 v42, v55;
	v55 =	vor.u32 v6, v32;
	v56 =	vld.idx.msk [tilespmem:v27+s18+$0x0], $0xffff;
	v27 =	vand.u32 $0xFFFFFC00, v36  }
0x63: {  	v36 =	vor.u32 v33, v57;
	v57 =	vor.u32 v9, v29;
	v27 =	vor.u32 v25, v27  }
0x64: {  	v25 =	vand.u32 $0x4F, v44;
	[tilespmem:v53+s22+$0x0] =	vst.idx.msk $0xffff, v24;
	v24 =	vshll.u32 v38, $0x3;
	v53 =	vadd.s32 v21, v34  }
0x65: {  	v35 =	vld.idx.msk [tilespmem:v23+s18+$0x0], $0xffff;
	v23 =	vadd.s32 v21, v30;
	v24 =	vand.u32 $0xFFFFFC00, v24;
	v62 =	vadd.s32 v27, v40  }
0x66: {  	s31 =	simm.s32 $0x3;
	v60 =	vor.u32 v31, v23;
	v23 =	vor.u32 v25, v24;
	v24 =	vand.u32 $0x5F, v46  }
0x67: {  	v43 =	vor.u32 v42, v62;
	[tilespmem:v54+s22+$0x0] =	vst.idx.msk $0xffff, v26;
	v26 =	vadd.s32 v19, v34;
	v54 =	vmov s31  }
0x68: {  	v25 =	vand.u32 $0xFFFFFC00, v59;
	v59 =	vadd.s32 v23, v40;
	[tilespmem:v48+s22+$0x0] =	vst.idx.msk $0xffff, v56;
	v37 =	vld.idx.msk [tilespmem:v39+s18+$0x0], $0xffff;
	v56 =	vshll.u32 v54, $0x8  }
0x69: {  	v49 =	vor.u32 v33, v26;
	v26 =	vadd.s32 v22, v30;
	v62 =	vor.u32 v42, v59;
	v63 =	vld.idx.msk [tilespmem:v36+s18+$0x0], $0xffff  }
0x6a: {  	v36 =	vshll.u32 v54, $0x7;
	v50 =	vor.u32 v31, v26;
	v26 =	vor.u32 v24, v25;
	[tilespmem:v58+s22+$0x0] =	vst.idx.msk $0xffff, v35  }
0x6b: {  	v25 =	vmov s30;
	v35 =	vand.u32 $0x3800, v56;
	v36 =	vand.u32 $0x380, v36;
	v38 =	vld.idx.msk [tilespmem:v60+s18+$0x0], $0xffff  }
0x6c: {  	v58 =	vor.u32 v12, v41;
	v25 =	vshll.u32 v25, $0x3;
	v48 =	vadd.s32 v17, v35  }
0x6d: {  	v60 =	vadd.s32 v20, v34;
	v25 =	vand.u32 $0xFFFFFC00, v25;
	v24 =	vor.u32 v36, v48;
	[tilespmem:v61+s22+$0x0] =	vst.idx.msk $0xffff, v37  }
0x6e: {  	v46 =	vor.u32 v33, v60;
	v25 =	vor.u32 v47, v25;
	[tilespmem:v55+s22+$0x0] =	vst.idx.msk $0xffff, v63;
	v39 =	vld.idx.msk [tilespmem:v43+s18+$0x0], $0xffff  }
0x6f: {  	s26 =	sadd.s32 $0xB0, s26;
	v48 =	vor.u32 v12, v29;
	v61 =	vor.u32 v7, v32;
	v37 =	vor.u32 v36, v35;
	v44 =	vld.idx.msk [tilespmem:v49+s18+$0x0], $0xffff  }
0x70: {  	v51 =	vor.u32 s26, v0;
	v54 =	vadd.s32 v25, v40;
	v63 =	vadd.s32 v28, v30;
	[tilespmem:v57+s22+$0x0] =	vst.idx.msk $0xffff, v38  }
0x71: {  	v52 =	vor.u32 v0, v37;
	v54 =	vor.u32 v42, v54;
	v57 =	vadd.s32 v18, v35;
	v38 =	vld.idx.msk [tilespmem:v50+s18+$0x0], $0xffff  }
0x72: {  	v47 =	vor.u32 v31, v63;
	v63 =	vor.u32 v8, v32;
	v56 =	vld.idx.msk [tilespmem:v24+s18+$0x0], $0xffff;
	v59 =	vor.u32 v36, v57  }
0x73: {  	v24 =	vand.u32 $0x7F, v51;
	v57 =	vadd.s32 v27, v30;
	v51 =	vor.u32 v15, v41;
	[tilespmem:v58+s22+$0x0] =	vst.idx.msk $0xffff, v39  }
0x74: {  	[tilespmem:v61+s22+$0x0] =	vst.idx.msk $0xffff, v44;
	v60 =	vld.idx.msk [tilespmem:v62+s18+$0x0], $0xffff;
	v61 =	vor.u32 v13, v41;
	v62 =	vadd.s32 v26, v40  }
0x75: {  	v50 =	vor.u32 v31, v57;
	v58 =	vmov s26;
	v46 =	vld.idx.msk [tilespmem:v46+s18+$0x0], $0xffff;
	v49 =	vor.u32 v42, v62  }
0x76: {  	v57 =	vor.u32 v9, v32;
	v39 =	vshll.u32 v58, $0x3;
	[tilespmem:v45+s22+$0x0] =	vst.idx.msk $0xffff, v38;
	v38 =	vor.u32 v33, v53  }
0x77: {  	v39 =	vand.u32 $0xFFFFFC00, v39;
	[tilespmem:v52+s22+$0x0] =	vst.idx.msk $0xffff, v56;
	v45 =	vld.idx.msk [tilespmem:v47+s18+$0x0], $0xffff;
	v47 =	vor.u32 v11, v29  }
0x78: {  	s30 =	simm.s32 $0x4;
	v62 =	vadd.s32 v22, v34;
	v56 =	vadd.s32 v19, v35;
	v43 =	vld.idx.msk [tilespmem:v59+s18+$0x0], $0xffff;
	v59 =	vor.u32 v6, v37  }
0x79: {  	v58 =	vmov s30;
	v24 =	vor.u32 v24, v39;
	v52 =	vor.u32 v36, v56;
	[tilespmem:v61+s22+$0x0] =	vst.idx.msk $0xffff, v60  }
0x7a: {  	v60 =	vshll.u32 v58, $0x8;
	[tilespmem:v63+s22+$0x0] =	vst.idx.msk $0xffff, v46;
	v46 =	vld.idx.msk [tilespmem:v49+s18+$0x0], $0xffff;
	v63 =	vor.u32 v14, v41  }
0x7b: {  	v56 =	vadd.s32 v28, v34;
	v61 =	vshll.u32 v58, $0x7;
	v39 =	vand.u32 $0x3800, v60;
	v55 =	vld.idx.msk [tilespmem:v38+s18+$0x0], $0xffff  }
0x7c: {  	v49 =	vor.u32 v33, v62;
	v38 =	vand.u32 $0x380, v61;
	v58 =	vadd.s32 v17, v39;
	[tilespmem:v47+s22+$0x0] =	vst.idx.msk $0xffff, v45  }
0x7d: {  	v60 =	vadd.s32 v23, v30;
	v45 =	vor.u32 v38, v58;
	[tilespmem:v59+s22+$0x0] =	vst.idx.msk $0xffff, v43;
	v47 =	vld.idx.msk [tilespmem:v50+s18+$0x0], $0xffff  }
0x7e: {  	v61 =	vor.u32 v7, v37;
	v59 =	vadd.s32 v20, v35;
	v52 =	vld.idx.msk [tilespmem:v52+s18+$0x0], $0xffff;
	v50 =	vor.u32 v31, v60  }
0x7f: {  	v62 =	vadd.s32 v24, v40;
	v43 =	vor.u32 v36, v59;
	[tilespmem:v63+s22+$0x0] =	vst.idx.msk $0xffff, v46  }
0x80: {  	v56 =	vor.u32 v33, v56;
	v42 =	vor.u32 v42, v62;
	[tilespmem:v57+s22+$0x0] =	vst.idx.msk $0xffff, v55;
	v44 =	vld.idx.msk [tilespmem:v54+s18+$0x0], $0xffff  }
0x81: {  	v40 =	vor.u32 v38, v39;
	v63 =	vadd.s32 v18, v39;
	v55 =	vor.u32 v10, v32;
	v49 =	vld.idx.msk [tilespmem:v49+s18+$0x0], $0xffff  }
0x82: {  	v46 =	vor.u32 v0, v40;
	v54 =	vor.u32 v38, v63;
	v45 =	vld.idx.msk [tilespmem:v45+s18+$0x0], $0xffff;
	[tilespmem:v48+s22+$0x0] =	vst.idx.msk $0xffff, v47  }
0x83: {  	v57 =	vor.u32 v13, v29;
	[tilespmem:v61+s22+$0x0] =	vst.idx.msk $0xffff, v52;
	v53 =	vld.idx.msk [tilespmem:v50+s18+$0x0], $0xffff;
	v50 =	vadd.s32 v26, v30  }
0x84: {  	v59 =	vor.u32 v8, v37;
	v52 =	vadd.s32 v21, v35;
	v58 =	vld.idx.msk [tilespmem:v43+s18+$0x0], $0xffff;
	v60 =	vor.u32 v31, v50  }
0x85: {  	v50 =	vor.u32 v36, v52;
	[tilespmem:v51+s22+$0x0] =	vst.idx.msk $0xffff, v44  }
0x86: {  	v41 =	vor.u32 v16, v41;
	v62 =	vadd.s32 v27, v34;
	[tilespmem:v55+s22+$0x0] =	vst.idx.msk $0xffff, v49;
	v42 =	vld.idx.msk [tilespmem:v42+s18+$0x0], $0xffff  }
0x87: {  	s31 =	simm.s32 $0x5;
	v61 =	vadd.s32 v19, v39;
	v48 =	vor.u32 v11, v32;
	[tilespmem:v46+s22+$0x0] =	vst.idx.msk $0xffff, v45;
	v47 =	vld.idx.msk [tilespmem:v56+s18+$0x0], $0xffff  }
0x88: {  	v63 =	vmov s31;
	v52 =	vor.u32 v6, v40;
	v49 =	vor.u32 v33, v62;
	v51 =	vld.idx.msk [tilespmem:v54+s18+$0x0], $0xffff;
	[tilespmem:v57+s22+$0x0] =	vst.idx.msk $0xffff, v53  }
0x89: {  	s26 =	simm.s32 $0x6;
	v43 =	vshll.u32 v63, $0x7;
	v44 =	vshll.u32 v63, $0x8;
	v53 =	vor.u32 v38, v61;
	[tilespmem:v59+s22+$0x0] =	vst.idx.msk $0xffff, v58;
	v46 =	vld.idx.msk [tilespmem:v60+s18+$0x0], $0xffff  }
.LBB2_2:
0x8a: {  	p0 =	sne.s32 s26, $0x3F;
	v45 =	vld.idx.msk [tilespmem:v50+s18+$0x0], $0xffff;
	v50 =	vadd.s32 v22, v35;
	v54 =	vor.u32 v14, v29;
	v55 =	vadd.s32 v25, v30  }
0x8b: {  	v44 =	vand.u32 $0x3800, v44;
	v56 =	vor.u32 v9, v37;
	v55 =	vor.u32 v31, v55;
	[tilespmem:v41+s22+$0x0] =	vst.idx.msk $0xffff, v42  }
0x8c: {  	v43 =	vand.u32 $0x380, v43;
	v41 =	vadd.s32 v17, v44;
	v42 =	vor.u32 v36, v50;
	[tilespmem:v48+s22+$0x0] =	vst.idx.msk $0xffff, v47  }
0x8d: {  	v57 =	vmov v32;
	v32 =	vmov v37;
	v41 =	vor.u32 v43, v41;
	[tilespmem:v52+s22+$0x0] =	vst.idx.msk $0xffff, v51;
	v47 =	vld.idx.msk [tilespmem:v49+s18+$0x0], $0xffff  }
0x8e: {  	v50 =	vor.u32 v12, v57;
	v49 =	vadd.s32 v20, v39;
	v48 =	vld.idx.msk [tilespmem:v53+s18+$0x0], $0xffff;
	v53 =	vadd.s32 v23, v34  }
0x8f: {  	v37 =	vmov v40;
	v51 =	vor.u32 v7, v40;
	v52 =	vor.u32 v33, v53;
	[tilespmem:v54+s22+$0x0] =	vst.idx.msk $0xffff, v46  }
0x90: {  	v30 =	vadd.s32 v24, v30;
	v46 =	vor.u32 v38, v49;
	[tilespmem:v56+s22+$0x0] =	vst.idx.msk $0xffff, v45;
	v45 =	vld.idx.msk [tilespmem:v55+s18+$0x0], $0xffff  }
0x91: {  	v49 =	vadd.s32 v18, v44;
	v53 =	vadd.s32 v28, v35;
	v54 =	vor.u32 v15, v29;
	v42 =	vld.idx.msk [tilespmem:v42+s18+$0x0], $0xffff  }
0x92: {  	v31 =	vor.u32 v31, v30;
	v40 =	vor.u32 v43, v44;
	v55 =	vor.u32 v10, v32;
	v41 =	vld.idx.msk [tilespmem:v41+s18+$0x0], $0xffff  }
0x93: {  	v30 =	vmov v34;
	v56 =	vor.u32 v0, v40;
	v53 =	vor.u32 v36, v53;
	[tilespmem:v50+s22+$0x0] =	vst.idx.msk $0xffff, v47  }
0x94: {  	v34 =	vmov v35;
	v35 =	vmov v39;
	v49 =	vor.u32 v43, v49;
	[tilespmem:v51+s22+$0x0] =	vst.idx.msk $0xffff, v48;
	v58 =	vld.idx.msk [tilespmem:v52+s18+$0x0], $0xffff  }
0x95: {  	v59 =	vor.u32 v13, v57;
	v47 =	vadd.s32 v21, v35;
	v48 =	vadd.s32 v26, v30;
	v46 =	vld.idx.msk [tilespmem:v46+s18+$0x0], $0xffff  }
0x96: {  	v60 =	vor.u32 v8, v37;
	v39 =	vmov v44;
	v61 =	vor.u32 v33, v48;
	[tilespmem:v54+s22+$0x0] =	vst.idx.msk $0xffff, v45  }
.Ltmp0:
0x97: {  	v50 =	vor.u32 v38, v47;
	[tilespmem:v55+s22+$0x0] =	vst.idx.msk $0xffff, v42;
	v42 =	vld.idx.msk [tilespmem:v31+s18+$0x0], $0xffff;
	v31 =	vmov v33;
	v33 =	vmov v36;
	(pc) =	sbr.rel @p0 .LBB2_2-.Ltmp0, $4  }
0x98: {  	v36 =	vmov v38;
	v38 =	vmov v43;
	[tilespmem:v56+s22+$0x0] =	vst.idx.msk $0xffff, v41;
	v47 =	vld.idx.msk [tilespmem:v53+s18+$0x0], $0xffff;
	v41 =	vor.u32 v16, v29  }
0x99: {  	v44 =	vadd.s32 v27, v34;
	v48 =	vor.u32 v11, v32;
	v45 =	vadd.s32 v19, v39;
	v51 =	vld.idx.msk [tilespmem:v49+s18+$0x0], $0xffff  }
0x9a: {  	v52 =	vor.u32 v6, v40;
	v43 =	vmov s26;
	v29 =	vmovc v57;
	v49 =	vor.u32 v33, v44;
	[tilespmem:v59+s22+$0x0] =	vst.idx.msk $0xffff, v58  }
0x9b: {  	s26 =	sadd.s32 $0x1, s26;
	v53 =	vor.u32 v38, v45;
	v44 =	vshll.u32 v43, $0x8;
	v43 =	vshll.u32 v43, $0x7;
	[tilespmem:v60+s22+$0x0] =	vst.idx.msk $0xffff, v46;
	v46 =	vld.idx.msk [tilespmem:v61+s18+$0x0], $0xffff  }
0x9c: {  	v45 =	vand.u32 $0x3800, v44  }
0x9d: {  	v44 =	vand.u32 $0x380, v43;
	v61 =	vadd.s32 v17, v45  }
0x9e: {  	v54 =	vor.u32 v44, v61;
	_ =	sdelay $0x3  }
0x9f: {  	v43 =	vor.u32 v44, v45  }
0xa0: {  	v55 =	vadd.s32 v18, v45;
	v56 =	vor.u32 v0, v43;
	v54 =	vld.idx.msk [tilespmem:v54+s18+$0x0], $0xffff  }
0xa1: {  	v55 =	vor.u32 v44, v55;
	_ =	sdelay $0x3  }
0xa2: {  	[tilespmem:v56+s22+$0x0] =	vst.idx.msk $0xffff, v54  }
0xa3: {  	v62 =	vadd.s32 v19, v45;
	v63 =	vor.u32 v6, v43;
	v54 =	vld.idx.msk [tilespmem:v55+s18+$0x0], $0xffff  }
0xa4: {  	v55 =	vor.u32 v44, v62;
	_ =	sdelay $0x2  }
0xa5: {  	[tilespmem:v52+s22+$0x0] =	vst.idx.msk $0xffff, v51  }
0xa6: {  	v60 =	vadd.s32 v20, v39;
	v61 =	vor.u32 v7, v40;
	v51 =	vld.idx.msk [tilespmem:v53+s18+$0x0], $0xffff;
	[tilespmem:v63+s22+$0x0] =	vst.idx.msk $0xffff, v54  }
0xa7: {  	v52 =	vor.u32 v38, v60;
	v62 =	vadd.s32 v20, v45;
	v63 =	vor.u32 v7, v43;
	v54 =	vld.idx.msk [tilespmem:v55+s18+$0x0], $0xffff  }
0xa8: {  	v55 =	vor.u32 v44, v62;
	_ =	sdelay $0x2  }
0xa9: {  	[tilespmem:v61+s22+$0x0] =	vst.idx.msk $0xffff, v51  }
0xaa: {  	v60 =	vadd.s32 v21, v39;
	v61 =	vor.u32 v8, v40;
	v51 =	vld.idx.msk [tilespmem:v52+s18+$0x0], $0xffff;
	[tilespmem:v63+s22+$0x0] =	vst.idx.msk $0xffff, v54  }
0xab: {  	v52 =	vor.u32 v38, v60;
	v62 =	vadd.s32 v21, v45;
	v63 =	vor.u32 v8, v43;
	v54 =	vld.idx.msk [tilespmem:v55+s18+$0x0], $0xffff  }
0xac: {  	v55 =	vor.u32 v44, v62;
	_ =	sdelay $0x1  }
0xad: {  	v57 =	vadd.s32 v22, v35  }
0xae: {  	v50 =	vld.idx.msk [tilespmem:v50+s18+$0x0], $0xffff;
	v58 =	vor.u32 v9, v37;
	v57 =	vor.u32 v36, v57;
	[tilespmem:v61+s22+$0x0] =	vst.idx.msk $0xffff, v51  }
0xaf: {  	v53 =	vor.u32 v9, v40;
	v60 =	vadd.s32 v22, v39;
	v51 =	vld.idx.msk [tilespmem:v52+s18+$0x0], $0xffff;
	[tilespmem:v63+s22+$0x0] =	vst.idx.msk $0xffff, v54  }
0xb0: {  	v61 =	vadd.s32 v22, v45;
	v52 =	vor.u32 v38, v60;
	v62 =	vor.u32 v9, v43;
	v54 =	vld.idx.msk [tilespmem:v55+s18+$0x0], $0xffff  }
0xb1: {  	v55 =	vor.u32 v44, v61;
	_ =	sdelay $0x1  }
0xb2: {  	[tilespmem:v58+s22+$0x0] =	vst.idx.msk $0xffff, v50;
	v60 =	vor.u32 v10, v37  }
0xb3: {  	v57 =	vld.idx.msk [tilespmem:v57+s18+$0x0], $0xffff;
	[tilespmem:v53+s22+$0x0] =	vst.idx.msk $0xffff, v51;
	v53 =	vor.u32 v10, v40;
	v63 =	vadd.s32 v28, v35  }
0xb4: {  	v51 =	vld.idx.msk [tilespmem:v52+s18+$0x0], $0xffff;
	v50 =	vor.u32 v36, v63;
	v61 =	vadd.s32 v28, v39;
	[tilespmem:v62+s22+$0x0] =	vst.idx.msk $0xffff, v54  }
0xb5: {  	v63 =	vor.u32 v10, v43;
	v52 =	vor.u32 v38, v61;
	v62 =	vadd.s32 v28, v45;
	v54 =	vld.idx.msk [tilespmem:v55+s18+$0x0], $0xffff  }
0xb6: {  	[tilespmem:v48+s22+$0x0] =	vst.idx.msk $0xffff, v47;
	v55 =	vor.u32 v44, v62  }
0xb7: {  	v59 =	vadd.s32 v23, v34;
	v47 =	vor.u32 v12, v32;
	v49 =	vld.idx.msk [tilespmem:v49+s18+$0x0], $0xffff  }
0xb8: {  	v48 =	vor.u32 v33, v59;
	[tilespmem:v60+s22+$0x0] =	vst.idx.msk $0xffff, v57;
	v60 =	vadd.s32 v27, v35  }
0xb9: {  	v57 =	vor.u32 v36, v60;
	[tilespmem:v53+s22+$0x0] =	vst.idx.msk $0xffff, v51;
	v61 =	vor.u32 v11, v37;
	v50 =	vld.idx.msk [tilespmem:v50+s18+$0x0], $0xffff  }
0xba: {  	v51 =	vld.idx.msk [tilespmem:v52+s18+$0x0], $0xffff;
	v52 =	vor.u32 v11, v40;
	v62 =	vadd.s32 v27, v39;
	[tilespmem:v63+s22+$0x0] =	vst.idx.msk $0xffff, v54  }
0xbb: {  	v53 =	vor.u32 v38, v62;
	v63 =	vadd.s32 v27, v45;
	v54 =	vld.idx.msk [tilespmem:v55+s18+$0x0], $0xffff;
	v55 =	vor.u32 v11, v43  }
0xbc: {  	[tilespmem:v47+s22+$0x0] =	vst.idx.msk $0xffff, v49;
	v56 =	vor.u32 v44, v63  }
0xbd: {  	v59 =	vadd.s32 v26, v34;
	v47 =	vor.u32 v13, v32;
	v48 =	vld.idx.msk [tilespmem:v48+s18+$0x0], $0xffff  }
0xbe: {  	v49 =	vor.u32 v33, v59;
	v60 =	vadd.s32 v23, v35;
	[tilespmem:v61+s22+$0x0] =	vst.idx.msk $0xffff, v50  }
0xbf: {  	v62 =	vadd.s32 v23, v39;
	v61 =	vor.u32 v12, v37;
	v57 =	vld.idx.msk [tilespmem:v57+s18+$0x0], $0xffff;
	[tilespmem:v52+s22+$0x0] =	vst.idx.msk $0xffff, v51  }
0xc0: {  	v50 =	vor.u32 v36, v60;
	v52 =	vor.u32 v12, v40;
	v51 =	vld.idx.msk [tilespmem:v53+s18+$0x0], $0xffff;
	[tilespmem:v55+s22+$0x0] =	vst.idx.msk $0xffff, v54  }
0xc1: {  	v53 =	vor.u32 v38, v62;
	v63 =	vadd.s32 v23, v45;
	v55 =	vor.u32 v12, v43;
	v54 =	vld.idx.msk [tilespmem:v56+s18+$0x0], $0xffff  }
0xc2: {  	[tilespmem:v47+s22+$0x0] =	vst.idx.msk $0xffff, v48;
	v56 =	vor.u32 v44, v63  }
0xc3: {  	v48 =	vld.idx.msk [tilespmem:v49+s18+$0x0], $0xffff;
	v49 =	vor.u32 v14, v32  }
0xc4: {  	v58 =	vor.u32 v13, v37;
	v60 =	vor.u32 v14, v29;
	[tilespmem:v61+s22+$0x0] =	vst.idx.msk $0xffff, v57  }
0xc5: {  	v62 =	vadd.s32 v26, v39;
	v61 =	vadd.s32 v26, v35;
	v50 =	vld.idx.msk [tilespmem:v50+s18+$0x0], $0xffff;
	[tilespmem:v52+s22+$0x0] =	vst.idx.msk $0xffff, v51  }
0xc6: {  	v57 =	vor.u32 v36, v61;
	v52 =	vor.u32 v13, v40;
	v51 =	vld.idx.msk [tilespmem:v53+s18+$0x0], $0xffff;
	[tilespmem:v55+s22+$0x0] =	vst.idx.msk $0xffff, v54  }
0xc7: {  	v53 =	vor.u32 v38, v62;
	v63 =	vadd.s32 v26, v45;
	v55 =	vor.u32 v13, v43;
	v54 =	vld.idx.msk [tilespmem:v56+s18+$0x0], $0xffff  }
0xc8: {  	v59 =	vor.u32 v14, v40;
	[tilespmem:v49+s22+$0x0] =	vst.idx.msk $0xffff, v48;
	v61 =	vor.u32 v44, v63  }
0xc9: {  	[tilespmem:v60+s22+$0x0] =	vst.idx.msk $0xffff, v46;
	v60 =	vadd.s32 v25, v30;
	v62 =	vadd.s32 v25, v34  }
0xca: {  	v46 =	vor.u32 v31, v60;
	v48 =	vor.u32 v33, v62;
	[tilespmem:v58+s22+$0x0] =	vst.idx.msk $0xffff, v50  }
0xcb: {  	v63 =	vadd.s32 v25, v35;
	v50 =	vld.idx.msk [tilespmem:v57+s18+$0x0], $0xffff;
	[tilespmem:v52+s22+$0x0] =	vst.idx.msk $0xffff, v51;
	v56 =	vor.u32 v14, v37  }
0xcc: {  	v60 =	vadd.s32 v25, v39;
	v49 =	vor.u32 v36, v63;
	v51 =	vld.idx.msk [tilespmem:v53+s18+$0x0], $0xffff;
	[tilespmem:v55+s22+$0x0] =	vst.idx.msk $0xffff, v54  }
0xcd: {  	v62 =	vadd.s32 v25, v45;
	v53 =	vor.u32 v38, v60;
	v47 =	vld.idx.msk [tilespmem:v61+s18+$0x0], $0xffff;
	v61 =	vor.u32 v14, v43  }
0xce: {  	v30 =	vadd.s32 v24, v30;
	v63 =	vadd.s32 v24, v34;
	v55 =	vor.u32 v44, v62  }
0xcf: {  	v30 =	vor.u32 v31, v30;
	v31 =	vor.u32 v15, v29;
	v46 =	vld.idx.msk [tilespmem:v46+s18+$0x0], $0xffff;
	v33 =	vor.u32 v33, v63  }
0xd0: {  	v57 =	vor.u32 v15, v37;
	v34 =	vld.idx.msk [tilespmem:v48+s18+$0x0], $0xffff;
	v48 =	vor.u32 v15, v32;
	[tilespmem:v56+s22+$0x0] =	vst.idx.msk $0xffff, v50  }
0xd1: {  	v60 =	vor.u32 v15, v40;
	v56 =	vadd.s32 v24, v35;
	[tilespmem:v59+s22+$0x0] =	vst.idx.msk $0xffff, v51;
	v49 =	vld.idx.msk [tilespmem:v49+s18+$0x0], $0xffff  }
0xd2: {  	v59 =	vadd.s32 v24, v39;
	v35 =	vor.u32 v36, v56;
	v58 =	vld.idx.msk [tilespmem:v53+s18+$0x0], $0xffff;
	[tilespmem:v61+s22+$0x0] =	vst.idx.msk $0xffff, v47  }
0xd3: {  	v45 =	vadd.s32 v24, v45;
	v63 =	vor.u32 v15, v43;
	v61 =	vor.u32 v38, v59;
	v62 =	vld.idx.msk [tilespmem:v55+s18+$0x0], $0xffff  }
0xd4: {  	[tilespmem:v31+s22+$0x0] =	vst.idx.msk $0xffff, v46;
	v31 =	vor.u32 v44, v45  }
0xd5: {  	v29 =	vor.u32 v16, v29;
	v30 =	vld.idx.msk [tilespmem:v30+s18+$0x0], $0xffff;
	[tilespmem:v48+s22+$0x0] =	vst.idx.msk $0xffff, v34  }
0xd6: {  	v48 =	vor.u32 v16, v32;
	v33 =	vld.idx.msk [tilespmem:v33+s18+$0x0], $0xffff;
	[tilespmem:v57+s22+$0x0] =	vst.idx.msk $0xffff, v49  }
0xd7: {  	v52 =	vor.u32 v16, v37;
	[tilespmem:v60+s22+$0x0] =	vst.idx.msk $0xffff, v58;
	v50 =	vld.idx.msk [tilespmem:v35+s18+$0x0], $0xffff  }
0xd8: {  	v53 =	vor.u32 v16, v40;
	v36 =	vld.idx.msk [tilespmem:v61+s18+$0x0], $0xffff;
	[tilespmem:v63+s22+$0x0] =	vst.idx.msk $0xffff, v62  }
0xd9: {  	[tilespmem:v41+s22+$0x0] =	vst.idx.msk $0xffff, v42;
	s26 =	simm.s32 $0x0;
	v54 =	vor.u32 v16, v43;
	v31 =	vld.idx.msk [tilespmem:v31+s18+$0x0], $0xffff  }
0xda: {  	[tilespmem:v29+s22+$0x0] =	vst.idx.msk $0xffff, v30;
	v29 =	vmov s26  }
0xdb: {  	v30 =	vshll.u32 v29, $0x8;
	[tilespmem:v48+s22+$0x0] =	vst.idx.msk $0xffff, v33  }
0xdc: {  	v29 =	vshll.u32 v29, $0x7;
	v40 =	vand.u32 $0x3800, v30;
	[tilespmem:v52+s22+$0x0] =	vst.idx.msk $0xffff, v50  }
0xdd: {  	v41 =	vand.u32 $0x380, v29;
	v29 =	vadd.s32 v17, v40;
	[tilespmem:v53+s22+$0x0] =	vst.idx.msk $0xffff, v36  }
0xde: {  	v29 =	vor.u32 v41, v29;
	[tilespmem:v54+s22+$0x0] =	vst.idx.msk $0xffff, v31  }
0xdf: {  	[hbm4b:s9+s26] =	stream.linear.scatter [tilespmem:s22], [sflag:$0x2], $0x4000, $0x38;
	[tilespmem:$0x18080] =	vst v63  }
0xe0: {  	_ =	swait.ge [sflag:s15], $0x4000  }
0xe1: {  	[sflag:s15] =	ssyncset.done $0x0  }
0xe2: {  	v42 =	vor.u32 v41, v40;
	[sflag:s15] =	ssyncadd.s32 $0xFFFFC000  }
0xe3: {  	v30 =	vadd.s32 v18, v40;
	v31 =	vor.u32 v0, v42;
	v29 =	vld.idx.msk [tilespmem:v29+s19+$0x0], $0xffff  }
0xe4: {  	v30 =	vor.u32 v41, v30;
	_ =	sdelay $0x3  }
0xe5: {  	s31 =	simm.s32 $0x1;
	[tilespmem:v31+s23+$0x0] =	vst.idx.msk $0xffff, v29  }
0xe6: {  	v55 =	vmov s31;
	v31 =	vor.u32 v6, v42;
	v29 =	vld.idx.msk [tilespmem:v30+s19+$0x0], $0xffff;
	v30 =	vadd.s32 v19, v40  }
0xe7: {  	v56 =	vor.u32 v41, v30;
	v30 =	vshll.u32 v55, $0x8  }
0xe8: {  	v32 =	vshll.u32 v55, $0x7;
	v30 =	vand.u32 $0x3800, v30  }
0xe9: {  	v32 =	vand.u32 $0x380, v32;
	v57 =	vadd.s32 v17, v30  }
0xea: {  	v34 =	vor.u32 v32, v57  }
0xeb: {  	[tilespmem:v31+s23+$0x0] =	vst.idx.msk $0xffff, v29  }
0xec: {  	v58 =	vor.u32 v7, v42;
	v29 =	vadd.s32 v20, v40;
	v31 =	vld.idx.msk [tilespmem:v56+s19+$0x0], $0xffff  }
0xed: {  	v59 =	vor.u32 v41, v29  }
0xee: {  	v29 =	vor.u32 v32, v30  }
0xef: {  	v60 =	vadd.s32 v18, v30;
	v61 =	vor.u32 v0, v29;
	v34 =	vld.idx.msk [tilespmem:v34+s19+$0x0], $0xffff  }
0xf0: {  	v36 =	vor.u32 v32, v60  }
0xf1: {  	[tilespmem:v58+s23+$0x0] =	vst.idx.msk $0xffff, v31  }
0xf2: {  	v62 =	vadd.s32 v21, v40;
	v63 =	vor.u32 v8, v42;
	v31 =	vld.idx.msk [tilespmem:v59+s19+$0x0], $0xffff  }
0xf3: {  	v33 =	vor.u32 v41, v62  }
0xf4: {  	[tilespmem:v61+s23+$0x0] =	vst.idx.msk $0xffff, v34  }
0xf5: {  	s28 =	simm.s32 $0x2;
	v45 =	vadd.s32 v19, v30;
	v47 =	vor.u32 v6, v29;
	v36 =	vld.idx.msk [tilespmem:v36+s19+$0x0], $0xffff  }
0xf6: {  	v46 =	vmov s28;
	v49 =	vor.u32 v32, v45  }
0xf7: {  	v37 =	vshll.u32 v46, $0x7;
	v48 =	vshll.u32 v46, $0x8;
	[tilespmem:v63+s23+$0x0] =	vst.idx.msk $0xffff, v31  }
0xf8: {  	v51 =	vor.u32 v9, v42;
	v50 =	vadd.s32 v22, v40;
	v34 =	vand.u32 $0x3800, v48;
	v31 =	vld.idx.msk [tilespmem:v33+s19+$0x0], $0xffff  }
0xf9: {  	v35 =	vor.u32 v41, v50;
	v52 =	vadd.s32 v17, v34;
	v33 =	vand.u32 $0x380, v37  }
0xfa: {  	v37 =	vor.u32 v33, v52;
	[tilespmem:v47+s23+$0x0] =	vst.idx.msk $0xffff, v36  }
0xfb: {  	v53 =	vadd.s32 v20, v30;
	v54 =	vor.u32 v7, v29;
	v36 =	vld.idx.msk [tilespmem:v49+s19+$0x0], $0xffff  }
0xfc: {  	v38 =	vor.u32 v32, v53  }
0xfd: {  	[tilespmem:v51+s23+$0x0] =	vst.idx.msk $0xffff, v31  }
0xfe: {  	v55 =	vor.u32 v10, v42;
	v56 =	vadd.s32 v28, v40;
	v31 =	vor.u32 v33, v34;
	v35 =	vld.idx.msk [tilespmem:v35+s19+$0x0], $0xffff  }
0xff: {  	v44 =	vor.u32 v41, v56;
	v58 =	vadd.s32 v18, v34;
	v37 =	vld.idx.msk [tilespmem:v37+s19+$0x0], $0xffff;
	v57 =	vor.u32 v0, v31  }
0x100: {  	v46 =	vor.u32 v33, v58;
	[tilespmem:v54+s23+$0x0] =	vst.idx.msk $0xffff, v36  }
0x101: {  	v60 =	vor.u32 v8, v29;
	v59 =	vadd.s32 v21, v30;
	v36 =	vld.idx.msk [tilespmem:v38+s19+$0x0], $0xffff  }
0x102: {  	v38 =	vor.u32 v32, v59  }
0x103: {  	v62 =	vadd.s32 v19, v34;
	[tilespmem:v55+s23+$0x0] =	vst.idx.msk $0xffff, v35  }
0x104: {  	s29 =	simm.s32 $0x3;
	v63 =	vor.u32 v11, v42;
	v51 =	vadd.s32 v27, v40;
	[tilespmem:v57+s23+$0x0] =	vst.idx.msk $0xffff, v37;
	v61 =	vld.idx.msk [tilespmem:v44+s19+$0x0], $0xffff  }
0x105: {  	v52 =	vmov s29;
	v53 =	vor.u32 v6, v31;
	v45 =	vld.idx.msk [tilespmem:v46+s19+$0x0], $0xffff;
	v44 =	vor.u32 v41, v51  }
0x106: {  	v56 =	vadd.s32 v22, v30;
	v54 =	vshll.u32 v52, $0x8;
	v55 =	vor.u32 v33, v62;
	[tilespmem:v60+s23+$0x0] =	vst.idx.msk $0xffff, v36  }
0x107: {  	v35 =	vand.u32 $0x3800, v54;
	v57 =	vor.u32 v9, v29;
	v46 =	vshll.u32 v52, $0x7;
	v38 =	vld.idx.msk [tilespmem:v38+s19+$0x0], $0xffff  }
0x108: {  	v43 =	vor.u32 v32, v56;
	v58 =	vadd.s32 v17, v35;
	v36 =	vand.u32 $0x380, v46  }
0x109: {  	v50 =	vor.u32 v15, v42;
	v59 =	vor.u32 v36, v58;
	[tilespmem:v63+s23+$0x0] =	vst.idx.msk $0xffff, v61  }
0x10a: {  	v60 =	vadd.s32 v23, v40;
	[tilespmem:v53+s23+$0x0] =	vst.idx.msk $0xffff, v45;
	v45 =	vor.u32 v12, v42;
	v44 =	vld.idx.msk [tilespmem:v44+s19+$0x0], $0xffff  }
0x10b: {  	v62 =	vadd.s32 v20, v34;
	v56 =	vor.u32 v41, v60;
	v63 =	vor.u32 v7, v31;
	v61 =	vld.idx.msk [tilespmem:v55+s19+$0x0], $0xffff  }
0x10c: {  	v47 =	vor.u32 v33, v62;
	v62 =	vadd.s32 v26, v40;
	[tilespmem:v57+s23+$0x0] =	vst.idx.msk $0xffff, v38  }
0x10d: {  	v37 =	vor.u32 v36, v35;
	v57 =	vadd.s32 v28, v30;
	v38 =	vld.idx.msk [tilespmem:v43+s19+$0x0], $0xffff;
	v43 =	vor.u32 v10, v29  }
0x10e: {  	v58 =	vor.u32 v0, v37;
	v39 =	vld.idx.msk [tilespmem:v59+s19+$0x0], $0xffff;
	v59 =	vadd.s32 v18, v35;
	v48 =	vor.u32 v32, v57  }
0x10f: {  	v49 =	vor.u32 v41, v62;
	v60 =	vor.u32 v36, v59;
	[tilespmem:v45+s23+$0x0] =	vst.idx.msk $0xffff, v44  }
0x110: {  	v62 =	vadd.s32 v22, v34;
	[tilespmem:v63+s23+$0x0] =	vst.idx.msk $0xffff, v61;
	v61 =	vor.u32 v13, v42;
	v45 =	vld.idx.msk [tilespmem:v56+s19+$0x0], $0xffff  }
0x111: {  	v53 =	vor.u32 v6, v37;
	v63 =	vor.u32 v8, v31;
	v47 =	vld.idx.msk [tilespmem:v47+s19+$0x0], $0xffff;
	v56 =	vadd.s32 v21, v34  }
0x112: {  	s30 =	simm.s32 $0x4;
	v57 =	vadd.s32 v19, v35;
	[tilespmem:v43+s23+$0x0] =	vst.idx.msk $0xffff, v38;
	v38 =	vor.u32 v33, v56  }
0x113: {  	v59 =	vmov s30;
	[tilespmem:v58+s23+$0x0] =	vst.idx.msk $0xffff, v39;
	v58 =	vadd.s32 v27, v30;
	v43 =	vld.idx.msk [tilespmem:v48+s19+$0x0], $0xffff;
	v48 =	vor.u32 v11, v29  }
0x114: {  	v52 =	vor.u32 v36, v57;
	v57 =	vadd.s32 v25, v40;
	v44 =	vld.idx.msk [tilespmem:v60+s19+$0x0], $0xffff;
	v51 =	vor.u32 v32, v58  }
0x115: {  	v55 =	vor.u32 v10, v31;
	v54 =	vor.u32 v41, v57;
	v60 =	vshll.u32 v59, $0x8;
	[tilespmem:v61+s23+$0x0] =	vst.idx.msk $0xffff, v45  }
0x116: {  	v39 =	vand.u32 $0x3800, v60;
	[tilespmem:v63+s23+$0x0] =	vst.idx.msk $0xffff, v47;
	v63 =	vor.u32 v14, v42;
	v47 =	vld.idx.msk [tilespmem:v49+s19+$0x0], $0xffff  }
0x117: {  	v60 =	vadd.s32 v17, v39;
	v61 =	vshll.u32 v59, $0x7;
	v59 =	vor.u32 v9, v31;
	v58 =	vld.idx.msk [tilespmem:v38+s19+$0x0], $0xffff  }
0x118: {  	v49 =	vor.u32 v33, v62;
	v62 =	vadd.s32 v23, v30;
	v38 =	vand.u32 $0x380, v61;
	[tilespmem:v48+s23+$0x0] =	vst.idx.msk $0xffff, v43  }
0x119: {  	[tilespmem:v53+s23+$0x0] =	vst.idx.msk $0xffff, v44;
	v43 =	vor.u32 v38, v60;
	v48 =	vor.u32 v12, v29;
	v46 =	vld.idx.msk [tilespmem:v51+s19+$0x0], $0xffff  }
0x11a: {  	v61 =	vadd.s32 v20, v35;
	v53 =	vor.u32 v7, v37;
	v52 =	vld.idx.msk [tilespmem:v52+s19+$0x0], $0xffff;
	v51 =	vor.u32 v32, v62  }
0x11b: {  	v44 =	vor.u32 v36, v61;
	v60 =	vadd.s32 v18, v39;
	[tilespmem:v63+s23+$0x0] =	vst.idx.msk $0xffff, v47  }
0x11c: {  	v61 =	vadd.s32 v28, v34;
	v63 =	vadd.s32 v24, v40;
	[tilespmem:v59+s23+$0x0] =	vst.idx.msk $0xffff, v58;
	v45 =	vld.idx.msk [tilespmem:v54+s19+$0x0], $0xffff  }
0x11d: {  	v56 =	vor.u32 v33, v61;
	v40 =	vor.u32 v38, v39;
	v41 =	vor.u32 v41, v63;
	v49 =	vld.idx.msk [tilespmem:v49+s19+$0x0], $0xffff  }
0x11e: {  	v62 =	vor.u32 v0, v40;
	v63 =	vor.u32 v38, v60;
	v43 =	vld.idx.msk [tilespmem:v43+s19+$0x0], $0xffff;
	[tilespmem:v48+s23+$0x0] =	vst.idx.msk $0xffff, v46  }
0x11f: {  	v54 =	vor.u32 v13, v29;
	[tilespmem:v53+s23+$0x0] =	vst.idx.msk $0xffff, v52;
	v52 =	vadd.s32 v26, v30;
	v53 =	vld.idx.msk [tilespmem:v51+s19+$0x0], $0xffff  }
0x120: {  	v58 =	vor.u32 v8, v37;
	v60 =	vadd.s32 v21, v35;
	v57 =	vld.idx.msk [tilespmem:v44+s19+$0x0], $0xffff;
	v59 =	vor.u32 v32, v52  }
0x121: {  	[tilespmem:v50+s23+$0x0] =	vst.idx.msk $0xffff, v45;
	v50 =	vor.u32 v36, v60  }
0x122: {  	v42 =	vor.u32 v16, v42;
	v61 =	vadd.s32 v19, v39;
	[tilespmem:v55+s23+$0x0] =	vst.idx.msk $0xffff, v49;
	v41 =	vld.idx.msk [tilespmem:v41+s19+$0x0], $0xffff  }
0x123: {  	s31 =	simm.s32 $0x5;
	v48 =	vor.u32 v11, v31;
	[tilespmem:v62+s23+$0x0] =	vst.idx.msk $0xffff, v43;
	v62 =	vadd.s32 v27, v34;
	v47 =	vld.idx.msk [tilespmem:v56+s19+$0x0], $0xffff  }
0x124: {  	v52 =	vor.u32 v6, v40;
	v51 =	vld.idx.msk [tilespmem:v63+s19+$0x0], $0xffff;
	v63 =	vmov s31;
	v49 =	vor.u32 v33, v62;
	[tilespmem:v54+s23+$0x0] =	vst.idx.msk $0xffff, v53  }
0x125: {  	s26 =	simm.s32 $0x6;
	[tilespmem:v58+s23+$0x0] =	vst.idx.msk $0xffff, v57;
	v44 =	vshll.u32 v63, $0x8;
	v43 =	vshll.u32 v63, $0x7;
	v53 =	vor.u32 v38, v61;
	v46 =	vld.idx.msk [tilespmem:v59+s19+$0x0], $0xffff  }
.LBB2_4:
0x126: {  	p0 =	sne.s32 s26, $0x3F;
	v45 =	vld.idx.msk [tilespmem:v50+s19+$0x0], $0xffff;
	v50 =	vadd.s32 v22, v35;
	v54 =	vor.u32 v14, v29;
	v55 =	vadd.s32 v25, v30  }
0x127: {  	v44 =	vand.u32 $0x3800, v44;
	v56 =	vor.u32 v9, v37;
	v55 =	vor.u32 v32, v55;
	[tilespmem:v42+s23+$0x0] =	vst.idx.msk $0xffff, v41  }
0x128: {  	v43 =	vand.u32 $0x380, v43;
	v41 =	vadd.s32 v17, v44;
	v42 =	vor.u32 v36, v50;
	[tilespmem:v48+s23+$0x0] =	vst.idx.msk $0xffff, v47  }
0x129: {  	v57 =	vmov v31;
	v31 =	vmov v37;
	v41 =	vor.u32 v43, v41;
	[tilespmem:v52+s23+$0x0] =	vst.idx.msk $0xffff, v51;
	v47 =	vld.idx.msk [tilespmem:v49+s19+$0x0], $0xffff  }
0x12a: {  	v50 =	vor.u32 v12, v57;
	v49 =	vadd.s32 v20, v39;
	v48 =	vld.idx.msk [tilespmem:v53+s19+$0x0], $0xffff;
	v53 =	vadd.s32 v23, v34  }
0x12b: {  	v37 =	vmov v40;
	v51 =	vor.u32 v7, v40;
	v52 =	vor.u32 v33, v53;
	[tilespmem:v54+s23+$0x0] =	vst.idx.msk $0xffff, v46  }
0x12c: {  	v30 =	vadd.s32 v24, v30;
	v46 =	vor.u32 v38, v49;
	[tilespmem:v56+s23+$0x0] =	vst.idx.msk $0xffff, v45;
	v45 =	vld.idx.msk [tilespmem:v55+s19+$0x0], $0xffff  }
0x12d: {  	v49 =	vadd.s32 v18, v44;
	v53 =	vadd.s32 v28, v35;
	v54 =	vor.u32 v15, v29;
	v42 =	vld.idx.msk [tilespmem:v42+s19+$0x0], $0xffff  }
0x12e: {  	v32 =	vor.u32 v32, v30;
	v40 =	vor.u32 v43, v44;
	v55 =	vld.idx.msk [tilespmem:v41+s19+$0x0], $0xffff;
	v41 =	vor.u32 v10, v31  }
0x12f: {  	v30 =	vmov v34;
	v56 =	vor.u32 v0, v40;
	v53 =	vor.u32 v36, v53;
	[tilespmem:v50+s23+$0x0] =	vst.idx.msk $0xffff, v47  }
0x130: {  	v34 =	vmov v35;
	v35 =	vmov v39;
	v49 =	vor.u32 v43, v49;
	[tilespmem:v51+s23+$0x0] =	vst.idx.msk $0xffff, v48;
	v58 =	vld.idx.msk [tilespmem:v52+s19+$0x0], $0xffff  }
0x131: {  	v59 =	vor.u32 v13, v57;
	v47 =	vadd.s32 v21, v35;
	v48 =	vadd.s32 v26, v30;
	v46 =	vld.idx.msk [tilespmem:v46+s19+$0x0], $0xffff  }
0x132: {  	v60 =	vor.u32 v8, v37;
	v39 =	vmov v44;
	v61 =	vor.u32 v33, v48;
	[tilespmem:v54+s23+$0x0] =	vst.idx.msk $0xffff, v45  }
.Ltmp1:
0x133: {  	v50 =	vor.u32 v38, v47;
	[tilespmem:v41+s23+$0x0] =	vst.idx.msk $0xffff, v42;
	v41 =	vld.idx.msk [tilespmem:v32+s19+$0x0], $0xffff;
	v32 =	vmov v33;
	v33 =	vmov v36;
	(pc) =	sbr.rel @p0 .LBB2_4-.Ltmp1, $4  }
0x134: {  	v42 =	vor.u32 v16, v29;
	v36 =	vmov v38;
	v38 =	vmov v43;
	[tilespmem:v56+s23+$0x0] =	vst.idx.msk $0xffff, v55;
	v47 =	vld.idx.msk [tilespmem:v53+s19+$0x0], $0xffff  }
0x135: {  	v44 =	vadd.s32 v27, v34;
	v48 =	vor.u32 v11, v31;
	v45 =	vadd.s32 v19, v39;
	v51 =	vld.idx.msk [tilespmem:v49+s19+$0x0], $0xffff  }
0x136: {  	v52 =	vor.u32 v6, v40;
	v43 =	vmov s26;
	v29 =	vmovc v57;
	v49 =	vor.u32 v33, v44;
	[tilespmem:v59+s23+$0x0] =	vst.idx.msk $0xffff, v58  }
0x137: {  	s26 =	sadd.s32 $0x1, s26;
	v53 =	vor.u32 v38, v45;
	v44 =	vshll.u32 v43, $0x8;
	v43 =	vshll.u32 v43, $0x7;
	[tilespmem:v60+s23+$0x0] =	vst.idx.msk $0xffff, v46;
	v46 =	vld.idx.msk [tilespmem:v61+s19+$0x0], $0xffff  }
0x138: {  	v45 =	vand.u32 $0x3800, v44  }
0x139: {  	v44 =	vand.u32 $0x380, v43;
	v61 =	vadd.s32 v17, v45  }
0x13a: {  	v54 =	vor.u32 v44, v61;
	_ =	sdelay $0x3  }
0x13b: {  	v43 =	vor.u32 v44, v45  }
0x13c: {  	v55 =	vadd.s32 v18, v45;
	v56 =	vor.u32 v0, v43;
	v54 =	vld.idx.msk [tilespmem:v54+s19+$0x0], $0xffff  }
0x13d: {  	v55 =	vor.u32 v44, v55;
	_ =	sdelay $0x3  }
0x13e: {  	[tilespmem:v56+s23+$0x0] =	vst.idx.msk $0xffff, v54  }
0x13f: {  	v62 =	vadd.s32 v19, v45;
	v63 =	vor.u32 v6, v43;
	v54 =	vld.idx.msk [tilespmem:v55+s19+$0x0], $0xffff  }
0x140: {  	v55 =	vor.u32 v44, v62;
	_ =	sdelay $0x2  }
0x141: {  	[tilespmem:v52+s23+$0x0] =	vst.idx.msk $0xffff, v51  }
0x142: {  	v60 =	vadd.s32 v20, v39;
	v61 =	vor.u32 v7, v40;
	v51 =	vld.idx.msk [tilespmem:v53+s19+$0x0], $0xffff;
	[tilespmem:v63+s23+$0x0] =	vst.idx.msk $0xffff, v54  }
0x143: {  	v52 =	vor.u32 v38, v60;
	v62 =	vadd.s32 v20, v45;
	v63 =	vor.u32 v7, v43;
	v54 =	vld.idx.msk [tilespmem:v55+s19+$0x0], $0xffff  }
0x144: {  	v55 =	vor.u32 v44, v62;
	_ =	sdelay $0x2  }
0x145: {  	[tilespmem:v61+s23+$0x0] =	vst.idx.msk $0xffff, v51  }
0x146: {  	v60 =	vadd.s32 v21, v39;
	v61 =	vor.u32 v8, v40;
	v51 =	vld.idx.msk [tilespmem:v52+s19+$0x0], $0xffff;
	[tilespmem:v63+s23+$0x0] =	vst.idx.msk $0xffff, v54  }
0x147: {  	v52 =	vor.u32 v38, v60;
	v62 =	vadd.s32 v21, v45;
	v63 =	vor.u32 v8, v43;
	v54 =	vld.idx.msk [tilespmem:v55+s19+$0x0], $0xffff  }
0x148: {  	v55 =	vor.u32 v44, v62;
	_ =	sdelay $0x1  }
0x149: {  	v57 =	vadd.s32 v22, v35  }
0x14a: {  	v50 =	vld.idx.msk [tilespmem:v50+s19+$0x0], $0xffff;
	v58 =	vor.u32 v9, v37;
	v57 =	vor.u32 v36, v57;
	[tilespmem:v61+s23+$0x0] =	vst.idx.msk $0xffff, v51  }
0x14b: {  	v53 =	vor.u32 v9, v40;
	v60 =	vadd.s32 v22, v39;
	v51 =	vld.idx.msk [tilespmem:v52+s19+$0x0], $0xffff;
	[tilespmem:v63+s23+$0x0] =	vst.idx.msk $0xffff, v54  }
0x14c: {  	v61 =	vadd.s32 v22, v45;
	v52 =	vor.u32 v38, v60;
	v62 =	vor.u32 v9, v43;
	v54 =	vld.idx.msk [tilespmem:v55+s19+$0x0], $0xffff  }
0x14d: {  	v55 =	vor.u32 v44, v61;
	_ =	sdelay $0x1  }
0x14e: {  	[tilespmem:v58+s23+$0x0] =	vst.idx.msk $0xffff, v50;
	v60 =	vor.u32 v10, v37  }
0x14f: {  	v57 =	vld.idx.msk [tilespmem:v57+s19+$0x0], $0xffff;
	[tilespmem:v53+s23+$0x0] =	vst.idx.msk $0xffff, v51;
	v53 =	vor.u32 v10, v40;
	v63 =	vadd.s32 v28, v35  }
0x150: {  	v51 =	vld.idx.msk [tilespmem:v52+s19+$0x0], $0xffff;
	v50 =	vor.u32 v36, v63;
	v61 =	vadd.s32 v28, v39;
	[tilespmem:v62+s23+$0x0] =	vst.idx.msk $0xffff, v54  }
0x151: {  	v63 =	vor.u32 v10, v43;
	v52 =	vor.u32 v38, v61;
	v62 =	vadd.s32 v28, v45;
	v54 =	vld.idx.msk [tilespmem:v55+s19+$0x0], $0xffff  }
0x152: {  	[tilespmem:v48+s23+$0x0] =	vst.idx.msk $0xffff, v47;
	v55 =	vor.u32 v44, v62  }
0x153: {  	v59 =	vadd.s32 v23, v34;
	v47 =	vor.u32 v12, v31;
	v49 =	vld.idx.msk [tilespmem:v49+s19+$0x0], $0xffff  }
0x154: {  	v48 =	vor.u32 v33, v59;
	[tilespmem:v60+s23+$0x0] =	vst.idx.msk $0xffff, v57;
	v60 =	vadd.s32 v27, v35  }
0x155: {  	v57 =	vor.u32 v36, v60;
	[tilespmem:v53+s23+$0x0] =	vst.idx.msk $0xffff, v51;
	v61 =	vor.u32 v11, v37;
	v50 =	vld.idx.msk [tilespmem:v50+s19+$0x0], $0xffff  }
0x156: {  	v51 =	vld.idx.msk [tilespmem:v52+s19+$0x0], $0xffff;
	v52 =	vor.u32 v11, v40;
	v62 =	vadd.s32 v27, v39;
	[tilespmem:v63+s23+$0x0] =	vst.idx.msk $0xffff, v54  }
0x157: {  	v53 =	vor.u32 v38, v62;
	v63 =	vadd.s32 v27, v45;
	v54 =	vld.idx.msk [tilespmem:v55+s19+$0x0], $0xffff;
	v55 =	vor.u32 v11, v43  }
0x158: {  	[tilespmem:v47+s23+$0x0] =	vst.idx.msk $0xffff, v49;
	v56 =	vor.u32 v44, v63  }
0x159: {  	v59 =	vadd.s32 v26, v34;
	v47 =	vor.u32 v13, v31;
	v48 =	vld.idx.msk [tilespmem:v48+s19+$0x0], $0xffff  }
0x15a: {  	v49 =	vor.u32 v33, v59;
	v60 =	vadd.s32 v23, v35;
	[tilespmem:v61+s23+$0x0] =	vst.idx.msk $0xffff, v50  }
0x15b: {  	v62 =	vadd.s32 v23, v39;
	v61 =	vor.u32 v12, v37;
	v57 =	vld.idx.msk [tilespmem:v57+s19+$0x0], $0xffff;
	[tilespmem:v52+s23+$0x0] =	vst.idx.msk $0xffff, v51  }
0x15c: {  	v50 =	vor.u32 v36, v60;
	v52 =	vor.u32 v12, v40;
	v51 =	vld.idx.msk [tilespmem:v53+s19+$0x0], $0xffff;
	[tilespmem:v55+s23+$0x0] =	vst.idx.msk $0xffff, v54  }
0x15d: {  	v53 =	vor.u32 v38, v62;
	v63 =	vadd.s32 v23, v45;
	v55 =	vor.u32 v12, v43;
	v54 =	vld.idx.msk [tilespmem:v56+s19+$0x0], $0xffff  }
0x15e: {  	[tilespmem:v47+s23+$0x0] =	vst.idx.msk $0xffff, v48;
	v56 =	vor.u32 v44, v63  }
0x15f: {  	v48 =	vld.idx.msk [tilespmem:v49+s19+$0x0], $0xffff;
	v49 =	vor.u32 v14, v31  }
0x160: {  	v58 =	vor.u32 v13, v37;
	v60 =	vor.u32 v14, v29;
	[tilespmem:v61+s23+$0x0] =	vst.idx.msk $0xffff, v57  }
0x161: {  	v62 =	vadd.s32 v26, v39;
	v61 =	vadd.s32 v26, v35;
	v50 =	vld.idx.msk [tilespmem:v50+s19+$0x0], $0xffff;
	[tilespmem:v52+s23+$0x0] =	vst.idx.msk $0xffff, v51  }
0x162: {  	v57 =	vor.u32 v36, v61;
	v52 =	vor.u32 v13, v40;
	v51 =	vld.idx.msk [tilespmem:v53+s19+$0x0], $0xffff;
	[tilespmem:v55+s23+$0x0] =	vst.idx.msk $0xffff, v54  }
0x163: {  	v53 =	vor.u32 v38, v62;
	v63 =	vadd.s32 v26, v45;
	v55 =	vor.u32 v13, v43;
	v54 =	vld.idx.msk [tilespmem:v56+s19+$0x0], $0xffff  }
0x164: {  	v59 =	vor.u32 v14, v40;
	[tilespmem:v49+s23+$0x0] =	vst.idx.msk $0xffff, v48;
	v61 =	vor.u32 v44, v63  }
0x165: {  	[tilespmem:v60+s23+$0x0] =	vst.idx.msk $0xffff, v46;
	v60 =	vadd.s32 v25, v30;
	v62 =	vadd.s32 v25, v34  }
0x166: {  	v46 =	vor.u32 v32, v60;
	v48 =	vor.u32 v33, v62;
	[tilespmem:v58+s23+$0x0] =	vst.idx.msk $0xffff, v50  }
0x167: {  	v63 =	vadd.s32 v25, v35;
	v50 =	vld.idx.msk [tilespmem:v57+s19+$0x0], $0xffff;
	[tilespmem:v52+s23+$0x0] =	vst.idx.msk $0xffff, v51;
	v56 =	vor.u32 v14, v37  }
0x168: {  	v60 =	vadd.s32 v25, v39;
	v49 =	vor.u32 v36, v63;
	v51 =	vld.idx.msk [tilespmem:v53+s19+$0x0], $0xffff;
	[tilespmem:v55+s23+$0x0] =	vst.idx.msk $0xffff, v54  }
0x169: {  	v62 =	vadd.s32 v25, v45;
	v53 =	vor.u32 v38, v60;
	v47 =	vld.idx.msk [tilespmem:v61+s19+$0x0], $0xffff;
	v61 =	vor.u32 v14, v43  }
0x16a: {  	v30 =	vadd.s32 v24, v30;
	v63 =	vadd.s32 v24, v34;
	v55 =	vor.u32 v44, v62  }
0x16b: {  	v30 =	vor.u32 v32, v30;
	v32 =	vor.u32 v15, v29;
	v46 =	vld.idx.msk [tilespmem:v46+s19+$0x0], $0xffff;
	v33 =	vor.u32 v33, v63  }
0x16c: {  	v57 =	vor.u32 v15, v37;
	v34 =	vld.idx.msk [tilespmem:v48+s19+$0x0], $0xffff;
	v48 =	vor.u32 v15, v31;
	[tilespmem:v56+s23+$0x0] =	vst.idx.msk $0xffff, v50  }
0x16d: {  	v60 =	vor.u32 v15, v40;
	v56 =	vadd.s32 v24, v35;
	[tilespmem:v59+s23+$0x0] =	vst.idx.msk $0xffff, v51;
	v49 =	vld.idx.msk [tilespmem:v49+s19+$0x0], $0xffff  }
0x16e: {  	v59 =	vadd.s32 v24, v39;
	v35 =	vor.u32 v36, v56;
	v58 =	vld.idx.msk [tilespmem:v53+s19+$0x0], $0xffff;
	[tilespmem:v61+s23+$0x0] =	vst.idx.msk $0xffff, v47  }
0x16f: {  	v45 =	vadd.s32 v24, v45;
	v63 =	vor.u32 v15, v43;
	v61 =	vor.u32 v38, v59;
	v62 =	vld.idx.msk [tilespmem:v55+s19+$0x0], $0xffff  }
0x170: {  	[tilespmem:v32+s23+$0x0] =	vst.idx.msk $0xffff, v46;
	v46 =	vor.u32 v44, v45  }
0x171: {  	v29 =	vor.u32 v16, v29;
	v30 =	vld.idx.msk [tilespmem:v30+s19+$0x0], $0xffff;
	[tilespmem:v48+s23+$0x0] =	vst.idx.msk $0xffff, v34  }
0x172: {  	v31 =	vor.u32 v16, v31;
	v33 =	vld.idx.msk [tilespmem:v33+s19+$0x0], $0xffff;
	[tilespmem:v57+s23+$0x0] =	vst.idx.msk $0xffff, v49  }
0x173: {  	v52 =	vor.u32 v16, v37;
	[tilespmem:v60+s23+$0x0] =	vst.idx.msk $0xffff, v58;
	v50 =	vld.idx.msk [tilespmem:v35+s19+$0x0], $0xffff  }
0x174: {  	v53 =	vor.u32 v16, v40;
	v36 =	vld.idx.msk [tilespmem:v61+s19+$0x0], $0xffff;
	[tilespmem:v63+s23+$0x0] =	vst.idx.msk $0xffff, v62  }
0x175: {  	[tilespmem:v42+s23+$0x0] =	vst.idx.msk $0xffff, v41;
	v54 =	vor.u32 v16, v43;
	v32 =	vld.idx.msk [tilespmem:v46+s19+$0x0], $0xffff  }
0x176: {  	[tilespmem:v29+s23+$0x0] =	vst.idx.msk $0xffff, v30  }
0x177: {  	[tilespmem:v31+s23+$0x0] =	vst.idx.msk $0xffff, v33  }
0x178: {  	s26 =	simm.s32 $0x0;
	[tilespmem:v52+s23+$0x0] =	vst.idx.msk $0xffff, v50  }
0x179: {  	v29 =	vmov s26;
	[tilespmem:v53+s23+$0x0] =	vst.idx.msk $0xffff, v36  }
0x17a: {  	v30 =	vshll.u32 v29, $0x8;
	[tilespmem:v54+s23+$0x0] =	vst.idx.msk $0xffff, v32  }
0x17b: {  	v29 =	vshll.u32 v29, $0x7;
	v40 =	vand.u32 $0x3800, v30;
	[hbm4b:s10+s26] =	stream.linear.scatter [tilespmem:s23], [sflag:$0x2], $0x4000, $0x38;
	[tilespmem:$0x18080] =	vst v63  }
0x17c: {  	v41 =	vand.u32 $0x380, v29;
	v29 =	vadd.s32 v17, v40;
	_ =	swait.ge [sflag:s15], $0x4000  }
0x17d: {  	v29 =	vor.u32 v41, v29;
	[sflag:s15] =	ssyncset.done $0x0  }
0x17e: {  	[sflag:s15] =	ssyncadd.s32 $0xFFFFC000  }
0x17f: {  	_ =	swait.ge [sflag:s24], $0x4000  }
0x180: {  	[sflag:s24] =	ssyncset.done $0x0  }
0x181: {  	v42 =	vor.u32 v41, v40;
	[sflag:s24] =	ssyncadd.s32 $0xFFFFC000  }
0x182: {  	v30 =	vadd.s32 v18, v40;
	v31 =	vor.u32 v0, v42;
	v29 =	vld.idx.msk [tilespmem:v29+s20+$0x0], $0xffff  }
0x183: {  	v30 =	vor.u32 v41, v30;
	_ =	sdelay $0x3  }
0x184: {  	s31 =	simm.s32 $0x1;
	[tilespmem:v31+s22+$0x0] =	vst.idx.msk $0xffff, v29  }
0x185: {  	v55 =	vmov s31;
	v31 =	vor.u32 v6, v42;
	v29 =	vld.idx.msk [tilespmem:v30+s20+$0x0], $0xffff;
	v30 =	vadd.s32 v19, v40  }
0x186: {  	v56 =	vor.u32 v41, v30;
	v30 =	vshll.u32 v55, $0x8  }
0x187: {  	v32 =	vshll.u32 v55, $0x7;
	v30 =	vand.u32 $0x3800, v30  }
0x188: {  	v32 =	vand.u32 $0x380, v32;
	v57 =	vadd.s32 v17, v30  }
0x189: {  	v34 =	vor.u32 v32, v57  }
0x18a: {  	[tilespmem:v31+s22+$0x0] =	vst.idx.msk $0xffff, v29  }
0x18b: {  	v58 =	vor.u32 v7, v42;
	v29 =	vadd.s32 v20, v40;
	v31 =	vld.idx.msk [tilespmem:v56+s20+$0x0], $0xffff  }
0x18c: {  	v59 =	vor.u32 v41, v29  }
0x18d: {  	v29 =	vor.u32 v32, v30  }
0x18e: {  	v60 =	vadd.s32 v18, v30;
	v61 =	vor.u32 v0, v29;
	v34 =	vld.idx.msk [tilespmem:v34+s20+$0x0], $0xffff  }
0x18f: {  	v36 =	vor.u32 v32, v60  }
0x190: {  	[tilespmem:v58+s22+$0x0] =	vst.idx.msk $0xffff, v31  }
0x191: {  	v62 =	vadd.s32 v21, v40;
	v63 =	vor.u32 v8, v42;
	v31 =	vld.idx.msk [tilespmem:v59+s20+$0x0], $0xffff  }
0x192: {  	v33 =	vor.u32 v41, v62  }
0x193: {  	[tilespmem:v61+s22+$0x0] =	vst.idx.msk $0xffff, v34  }
0x194: {  	s28 =	simm.s32 $0x2;
	v45 =	vadd.s32 v19, v30;
	v47 =	vor.u32 v6, v29;
	v36 =	vld.idx.msk [tilespmem:v36+s20+$0x0], $0xffff  }
0x195: {  	v46 =	vmov s28;
	v49 =	vor.u32 v32, v45  }
0x196: {  	v51 =	vor.u32 v9, v42;
	v48 =	vshll.u32 v46, $0x8;
	[tilespmem:v63+s22+$0x0] =	vst.idx.msk $0xffff, v31  }
0x197: {  	v50 =	vadd.s32 v22, v40;
	v37 =	vshll.u32 v46, $0x7;
	v34 =	vand.u32 $0x3800, v48;
	v31 =	vld.idx.msk [tilespmem:v33+s20+$0x0], $0xffff  }
0x198: {  	v35 =	vor.u32 v41, v50;
	v52 =	vadd.s32 v17, v34;
	v33 =	vand.u32 $0x380, v37  }
0x199: {  	v37 =	vor.u32 v33, v52;
	[tilespmem:v47+s22+$0x0] =	vst.idx.msk $0xffff, v36  }
0x19a: {  	v53 =	vadd.s32 v20, v30;
	v54 =	vor.u32 v7, v29;
	v36 =	vld.idx.msk [tilespmem:v49+s20+$0x0], $0xffff  }
0x19b: {  	v38 =	vor.u32 v32, v53  }
0x19c: {  	[tilespmem:v51+s22+$0x0] =	vst.idx.msk $0xffff, v31  }
0x19d: {  	v55 =	vor.u32 v10, v42;
	v56 =	vadd.s32 v28, v40;
	v31 =	vor.u32 v33, v34;
	v35 =	vld.idx.msk [tilespmem:v35+s20+$0x0], $0xffff  }
0x19e: {  	v44 =	vor.u32 v41, v56;
	v58 =	vadd.s32 v18, v34;
	v37 =	vld.idx.msk [tilespmem:v37+s20+$0x0], $0xffff;
	v57 =	vor.u32 v0, v31  }
0x19f: {  	v46 =	vor.u32 v33, v58;
	[tilespmem:v54+s22+$0x0] =	vst.idx.msk $0xffff, v36  }
0x1a0: {  	v60 =	vor.u32 v8, v29;
	v59 =	vadd.s32 v21, v30;
	v36 =	vld.idx.msk [tilespmem:v38+s20+$0x0], $0xffff  }
0x1a1: {  	v38 =	vor.u32 v32, v59  }
0x1a2: {  	v62 =	vadd.s32 v19, v34;
	[tilespmem:v55+s22+$0x0] =	vst.idx.msk $0xffff, v35  }
0x1a3: {  	s29 =	simm.s32 $0x3;
	v63 =	vor.u32 v11, v42;
	v51 =	vadd.s32 v27, v40;
	[tilespmem:v57+s22+$0x0] =	vst.idx.msk $0xffff, v37;
	v61 =	vld.idx.msk [tilespmem:v44+s20+$0x0], $0xffff  }
0x1a4: {  	v52 =	vmov s29;
	v53 =	vor.u32 v6, v31;
	v45 =	vld.idx.msk [tilespmem:v46+s20+$0x0], $0xffff;
	v44 =	vor.u32 v41, v51  }
0x1a5: {  	v56 =	vadd.s32 v22, v30;
	v54 =	vshll.u32 v52, $0x8;
	v55 =	vor.u32 v33, v62;
	[tilespmem:v60+s22+$0x0] =	vst.idx.msk $0xffff, v36  }
0x1a6: {  	v35 =	vand.u32 $0x3800, v54;
	v57 =	vor.u32 v9, v29;
	v46 =	vshll.u32 v52, $0x7;
	v38 =	vld.idx.msk [tilespmem:v38+s20+$0x0], $0xffff  }
0x1a7: {  	v43 =	vor.u32 v32, v56;
	v58 =	vadd.s32 v17, v35;
	v36 =	vand.u32 $0x380, v46  }
0x1a8: {  	v50 =	vor.u32 v15, v42;
	v59 =	vor.u32 v36, v58;
	[tilespmem:v63+s22+$0x0] =	vst.idx.msk $0xffff, v61  }
0x1a9: {  	v60 =	vadd.s32 v23, v40;
	[tilespmem:v53+s22+$0x0] =	vst.idx.msk $0xffff, v45;
	v45 =	vor.u32 v12, v42;
	v44 =	vld.idx.msk [tilespmem:v44+s20+$0x0], $0xffff  }
0x1aa: {  	v62 =	vadd.s32 v20, v34;
	v56 =	vor.u32 v41, v60;
	v63 =	vor.u32 v7, v31;
	v61 =	vld.idx.msk [tilespmem:v55+s20+$0x0], $0xffff  }
0x1ab: {  	v47 =	vor.u32 v33, v62;
	v62 =	vadd.s32 v26, v40;
	[tilespmem:v57+s22+$0x0] =	vst.idx.msk $0xffff, v38  }
0x1ac: {  	v37 =	vor.u32 v36, v35;
	v57 =	vadd.s32 v28, v30;
	v38 =	vld.idx.msk [tilespmem:v43+s20+$0x0], $0xffff;
	v43 =	vor.u32 v10, v29  }
0x1ad: {  	v58 =	vor.u32 v0, v37;
	v39 =	vld.idx.msk [tilespmem:v59+s20+$0x0], $0xffff;
	v59 =	vadd.s32 v18, v35;
	v48 =	vor.u32 v32, v57  }
0x1ae: {  	v49 =	vor.u32 v41, v62;
	v60 =	vor.u32 v36, v59;
	[tilespmem:v45+s22+$0x0] =	vst.idx.msk $0xffff, v44  }
0x1af: {  	v62 =	vadd.s32 v22, v34;
	[tilespmem:v63+s22+$0x0] =	vst.idx.msk $0xffff, v61;
	v61 =	vor.u32 v13, v42;
	v45 =	vld.idx.msk [tilespmem:v56+s20+$0x0], $0xffff  }
0x1b0: {  	v53 =	vor.u32 v6, v37;
	v63 =	vor.u32 v8, v31;
	v47 =	vld.idx.msk [tilespmem:v47+s20+$0x0], $0xffff;
	v56 =	vadd.s32 v21, v34  }
0x1b1: {  	s30 =	simm.s32 $0x4;
	v57 =	vadd.s32 v19, v35;
	[tilespmem:v43+s22+$0x0] =	vst.idx.msk $0xffff, v38;
	v38 =	vor.u32 v33, v56  }
0x1b2: {  	v59 =	vmov s30;
	[tilespmem:v58+s22+$0x0] =	vst.idx.msk $0xffff, v39;
	v58 =	vadd.s32 v27, v30;
	v43 =	vld.idx.msk [tilespmem:v48+s20+$0x0], $0xffff;
	v48 =	vor.u32 v11, v29  }
0x1b3: {  	v52 =	vor.u32 v36, v57;
	v57 =	vadd.s32 v25, v40;
	v44 =	vld.idx.msk [tilespmem:v60+s20+$0x0], $0xffff;
	v51 =	vor.u32 v32, v58  }
0x1b4: {  	v55 =	vor.u32 v10, v31;
	v54 =	vor.u32 v41, v57;
	v60 =	vshll.u32 v59, $0x8;
	[tilespmem:v61+s22+$0x0] =	vst.idx.msk $0xffff, v45  }
0x1b5: {  	v39 =	vand.u32 $0x3800, v60;
	[tilespmem:v63+s22+$0x0] =	vst.idx.msk $0xffff, v47;
	v63 =	vor.u32 v14, v42;
	v47 =	vld.idx.msk [tilespmem:v49+s20+$0x0], $0xffff  }
0x1b6: {  	v60 =	vadd.s32 v17, v39;
	v61 =	vshll.u32 v59, $0x7;
	v59 =	vor.u32 v9, v31;
	v58 =	vld.idx.msk [tilespmem:v38+s20+$0x0], $0xffff  }
0x1b7: {  	v49 =	vor.u32 v33, v62;
	v62 =	vadd.s32 v23, v30;
	v38 =	vand.u32 $0x380, v61;
	[tilespmem:v48+s22+$0x0] =	vst.idx.msk $0xffff, v43  }
0x1b8: {  	[tilespmem:v53+s22+$0x0] =	vst.idx.msk $0xffff, v44;
	v43 =	vor.u32 v38, v60;
	v48 =	vor.u32 v12, v29;
	v46 =	vld.idx.msk [tilespmem:v51+s20+$0x0], $0xffff  }
0x1b9: {  	v61 =	vadd.s32 v20, v35;
	v53 =	vor.u32 v7, v37;
	v52 =	vld.idx.msk [tilespmem:v52+s20+$0x0], $0xffff;
	v51 =	vor.u32 v32, v62  }
0x1ba: {  	v44 =	vor.u32 v36, v61;
	v60 =	vadd.s32 v18, v39;
	[tilespmem:v63+s22+$0x0] =	vst.idx.msk $0xffff, v47  }
0x1bb: {  	v61 =	vadd.s32 v28, v34;
	v63 =	vadd.s32 v24, v40;
	[tilespmem:v59+s22+$0x0] =	vst.idx.msk $0xffff, v58;
	v45 =	vld.idx.msk [tilespmem:v54+s20+$0x0], $0xffff  }
0x1bc: {  	v56 =	vor.u32 v33, v61;
	v40 =	vor.u32 v38, v39;
	v41 =	vor.u32 v41, v63;
	v49 =	vld.idx.msk [tilespmem:v49+s20+$0x0], $0xffff  }
0x1bd: {  	v62 =	vor.u32 v0, v40;
	v63 =	vor.u32 v38, v60;
	v43 =	vld.idx.msk [tilespmem:v43+s20+$0x0], $0xffff;
	[tilespmem:v48+s22+$0x0] =	vst.idx.msk $0xffff, v46  }
0x1be: {  	v54 =	vor.u32 v13, v29;
	[tilespmem:v53+s22+$0x0] =	vst.idx.msk $0xffff, v52;
	v52 =	vadd.s32 v26, v30;
	v53 =	vld.idx.msk [tilespmem:v51+s20+$0x0], $0xffff  }
0x1bf: {  	v58 =	vor.u32 v8, v37;
	v60 =	vadd.s32 v21, v35;
	v57 =	vld.idx.msk [tilespmem:v44+s20+$0x0], $0xffff;
	v59 =	vor.u32 v32, v52  }
0x1c0: {  	[tilespmem:v50+s22+$0x0] =	vst.idx.msk $0xffff, v45;
	v50 =	vor.u32 v36, v60  }
0x1c1: {  	v42 =	vor.u32 v16, v42;
	v61 =	vadd.s32 v19, v39;
	[tilespmem:v55+s22+$0x0] =	vst.idx.msk $0xffff, v49;
	v41 =	vld.idx.msk [tilespmem:v41+s20+$0x0], $0xffff  }
0x1c2: {  	s31 =	simm.s32 $0x5;
	v48 =	vor.u32 v11, v31;
	[tilespmem:v62+s22+$0x0] =	vst.idx.msk $0xffff, v43;
	v62 =	vadd.s32 v27, v34;
	v47 =	vld.idx.msk [tilespmem:v56+s20+$0x0], $0xffff  }
0x1c3: {  	v52 =	vor.u32 v6, v40;
	v51 =	vld.idx.msk [tilespmem:v63+s20+$0x0], $0xffff;
	v63 =	vmov s31;
	v49 =	vor.u32 v33, v62;
	[tilespmem:v54+s22+$0x0] =	vst.idx.msk $0xffff, v53  }
0x1c4: {  	s26 =	simm.s32 $0x6;
	[tilespmem:v58+s22+$0x0] =	vst.idx.msk $0xffff, v57;
	v44 =	vshll.u32 v63, $0x8;
	v43 =	vshll.u32 v63, $0x7;
	v53 =	vor.u32 v38, v61;
	v46 =	vld.idx.msk [tilespmem:v59+s20+$0x0], $0xffff  }
.LBB2_6:
0x1c5: {  	p0 =	sne.s32 s26, $0x3F;
	v45 =	vld.idx.msk [tilespmem:v50+s20+$0x0], $0xffff;
	v50 =	vadd.s32 v22, v35;
	v54 =	vor.u32 v14, v29;
	v55 =	vadd.s32 v25, v30  }
0x1c6: {  	v44 =	vand.u32 $0x3800, v44;
	v56 =	vor.u32 v9, v37;
	v55 =	vor.u32 v32, v55;
	[tilespmem:v42+s22+$0x0] =	vst.idx.msk $0xffff, v41  }
0x1c7: {  	v43 =	vand.u32 $0x380, v43;
	v41 =	vadd.s32 v17, v44;
	v42 =	vor.u32 v36, v50;
	[tilespmem:v48+s22+$0x0] =	vst.idx.msk $0xffff, v47  }
0x1c8: {  	v57 =	vmov v31;
	v31 =	vmov v37;
	v41 =	vor.u32 v43, v41;
	[tilespmem:v52+s22+$0x0] =	vst.idx.msk $0xffff, v51;
	v47 =	vld.idx.msk [tilespmem:v49+s20+$0x0], $0xffff  }
0x1c9: {  	v50 =	vor.u32 v12, v57;
	v49 =	vadd.s32 v20, v39;
	v48 =	vld.idx.msk [tilespmem:v53+s20+$0x0], $0xffff;
	v53 =	vadd.s32 v23, v34  }
0x1ca: {  	v37 =	vmov v40;
	v51 =	vor.u32 v7, v40;
	v52 =	vor.u32 v33, v53;
	[tilespmem:v54+s22+$0x0] =	vst.idx.msk $0xffff, v46  }
0x1cb: {  	v30 =	vadd.s32 v24, v30;
	v46 =	vor.u32 v38, v49;
	[tilespmem:v56+s22+$0x0] =	vst.idx.msk $0xffff, v45;
	v45 =	vld.idx.msk [tilespmem:v55+s20+$0x0], $0xffff  }
0x1cc: {  	v49 =	vadd.s32 v18, v44;
	v53 =	vadd.s32 v28, v35;
	v54 =	vor.u32 v15, v29;
	v42 =	vld.idx.msk [tilespmem:v42+s20+$0x0], $0xffff  }
0x1cd: {  	v32 =	vor.u32 v32, v30;
	v40 =	vor.u32 v43, v44;
	v55 =	vld.idx.msk [tilespmem:v41+s20+$0x0], $0xffff;
	v41 =	vor.u32 v10, v31  }
0x1ce: {  	v30 =	vmov v34;
	v56 =	vor.u32 v0, v40;
	v53 =	vor.u32 v36, v53;
	[tilespmem:v50+s22+$0x0] =	vst.idx.msk $0xffff, v47  }
0x1cf: {  	v34 =	vmov v35;
	v35 =	vmov v39;
	v49 =	vor.u32 v43, v49;
	[tilespmem:v51+s22+$0x0] =	vst.idx.msk $0xffff, v48;
	v58 =	vld.idx.msk [tilespmem:v52+s20+$0x0], $0xffff  }
0x1d0: {  	v59 =	vor.u32 v13, v57;
	v47 =	vadd.s32 v21, v35;
	v48 =	vadd.s32 v26, v30;
	v46 =	vld.idx.msk [tilespmem:v46+s20+$0x0], $0xffff  }
0x1d1: {  	v60 =	vor.u32 v8, v37;
	v39 =	vmov v44;
	v61 =	vor.u32 v33, v48;
	[tilespmem:v54+s22+$0x0] =	vst.idx.msk $0xffff, v45  }
.Ltmp2:
0x1d2: {  	v50 =	vor.u32 v38, v47;
	[tilespmem:v41+s22+$0x0] =	vst.idx.msk $0xffff, v42;
	v41 =	vld.idx.msk [tilespmem:v32+s20+$0x0], $0xffff;
	v32 =	vmov v33;
	v33 =	vmov v36;
	(pc) =	sbr.rel @p0 .LBB2_6-.Ltmp2, $4  }
0x1d3: {  	v42 =	vor.u32 v16, v29;
	v36 =	vmov v38;
	v38 =	vmov v43;
	[tilespmem:v56+s22+$0x0] =	vst.idx.msk $0xffff, v55;
	v47 =	vld.idx.msk [tilespmem:v53+s20+$0x0], $0xffff  }
0x1d4: {  	v44 =	vadd.s32 v27, v34;
	v48 =	vor.u32 v11, v31;
	v45 =	vadd.s32 v19, v39;
	v51 =	vld.idx.msk [tilespmem:v49+s20+$0x0], $0xffff  }
0x1d5: {  	v52 =	vor.u32 v6, v40;
	v43 =	vmov s26;
	v29 =	vmovc v57;
	v49 =	vor.u32 v33, v44;
	[tilespmem:v59+s22+$0x0] =	vst.idx.msk $0xffff, v58  }
0x1d6: {  	s26 =	sadd.s32 $0x1, s26;
	v53 =	vor.u32 v38, v45;
	v44 =	vshll.u32 v43, $0x8;
	v43 =	vshll.u32 v43, $0x7;
	[tilespmem:v60+s22+$0x0] =	vst.idx.msk $0xffff, v46;
	v46 =	vld.idx.msk [tilespmem:v61+s20+$0x0], $0xffff  }
0x1d7: {  	v45 =	vand.u32 $0x3800, v44  }
0x1d8: {  	v44 =	vand.u32 $0x380, v43;
	v61 =	vadd.s32 v17, v45  }
0x1d9: {  	v54 =	vor.u32 v44, v61;
	_ =	sdelay $0x3  }
0x1da: {  	v43 =	vor.u32 v44, v45  }
0x1db: {  	v55 =	vadd.s32 v18, v45;
	v56 =	vor.u32 v0, v43;
	v54 =	vld.idx.msk [tilespmem:v54+s20+$0x0], $0xffff  }
0x1dc: {  	v55 =	vor.u32 v44, v55;
	_ =	sdelay $0x3  }
0x1dd: {  	[tilespmem:v56+s22+$0x0] =	vst.idx.msk $0xffff, v54  }
0x1de: {  	v62 =	vadd.s32 v19, v45;
	v63 =	vor.u32 v6, v43;
	v54 =	vld.idx.msk [tilespmem:v55+s20+$0x0], $0xffff  }
0x1df: {  	v55 =	vor.u32 v44, v62;
	_ =	sdelay $0x2  }
0x1e0: {  	[tilespmem:v52+s22+$0x0] =	vst.idx.msk $0xffff, v51  }
0x1e1: {  	v60 =	vadd.s32 v20, v39;
	v61 =	vor.u32 v7, v40;
	v51 =	vld.idx.msk [tilespmem:v53+s20+$0x0], $0xffff;
	[tilespmem:v63+s22+$0x0] =	vst.idx.msk $0xffff, v54  }
0x1e2: {  	v52 =	vor.u32 v38, v60;
	v62 =	vadd.s32 v20, v45;
	v63 =	vor.u32 v7, v43;
	v54 =	vld.idx.msk [tilespmem:v55+s20+$0x0], $0xffff  }
0x1e3: {  	v55 =	vor.u32 v44, v62;
	_ =	sdelay $0x2  }
0x1e4: {  	[tilespmem:v61+s22+$0x0] =	vst.idx.msk $0xffff, v51  }
0x1e5: {  	v60 =	vadd.s32 v21, v39;
	v61 =	vor.u32 v8, v40;
	v51 =	vld.idx.msk [tilespmem:v52+s20+$0x0], $0xffff;
	[tilespmem:v63+s22+$0x0] =	vst.idx.msk $0xffff, v54  }
0x1e6: {  	v52 =	vor.u32 v38, v60;
	v62 =	vadd.s32 v21, v45;
	v63 =	vor.u32 v8, v43;
	v54 =	vld.idx.msk [tilespmem:v55+s20+$0x0], $0xffff  }
0x1e7: {  	v55 =	vor.u32 v44, v62;
	_ =	sdelay $0x1  }
0x1e8: {  	v57 =	vadd.s32 v22, v35  }
0x1e9: {  	v50 =	vld.idx.msk [tilespmem:v50+s20+$0x0], $0xffff;
	v58 =	vor.u32 v9, v37;
	v57 =	vor.u32 v36, v57;
	[tilespmem:v61+s22+$0x0] =	vst.idx.msk $0xffff, v51  }
0x1ea: {  	v53 =	vor.u32 v9, v40;
	v60 =	vadd.s32 v22, v39;
	v51 =	vld.idx.msk [tilespmem:v52+s20+$0x0], $0xffff;
	[tilespmem:v63+s22+$0x0] =	vst.idx.msk $0xffff, v54  }
0x1eb: {  	v61 =	vadd.s32 v22, v45;
	v52 =	vor.u32 v38, v60;
	v62 =	vor.u32 v9, v43;
	v54 =	vld.idx.msk [tilespmem:v55+s20+$0x0], $0xffff  }
0x1ec: {  	v55 =	vor.u32 v44, v61;
	_ =	sdelay $0x1  }
0x1ed: {  	[tilespmem:v58+s22+$0x0] =	vst.idx.msk $0xffff, v50;
	v60 =	vor.u32 v10, v37  }
0x1ee: {  	v57 =	vld.idx.msk [tilespmem:v57+s20+$0x0], $0xffff;
	[tilespmem:v53+s22+$0x0] =	vst.idx.msk $0xffff, v51;
	v53 =	vor.u32 v10, v40;
	v63 =	vadd.s32 v28, v35  }
0x1ef: {  	v51 =	vld.idx.msk [tilespmem:v52+s20+$0x0], $0xffff;
	v50 =	vor.u32 v36, v63;
	v61 =	vadd.s32 v28, v39;
	[tilespmem:v62+s22+$0x0] =	vst.idx.msk $0xffff, v54  }
0x1f0: {  	v63 =	vor.u32 v10, v43;
	v52 =	vor.u32 v38, v61;
	v62 =	vadd.s32 v28, v45;
	v54 =	vld.idx.msk [tilespmem:v55+s20+$0x0], $0xffff  }
0x1f1: {  	[tilespmem:v48+s22+$0x0] =	vst.idx.msk $0xffff, v47;
	v55 =	vor.u32 v44, v62  }
0x1f2: {  	v59 =	vadd.s32 v23, v34;
	v47 =	vor.u32 v12, v31;
	v49 =	vld.idx.msk [tilespmem:v49+s20+$0x0], $0xffff  }
0x1f3: {  	v48 =	vor.u32 v33, v59;
	[tilespmem:v60+s22+$0x0] =	vst.idx.msk $0xffff, v57;
	v60 =	vadd.s32 v27, v35  }
0x1f4: {  	v57 =	vor.u32 v36, v60;
	[tilespmem:v53+s22+$0x0] =	vst.idx.msk $0xffff, v51;
	v61 =	vor.u32 v11, v37;
	v50 =	vld.idx.msk [tilespmem:v50+s20+$0x0], $0xffff  }
0x1f5: {  	v51 =	vld.idx.msk [tilespmem:v52+s20+$0x0], $0xffff;
	v52 =	vor.u32 v11, v40;
	v62 =	vadd.s32 v27, v39;
	[tilespmem:v63+s22+$0x0] =	vst.idx.msk $0xffff, v54  }
0x1f6: {  	v53 =	vor.u32 v38, v62;
	v63 =	vadd.s32 v27, v45;
	v54 =	vld.idx.msk [tilespmem:v55+s20+$0x0], $0xffff;
	v55 =	vor.u32 v11, v43  }
0x1f7: {  	[tilespmem:v47+s22+$0x0] =	vst.idx.msk $0xffff, v49;
	v56 =	vor.u32 v44, v63  }
0x1f8: {  	v59 =	vadd.s32 v26, v34;
	v47 =	vor.u32 v13, v31;
	v48 =	vld.idx.msk [tilespmem:v48+s20+$0x0], $0xffff  }
0x1f9: {  	v49 =	vor.u32 v33, v59;
	v60 =	vadd.s32 v23, v35;
	[tilespmem:v61+s22+$0x0] =	vst.idx.msk $0xffff, v50  }
0x1fa: {  	v62 =	vadd.s32 v23, v39;
	v61 =	vor.u32 v12, v37;
	v57 =	vld.idx.msk [tilespmem:v57+s20+$0x0], $0xffff;
	[tilespmem:v52+s22+$0x0] =	vst.idx.msk $0xffff, v51  }
0x1fb: {  	v50 =	vor.u32 v36, v60;
	v52 =	vor.u32 v12, v40;
	v51 =	vld.idx.msk [tilespmem:v53+s20+$0x0], $0xffff;
	[tilespmem:v55+s22+$0x0] =	vst.idx.msk $0xffff, v54  }
0x1fc: {  	v53 =	vor.u32 v38, v62;
	v63 =	vadd.s32 v23, v45;
	v55 =	vor.u32 v12, v43;
	v54 =	vld.idx.msk [tilespmem:v56+s20+$0x0], $0xffff  }
0x1fd: {  	[tilespmem:v47+s22+$0x0] =	vst.idx.msk $0xffff, v48;
	v56 =	vor.u32 v44, v63  }
0x1fe: {  	v48 =	vld.idx.msk [tilespmem:v49+s20+$0x0], $0xffff;
	v49 =	vor.u32 v14, v31  }
0x1ff: {  	v58 =	vor.u32 v13, v37;
	v60 =	vor.u32 v14, v29;
	[tilespmem:v61+s22+$0x0] =	vst.idx.msk $0xffff, v57  }
0x200: {  	v62 =	vadd.s32 v26, v39;
	v61 =	vadd.s32 v26, v35;
	v50 =	vld.idx.msk [tilespmem:v50+s20+$0x0], $0xffff;
	[tilespmem:v52+s22+$0x0] =	vst.idx.msk $0xffff, v51  }
0x201: {  	v57 =	vor.u32 v36, v61;
	v52 =	vor.u32 v13, v40;
	v51 =	vld.idx.msk [tilespmem:v53+s20+$0x0], $0xffff;
	[tilespmem:v55+s22+$0x0] =	vst.idx.msk $0xffff, v54  }
0x202: {  	v53 =	vor.u32 v38, v62;
	v63 =	vadd.s32 v26, v45;
	v55 =	vor.u32 v13, v43;
	v54 =	vld.idx.msk [tilespmem:v56+s20+$0x0], $0xffff  }
0x203: {  	v59 =	vor.u32 v14, v40;
	[tilespmem:v49+s22+$0x0] =	vst.idx.msk $0xffff, v48;
	v61 =	vor.u32 v44, v63  }
0x204: {  	[tilespmem:v60+s22+$0x0] =	vst.idx.msk $0xffff, v46;
	v60 =	vadd.s32 v25, v30;
	v62 =	vadd.s32 v25, v34  }
0x205: {  	v46 =	vor.u32 v32, v60;
	v48 =	vor.u32 v33, v62;
	[tilespmem:v58+s22+$0x0] =	vst.idx.msk $0xffff, v50  }
0x206: {  	v63 =	vadd.s32 v25, v35;
	v50 =	vld.idx.msk [tilespmem:v57+s20+$0x0], $0xffff;
	[tilespmem:v52+s22+$0x0] =	vst.idx.msk $0xffff, v51;
	v56 =	vor.u32 v14, v37  }
0x207: {  	v60 =	vadd.s32 v25, v39;
	v49 =	vor.u32 v36, v63;
	v51 =	vld.idx.msk [tilespmem:v53+s20+$0x0], $0xffff;
	[tilespmem:v55+s22+$0x0] =	vst.idx.msk $0xffff, v54  }
0x208: {  	v62 =	vadd.s32 v25, v45;
	v53 =	vor.u32 v38, v60;
	v47 =	vld.idx.msk [tilespmem:v61+s20+$0x0], $0xffff;
	v61 =	vor.u32 v14, v43  }
0x209: {  	v30 =	vadd.s32 v24, v30;
	v63 =	vadd.s32 v24, v34;
	v55 =	vor.u32 v44, v62  }
0x20a: {  	v30 =	vor.u32 v32, v30;
	v32 =	vor.u32 v15, v29;
	v46 =	vld.idx.msk [tilespmem:v46+s20+$0x0], $0xffff;
	v33 =	vor.u32 v33, v63  }
0x20b: {  	v57 =	vor.u32 v15, v37;
	v34 =	vld.idx.msk [tilespmem:v48+s20+$0x0], $0xffff;
	v48 =	vor.u32 v15, v31;
	[tilespmem:v56+s22+$0x0] =	vst.idx.msk $0xffff, v50  }
0x20c: {  	v60 =	vor.u32 v15, v40;
	v56 =	vadd.s32 v24, v35;
	[tilespmem:v59+s22+$0x0] =	vst.idx.msk $0xffff, v51;
	v49 =	vld.idx.msk [tilespmem:v49+s20+$0x0], $0xffff  }
0x20d: {  	v59 =	vadd.s32 v24, v39;
	v35 =	vor.u32 v36, v56;
	v58 =	vld.idx.msk [tilespmem:v53+s20+$0x0], $0xffff;
	[tilespmem:v61+s22+$0x0] =	vst.idx.msk $0xffff, v47  }
0x20e: {  	v45 =	vadd.s32 v24, v45;
	v63 =	vor.u32 v15, v43;
	v61 =	vor.u32 v38, v59;
	v62 =	vld.idx.msk [tilespmem:v55+s20+$0x0], $0xffff  }
0x20f: {  	[tilespmem:v32+s22+$0x0] =	vst.idx.msk $0xffff, v46;
	v46 =	vor.u32 v44, v45  }
0x210: {  	v29 =	vor.u32 v16, v29;
	v30 =	vld.idx.msk [tilespmem:v30+s20+$0x0], $0xffff;
	[tilespmem:v48+s22+$0x0] =	vst.idx.msk $0xffff, v34  }
0x211: {  	v31 =	vor.u32 v16, v31;
	v33 =	vld.idx.msk [tilespmem:v33+s20+$0x0], $0xffff;
	[tilespmem:v57+s22+$0x0] =	vst.idx.msk $0xffff, v49  }
0x212: {  	v53 =	vor.u32 v16, v37;
	[tilespmem:v60+s22+$0x0] =	vst.idx.msk $0xffff, v58;
	v52 =	vld.idx.msk [tilespmem:v35+s20+$0x0], $0xffff  }
0x213: {  	v54 =	vor.u32 v16, v40;
	v36 =	vld.idx.msk [tilespmem:v61+s20+$0x0], $0xffff;
	[tilespmem:v63+s22+$0x0] =	vst.idx.msk $0xffff, v62  }
0x214: {  	[tilespmem:v42+s22+$0x0] =	vst.idx.msk $0xffff, v41;
	v55 =	vor.u32 v16, v43;
	v32 =	vld.idx.msk [tilespmem:v46+s20+$0x0], $0xffff  }
0x215: {  	[tilespmem:v29+s22+$0x0] =	vst.idx.msk $0xffff, v30  }
0x216: {  	[tilespmem:v31+s22+$0x0] =	vst.idx.msk $0xffff, v33  }
0x217: {  	s26 =	simm.s32 $0x0;
	[tilespmem:v53+s22+$0x0] =	vst.idx.msk $0xffff, v52  }
0x218: {  	v29 =	vmov s26;
	[tilespmem:v54+s22+$0x0] =	vst.idx.msk $0xffff, v36  }
0x219: {  	v30 =	vshll.u32 v29, $0x8;
	[tilespmem:v55+s22+$0x0] =	vst.idx.msk $0xffff, v32  }
0x21a: {  	v29 =	vshll.u32 v29, $0x7;
	v40 =	vand.u32 $0x3800, v30;
	[hbm4b:s11+s26] =	stream.linear.scatter [tilespmem:s22], [sflag:$0x2], $0x4000, $0x38;
	[tilespmem:$0x18080] =	vst v63  }
0x21b: {  	v41 =	vand.u32 $0x380, v29;
	v29 =	vadd.s32 v17, v40;
	_ =	swait.ge [sflag:s15], $0x4000  }
0x21c: {  	v29 =	vor.u32 v41, v29;
	[sflag:s15] =	ssyncset.done $0x0  }
0x21d: {  	[sflag:s15] =	ssyncadd.s32 $0xFFFFC000  }
0x21e: {  	_ =	swait.ge [sflag:s24], $0x4000  }
0x21f: {  	[sflag:s24] =	ssyncset.done $0x0  }
0x220: {  	v42 =	vor.u32 v41, v40;
	[sflag:s24] =	ssyncadd.s32 $0xFFFFC000  }
0x221: {  	v30 =	vadd.s32 v18, v40;
	v31 =	vor.u32 v0, v42;
	v29 =	vld.idx.msk [tilespmem:v29+s21+$0x0], $0xffff  }
0x222: {  	v30 =	vor.u32 v41, v30;
	_ =	sdelay $0x3  }
0x223: {  	s31 =	simm.s32 $0x1;
	[tilespmem:v31+s23+$0x0] =	vst.idx.msk $0xffff, v29  }
0x224: {  	v56 =	vor.u32 v6, v42;
	v31 =	vmov s31;
	v29 =	vld.idx.msk [tilespmem:v30+s21+$0x0], $0xffff;
	v30 =	vadd.s32 v19, v40  }
0x225: {  	v57 =	vshll.u32 v31, $0x8;
	v30 =	vor.u32 v41, v30  }
0x226: {  	v31 =	vshll.u32 v31, $0x7;
	v34 =	vand.u32 $0x3800, v57  }
0x227: {  	v31 =	vand.u32 $0x380, v31;
	v33 =	vadd.s32 v17, v34  }
0x228: {  	v33 =	vor.u32 v31, v33  }
0x229: {  	[tilespmem:v56+s23+$0x0] =	vst.idx.msk $0xffff, v29  }
0x22a: {  	v58 =	vor.u32 v7, v42;
	v29 =	vadd.s32 v20, v40;
	v30 =	vld.idx.msk [tilespmem:v30+s21+$0x0], $0xffff  }
0x22b: {  	v59 =	vor.u32 v41, v29  }
0x22c: {  	v29 =	vor.u32 v31, v34  }
0x22d: {  	v60 =	vadd.s32 v18, v34;
	v61 =	vor.u32 v0, v29;
	v33 =	vld.idx.msk [tilespmem:v33+s21+$0x0], $0xffff  }
0x22e: {  	v36 =	vor.u32 v31, v60  }
0x22f: {  	[tilespmem:v58+s23+$0x0] =	vst.idx.msk $0xffff, v30  }
0x230: {  	v62 =	vadd.s32 v21, v40;
	v63 =	vor.u32 v8, v42;
	v30 =	vld.idx.msk [tilespmem:v59+s21+$0x0], $0xffff  }
0x231: {  	v32 =	vor.u32 v41, v62  }
0x232: {  	[tilespmem:v61+s23+$0x0] =	vst.idx.msk $0xffff, v33  }
0x233: {  	s28 =	simm.s32 $0x2;
	v45 =	vadd.s32 v19, v34;
	v47 =	vor.u32 v6, v29;
	v36 =	vld.idx.msk [tilespmem:v36+s21+$0x0], $0xffff  }
0x234: {  	v46 =	vmov s28;
	v49 =	vor.u32 v31, v45  }
0x235: {  	v50 =	vadd.s32 v22, v40;
	v48 =	vshll.u32 v46, $0x8;
	[tilespmem:v63+s23+$0x0] =	vst.idx.msk $0xffff, v30  }
0x236: {  	v51 =	vor.u32 v9, v42;
	v37 =	vshll.u32 v46, $0x7;
	v33 =	vand.u32 $0x3800, v48;
	v30 =	vld.idx.msk [tilespmem:v32+s21+$0x0], $0xffff  }
0x237: {  	v35 =	vor.u32 v41, v50;
	v52 =	vadd.s32 v17, v33;
	v32 =	vand.u32 $0x380, v37  }
0x238: {  	v37 =	vor.u32 v32, v52;
	[tilespmem:v47+s23+$0x0] =	vst.idx.msk $0xffff, v36  }
0x239: {  	v53 =	vadd.s32 v20, v34;
	v54 =	vor.u32 v7, v29;
	v36 =	vld.idx.msk [tilespmem:v49+s21+$0x0], $0xffff  }
0x23a: {  	v38 =	vor.u32 v31, v53  }
0x23b: {  	[tilespmem:v51+s23+$0x0] =	vst.idx.msk $0xffff, v30  }
0x23c: {  	v55 =	vor.u32 v10, v42;
	v56 =	vadd.s32 v28, v40;
	v30 =	vor.u32 v32, v33;
	v35 =	vld.idx.msk [tilespmem:v35+s21+$0x0], $0xffff  }
0x23d: {  	v44 =	vor.u32 v41, v56;
	v58 =	vadd.s32 v18, v33;
	v37 =	vld.idx.msk [tilespmem:v37+s21+$0x0], $0xffff;
	v57 =	vor.u32 v0, v30  }
0x23e: {  	v46 =	vor.u32 v32, v58;
	[tilespmem:v54+s23+$0x0] =	vst.idx.msk $0xffff, v36  }
0x23f: {  	v60 =	vor.u32 v8, v29;
	v59 =	vadd.s32 v21, v34;
	v36 =	vld.idx.msk [tilespmem:v38+s21+$0x0], $0xffff  }
0x240: {  	s29 =	simm.s32 $0x3;
	v62 =	vadd.s32 v19, v33;
	v38 =	vor.u32 v31, v59  }
0x241: {  	v63 =	vor.u32 v11, v42;
	v52 =	vmov s29;
	v51 =	vadd.s32 v27, v40;
	[tilespmem:v55+s23+$0x0] =	vst.idx.msk $0xffff, v35  }
0x242: {  	v53 =	vor.u32 v6, v30;
	v54 =	vshll.u32 v52, $0x8;
	[tilespmem:v57+s23+$0x0] =	vst.idx.msk $0xffff, v37;
	v61 =	vld.idx.msk [tilespmem:v44+s21+$0x0], $0xffff  }
0x243: {  	v35 =	vand.u32 $0x3800, v54;
	v45 =	vld.idx.msk [tilespmem:v46+s21+$0x0], $0xffff;
	v44 =	vor.u32 v41, v51;
	v46 =	vshll.u32 v52, $0x7  }
0x244: {  	v55 =	vor.u32 v32, v62;
	v58 =	vadd.s32 v17, v35;
	[tilespmem:v60+s23+$0x0] =	vst.idx.msk $0xffff, v36;
	v36 =	vand.u32 $0x380, v46  }
0x245: {  	v56 =	vadd.s32 v22, v34;
	v57 =	vor.u32 v9, v29;
	v38 =	vld.idx.msk [tilespmem:v38+s21+$0x0], $0xffff;
	v59 =	vor.u32 v36, v58  }
0x246: {  	v43 =	vor.u32 v31, v56  }
0x247: {  	v62 =	vadd.s32 v20, v33;
	[tilespmem:v63+s23+$0x0] =	vst.idx.msk $0xffff, v61  }
0x248: {  	v60 =	vadd.s32 v23, v40;
	[tilespmem:v53+s23+$0x0] =	vst.idx.msk $0xffff, v45;
	v45 =	vor.u32 v12, v42;
	v44 =	vld.idx.msk [tilespmem:v44+s21+$0x0], $0xffff  }
0x249: {  	v56 =	vor.u32 v41, v60;
	v37 =	vor.u32 v36, v35;
	v63 =	vor.u32 v7, v30;
	v61 =	vld.idx.msk [tilespmem:v55+s21+$0x0], $0xffff  }
0x24a: {  	v47 =	vor.u32 v32, v62;
	v58 =	vor.u32 v0, v37;
	[tilespmem:v57+s23+$0x0] =	vst.idx.msk $0xffff, v38;
	v39 =	vld.idx.msk [tilespmem:v59+s21+$0x0], $0xffff  }
0x24b: {  	v59 =	vadd.s32 v18, v35;
	v38 =	vld.idx.msk [tilespmem:v43+s21+$0x0], $0xffff;
	v43 =	vor.u32 v10, v29  }
0x24c: {  	v57 =	vadd.s32 v28, v34;
	v60 =	vor.u32 v36, v59  }
0x24d: {  	v62 =	vadd.s32 v26, v40;
	v48 =	vor.u32 v31, v57;
	[tilespmem:v45+s23+$0x0] =	vst.idx.msk $0xffff, v44  }
0x24e: {  	v49 =	vor.u32 v41, v62;
	[tilespmem:v63+s23+$0x0] =	vst.idx.msk $0xffff, v61;
	v61 =	vor.u32 v13, v42;
	v45 =	vld.idx.msk [tilespmem:v56+s21+$0x0], $0xffff  }
0x24f: {  	v63 =	vor.u32 v8, v30;
	v47 =	vld.idx.msk [tilespmem:v47+s21+$0x0], $0xffff;
	v56 =	vadd.s32 v21, v33;
	[tilespmem:v58+s23+$0x0] =	vst.idx.msk $0xffff, v39  }
0x250: {  	v50 =	vor.u32 v15, v42;
	[tilespmem:v43+s23+$0x0] =	vst.idx.msk $0xffff, v38;
	v38 =	vor.u32 v32, v56  }
0x251: {  	v62 =	vadd.s32 v22, v33;
	v53 =	vor.u32 v6, v37;
	v57 =	vadd.s32 v19, v35;
	v44 =	vld.idx.msk [tilespmem:v60+s21+$0x0], $0xffff  }
0x252: {  	v52 =	vor.u32 v36, v57;
	v58 =	vadd.s32 v27, v34;
	v43 =	vld.idx.msk [tilespmem:v48+s21+$0x0], $0xffff;
	v48 =	vor.u32 v11, v29  }
0x253: {  	s30 =	simm.s32 $0x4;
	v57 =	vadd.s32 v25, v40;
	v51 =	vor.u32 v31, v58;
	[tilespmem:v61+s23+$0x0] =	vst.idx.msk $0xffff, v45  }
0x254: {  	v59 =	vmov s30;
	v54 =	vor.u32 v41, v57;
	[tilespmem:v63+s23+$0x0] =	vst.idx.msk $0xffff, v47;
	v63 =	vor.u32 v14, v42;
	v47 =	vld.idx.msk [tilespmem:v49+s21+$0x0], $0xffff  }
0x255: {  	v60 =	vshll.u32 v59, $0x8;
	v61 =	vshll.u32 v59, $0x7;
	v59 =	vor.u32 v9, v30;
	v58 =	vld.idx.msk [tilespmem:v38+s21+$0x0], $0xffff  }
0x256: {  	v55 =	vor.u32 v10, v30;
	v39 =	vand.u32 $0x3800, v60;
	v49 =	vor.u32 v32, v62;
	[tilespmem:v53+s23+$0x0] =	vst.idx.msk $0xffff, v44  }
0x257: {  	v60 =	vadd.s32 v17, v39;
	v38 =	vand.u32 $0x380, v61;
	v61 =	vadd.s32 v20, v35;
	[tilespmem:v48+s23+$0x0] =	vst.idx.msk $0xffff, v43  }
0x258: {  	v62 =	vadd.s32 v23, v34;
	v43 =	vor.u32 v38, v60;
	v48 =	vor.u32 v12, v29;
	v46 =	vld.idx.msk [tilespmem:v51+s21+$0x0], $0xffff  }
0x259: {  	v53 =	vor.u32 v7, v37;
	v52 =	vld.idx.msk [tilespmem:v52+s21+$0x0], $0xffff;
	v51 =	vor.u32 v31, v62;
	[tilespmem:v63+s23+$0x0] =	vst.idx.msk $0xffff, v47  }
0x25a: {  	v57 =	vor.u32 v8, v37;
	v44 =	vor.u32 v36, v61;
	[tilespmem:v59+s23+$0x0] =	vst.idx.msk $0xffff, v58;
	v45 =	vld.idx.msk [tilespmem:v54+s21+$0x0], $0xffff  }
0x25b: {  	v60 =	vadd.s32 v18, v39;
	v61 =	vadd.s32 v28, v33;
	v63 =	vadd.s32 v24, v40;
	v49 =	vld.idx.msk [tilespmem:v49+s21+$0x0], $0xffff  }
0x25c: {  	v56 =	vor.u32 v32, v61;
	v40 =	vor.u32 v38, v39;
	v41 =	vor.u32 v41, v63  }
0x25d: {  	v43 =	vld.idx.msk [tilespmem:v43+s21+$0x0], $0xffff;
	v62 =	vor.u32 v0, v40;
	v63 =	vor.u32 v38, v60;
	[tilespmem:v48+s23+$0x0] =	vst.idx.msk $0xffff, v46  }
0x25e: {  	[tilespmem:v53+s23+$0x0] =	vst.idx.msk $0xffff, v52;
	v53 =	vor.u32 v13, v29;
	v52 =	vld.idx.msk [tilespmem:v51+s21+$0x0], $0xffff;
	v51 =	vadd.s32 v26, v34  }
0x25f: {  	v60 =	vadd.s32 v21, v35;
	v54 =	vld.idx.msk [tilespmem:v44+s21+$0x0], $0xffff;
	v58 =	vor.u32 v31, v51;
	[tilespmem:v50+s23+$0x0] =	vst.idx.msk $0xffff, v45  }
0x260: {  	[tilespmem:v55+s23+$0x0] =	vst.idx.msk $0xffff, v49;
	v49 =	vor.u32 v36, v60  }
0x261: {  	v42 =	vor.u32 v16, v42;
	v61 =	vadd.s32 v19, v39;
	v41 =	vld.idx.msk [tilespmem:v41+s21+$0x0], $0xffff  }
0x262: {  	s31 =	simm.s32 $0x5;
	v47 =	vor.u32 v11, v30;
	[tilespmem:v62+s23+$0x0] =	vst.idx.msk $0xffff, v43;
	v62 =	vadd.s32 v27, v33;
	v46 =	vld.idx.msk [tilespmem:v56+s21+$0x0], $0xffff  }
0x263: {  	v51 =	vor.u32 v6, v40;
	v50 =	vld.idx.msk [tilespmem:v63+s21+$0x0], $0xffff;
	v63 =	vmov s31;
	v48 =	vor.u32 v32, v62;
	[tilespmem:v53+s23+$0x0] =	vst.idx.msk $0xffff, v52  }
0x264: {  	s26 =	simm.s32 $0x6;
	[tilespmem:v57+s23+$0x0] =	vst.idx.msk $0xffff, v54;
	v44 =	vshll.u32 v63, $0x8;
	v43 =	vshll.u32 v63, $0x7;
	v52 =	vor.u32 v38, v61;
	v45 =	vld.idx.msk [tilespmem:v58+s21+$0x0], $0xffff  }
.LBB2_8:
0x265: {  	p0 =	sne.s32 s26, $0x3F;
	v49 =	vld.idx.msk [tilespmem:v49+s21+$0x0], $0xffff;
	v53 =	vadd.s32 v22, v35;
	v54 =	vor.u32 v14, v29;
	v55 =	vadd.s32 v25, v34  }
0x266: {  	v44 =	vand.u32 $0x3800, v44;
	v56 =	vor.u32 v9, v37;
	v55 =	vor.u32 v31, v55;
	[tilespmem:v42+s23+$0x0] =	vst.idx.msk $0xffff, v41  }
0x267: {  	v43 =	vand.u32 $0x380, v43;
	v41 =	vadd.s32 v17, v44;
	v42 =	vor.u32 v36, v53;
	[tilespmem:v47+s23+$0x0] =	vst.idx.msk $0xffff, v46  }
0x268: {  	v41 =	vor.u32 v43, v41;
	[tilespmem:v51+s23+$0x0] =	vst.idx.msk $0xffff, v50;
	v46 =	vld.idx.msk [tilespmem:v48+s21+$0x0], $0xffff;
	v53 =	vmov v30;
	v30 =	vmov v37  }
0x269: {  	v57 =	vadd.s32 v23, v33;
	v48 =	vadd.s32 v20, v39;
	v47 =	vld.idx.msk [tilespmem:v52+s21+$0x0], $0xffff;
	v50 =	vor.u32 v12, v53  }
0x26a: {  	v51 =	vor.u32 v7, v40;
	v37 =	vmov v40;
	v52 =	vor.u32 v32, v57;
	[tilespmem:v54+s23+$0x0] =	vst.idx.msk $0xffff, v45  }
0x26b: {  	v34 =	vadd.s32 v24, v34;
	v45 =	vor.u32 v38, v48;
	[tilespmem:v56+s23+$0x0] =	vst.idx.msk $0xffff, v49;
	v48 =	vld.idx.msk [tilespmem:v55+s21+$0x0], $0xffff  }
0x26c: {  	v54 =	vadd.s32 v28, v35;
	v49 =	vadd.s32 v18, v44;
	v55 =	vor.u32 v15, v29;
	v42 =	vld.idx.msk [tilespmem:v42+s21+$0x0], $0xffff  }
0x26d: {  	v31 =	vor.u32 v31, v34;
	v40 =	vor.u32 v43, v44;
	v56 =	vld.idx.msk [tilespmem:v41+s21+$0x0], $0xffff;
	v41 =	vor.u32 v10, v30  }
0x26e: {  	v34 =	vmov v33;
	v57 =	vor.u32 v0, v40;
	v54 =	vor.u32 v36, v54;
	[tilespmem:v50+s23+$0x0] =	vst.idx.msk $0xffff, v46  }
0x26f: {  	v33 =	vmov v35;
	v35 =	vmov v39;
	v50 =	vor.u32 v43, v49;
	[tilespmem:v51+s23+$0x0] =	vst.idx.msk $0xffff, v47;
	v52 =	vld.idx.msk [tilespmem:v52+s21+$0x0], $0xffff  }
0x270: {  	v58 =	vor.u32 v13, v53;
	v46 =	vadd.s32 v21, v35;
	v47 =	vadd.s32 v26, v34;
	v45 =	vld.idx.msk [tilespmem:v45+s21+$0x0], $0xffff  }
0x271: {  	v59 =	vor.u32 v8, v37;
	v39 =	vmov v44;
	v60 =	vor.u32 v32, v47;
	[tilespmem:v55+s23+$0x0] =	vst.idx.msk $0xffff, v48  }
.Ltmp3:
0x272: {  	v49 =	vor.u32 v38, v46;
	[tilespmem:v41+s23+$0x0] =	vst.idx.msk $0xffff, v42;
	v41 =	vld.idx.msk [tilespmem:v31+s21+$0x0], $0xffff;
	v31 =	vmov v32;
	v32 =	vmov v36;
	(pc) =	sbr.rel @p0 .LBB2_8-.Ltmp3, $4  }
0x273: {  	v42 =	vor.u32 v16, v29;
	v36 =	vmov v38;
	v38 =	vmov v43;
	[tilespmem:v57+s23+$0x0] =	vst.idx.msk $0xffff, v56;
	v46 =	vld.idx.msk [tilespmem:v54+s21+$0x0], $0xffff  }
0x274: {  	v44 =	vadd.s32 v27, v33;
	v47 =	vor.u32 v11, v30;
	v54 =	vadd.s32 v19, v39;
	v50 =	vld.idx.msk [tilespmem:v50+s21+$0x0], $0xffff  }
0x275: {  	v51 =	vor.u32 v6, v40;
	v43 =	vmov s26;
	v29 =	vmovc v53;
	v48 =	vor.u32 v32, v44;
	[tilespmem:v58+s23+$0x0] =	vst.idx.msk $0xffff, v52  }
0x276: {  	s26 =	sadd.s32 $0x1, s26;
	v44 =	vshll.u32 v43, $0x8;
	v43 =	vshll.u32 v43, $0x7;
	v52 =	vor.u32 v38, v54;
	[tilespmem:v59+s23+$0x0] =	vst.idx.msk $0xffff, v45;
	v45 =	vld.idx.msk [tilespmem:v60+s21+$0x0], $0xffff  }
0x277: {  	v44 =	vand.u32 $0x3800, v44  }
0x278: {  	v43 =	vand.u32 $0x380, v43;
	v17 =	vadd.s32 v17, v44  }
0x279: {  	v53 =	vor.u32 v43, v17;
	_ =	sdelay $0x3  }
0x27a: {  	v17 =	vor.u32 v43, v44  }
0x27b: {  	v18 =	vadd.s32 v18, v44;
	v54 =	vor.u32 v0, v17;
	v53 =	vld.idx.msk [tilespmem:v53+s21+$0x0], $0xffff  }
0x27c: {  	v18 =	vor.u32 v43, v18;
	_ =	sdelay $0x3  }
0x27d: {  	[tilespmem:v54+s23+$0x0] =	vst.idx.msk $0xffff, v53  }
0x27e: {  	v19 =	vadd.s32 v19, v44;
	v62 =	vor.u32 v6, v17;
	v18 =	vld.idx.msk [tilespmem:v18+s21+$0x0], $0xffff  }
0x27f: {  	v19 =	vor.u32 v43, v19;
	_ =	sdelay $0x2  }
0x280: {  	[tilespmem:v51+s23+$0x0] =	vst.idx.msk $0xffff, v50  }
0x281: {  	v63 =	vadd.s32 v20, v39;
	v56 =	vor.u32 v7, v40;
	v50 =	vld.idx.msk [tilespmem:v52+s21+$0x0], $0xffff;
	[tilespmem:v62+s23+$0x0] =	vst.idx.msk $0xffff, v18  }
0x282: {  	v57 =	vadd.s32 v20, v44;
	v58 =	vor.u32 v7, v17;
	v18 =	vor.u32 v38, v63;
	v19 =	vld.idx.msk [tilespmem:v19+s21+$0x0], $0xffff  }
0x283: {  	v20 =	vor.u32 v43, v57;
	_ =	sdelay $0x2  }
0x284: {  	[tilespmem:v56+s23+$0x0] =	vst.idx.msk $0xffff, v50  }
0x285: {  	v59 =	vadd.s32 v21, v39;
	v60 =	vor.u32 v8, v40;
	v18 =	vld.idx.msk [tilespmem:v18+s21+$0x0], $0xffff;
	[tilespmem:v58+s23+$0x0] =	vst.idx.msk $0xffff, v19  }
0x286: {  	v61 =	vadd.s32 v21, v44;
	v62 =	vor.u32 v8, v17;
	v19 =	vor.u32 v38, v59;
	v20 =	vld.idx.msk [tilespmem:v20+s21+$0x0], $0xffff  }
0x287: {  	v21 =	vor.u32 v43, v61;
	_ =	sdelay $0x1  }
0x288: {  	v57 =	vor.u32 v9, v40  }
0x289: {  	v49 =	vld.idx.msk [tilespmem:v49+s21+$0x0], $0xffff;
	v56 =	vor.u32 v9, v37;
	v63 =	vadd.s32 v22, v35;
	[tilespmem:v60+s23+$0x0] =	vst.idx.msk $0xffff, v18  }
0x28a: {  	v51 =	vor.u32 v36, v63;
	v18 =	vld.idx.msk [tilespmem:v19+s21+$0x0], $0xffff;
	v19 =	vadd.s32 v22, v39;
	[tilespmem:v62+s23+$0x0] =	vst.idx.msk $0xffff, v20  }
0x28b: {  	v58 =	vadd.s32 v22, v44;
	v59 =	vor.u32 v9, v17;
	v19 =	vor.u32 v38, v19;
	v20 =	vld.idx.msk [tilespmem:v21+s21+$0x0], $0xffff  }
0x28c: {  	v21 =	vor.u32 v43, v58;
	_ =	sdelay $0x1  }
0x28d: {  	[tilespmem:v56+s23+$0x0] =	vst.idx.msk $0xffff, v49;
	v63 =	vor.u32 v10, v40  }
0x28e: {  	v61 =	vld.idx.msk [tilespmem:v51+s21+$0x0], $0xffff;
	v60 =	vadd.s32 v28, v35;
	v62 =	vor.u32 v10, v37;
	[tilespmem:v57+s23+$0x0] =	vst.idx.msk $0xffff, v18  }
0x28f: {  	v49 =	vor.u32 v36, v60;
	v18 =	vld.idx.msk [tilespmem:v19+s21+$0x0], $0xffff;
	v19 =	vadd.s32 v28, v39;
	[tilespmem:v59+s23+$0x0] =	vst.idx.msk $0xffff, v20  }
0x290: {  	v55 =	vor.u32 v10, v17;
	v54 =	vadd.s32 v28, v44;
	v19 =	vor.u32 v38, v19;
	v20 =	vld.idx.msk [tilespmem:v21+s21+$0x0], $0xffff  }
0x291: {  	v21 =	vor.u32 v43, v54;
	_ =	sdelay $0x1  }
0x292: {  	v56 =	vadd.s32 v27, v35;
	[tilespmem:v62+s23+$0x0] =	vst.idx.msk $0xffff, v61  }
0x293: {  	v58 =	vadd.s32 v27, v39;
	v57 =	vor.u32 v11, v37;
	v49 =	vld.idx.msk [tilespmem:v49+s21+$0x0], $0xffff;
	[tilespmem:v63+s23+$0x0] =	vst.idx.msk $0xffff, v18  }
0x294: {  	v28 =	vor.u32 v36, v56;
	v18 =	vld.idx.msk [tilespmem:v19+s21+$0x0], $0xffff;
	v19 =	vor.u32 v11, v40;
	[tilespmem:v55+s23+$0x0] =	vst.idx.msk $0xffff, v20  }
0x295: {  	v60 =	vor.u32 v11, v17;
	v61 =	vadd.s32 v27, v44;
	v59 =	vor.u32 v38, v58;
	v21 =	vld.idx.msk [tilespmem:v21+s21+$0x0], $0xffff  }
0x296: {  	v53 =	vadd.s32 v23, v33;
	v27 =	vor.u32 v43, v61  }
0x297: {  	[tilespmem:v47+s23+$0x0] =	vst.idx.msk $0xffff, v46;
	v47 =	vor.u32 v32, v53;
	v62 =	vadd.s32 v25, v34  }
0x298: {  	v48 =	vld.idx.msk [tilespmem:v48+s21+$0x0], $0xffff;
	v56 =	vadd.s32 v23, v39;
	v63 =	vor.u32 v12, v30;
	[tilespmem:v57+s23+$0x0] =	vst.idx.msk $0xffff, v49  }
0x299: {  	v54 =	vadd.s32 v23, v35;
	v28 =	vld.idx.msk [tilespmem:v28+s21+$0x0], $0xffff;
	v55 =	vor.u32 v12, v37;
	[tilespmem:v19+s23+$0x0] =	vst.idx.msk $0xffff, v18  }
0x29a: {  	v49 =	vor.u32 v36, v54;
	v19 =	vor.u32 v12, v40;
	v18 =	vld.idx.msk [tilespmem:v59+s21+$0x0], $0xffff;
	[tilespmem:v60+s23+$0x0] =	vst.idx.msk $0xffff, v21  }
0x29b: {  	v58 =	vadd.s32 v23, v44;
	v57 =	vor.u32 v12, v17;
	v20 =	vor.u32 v38, v56;
	v21 =	vld.idx.msk [tilespmem:v27+s21+$0x0], $0xffff  }
0x29c: {  	v52 =	vadd.s32 v26, v39;
	v51 =	vor.u32 v31, v62;
	v23 =	vor.u32 v43, v58  }
0x29d: {  	v61 =	vadd.s32 v26, v33;
	[tilespmem:v63+s23+$0x0] =	vst.idx.msk $0xffff, v48;
	v59 =	vor.u32 v14, v29  }
0x29e: {  	v62 =	vadd.s32 v26, v35;
	v47 =	vld.idx.msk [tilespmem:v47+s21+$0x0], $0xffff;
	[tilespmem:v55+s23+$0x0] =	vst.idx.msk $0xffff, v28;
	v60 =	vor.u32 v13, v30  }
0x29f: {  	v48 =	vor.u32 v32, v61;
	v63 =	vor.u32 v13, v37;
	v49 =	vld.idx.msk [tilespmem:v49+s21+$0x0], $0xffff;
	[tilespmem:v19+s23+$0x0] =	vst.idx.msk $0xffff, v18  }
0x2a0: {  	v28 =	vor.u32 v36, v62;
	v19 =	vor.u32 v13, v40;
	v18 =	vld.idx.msk [tilespmem:v20+s21+$0x0], $0xffff;
	[tilespmem:v57+s23+$0x0] =	vst.idx.msk $0xffff, v21  }
0x2a1: {  	v53 =	vor.u32 v13, v17;
	v54 =	vadd.s32 v26, v44;
	v20 =	vor.u32 v38, v52;
	v21 =	vld.idx.msk [tilespmem:v23+s21+$0x0], $0xffff  }
0x2a2: {  	v56 =	vor.u32 v14, v30;
	[tilespmem:v59+s23+$0x0] =	vst.idx.msk $0xffff, v45;
	v23 =	vor.u32 v43, v54  }
0x2a3: {  	v61 =	vadd.s32 v25, v39;
	v55 =	vadd.s32 v24, v34;
	[tilespmem:v60+s23+$0x0] =	vst.idx.msk $0xffff, v47  }
0x2a4: {  	v59 =	vadd.s32 v25, v35;
	[tilespmem:v63+s23+$0x0] =	vst.idx.msk $0xffff, v49;
	v57 =	vadd.s32 v25, v33;
	v58 =	vld.idx.msk [tilespmem:v48+s21+$0x0], $0xffff  }
0x2a5: {  	v60 =	vor.u32 v14, v37;
	v28 =	vld.idx.msk [tilespmem:v28+s21+$0x0], $0xffff;
	v34 =	vor.u32 v32, v57;
	[tilespmem:v19+s23+$0x0] =	vst.idx.msk $0xffff, v18  }
0x2a6: {  	v46 =	vor.u32 v36, v59;
	v19 =	vor.u32 v14, v40;
	v18 =	vld.idx.msk [tilespmem:v20+s21+$0x0], $0xffff;
	[tilespmem:v53+s23+$0x0] =	vst.idx.msk $0xffff, v21  }
0x2a7: {  	v62 =	vor.u32 v14, v17;
	v63 =	vadd.s32 v25, v44;
	v20 =	vor.u32 v38, v61;
	v21 =	vld.idx.msk [tilespmem:v23+s21+$0x0], $0xffff  }
0x2a8: {  	v50 =	vadd.s32 v24, v33;
	v26 =	vor.u32 v31, v55;
	v23 =	vor.u32 v43, v63  }
0x2a9: {  	v55 =	vor.u32 v15, v40;
	v49 =	vld.idx.msk [tilespmem:v51+s21+$0x0], $0xffff;
	v48 =	vor.u32 v15, v29;
	[tilespmem:v56+s23+$0x0] =	vst.idx.msk $0xffff, v58  }
0x2aa: {  	v27 =	vor.u32 v32, v50;
	v51 =	vor.u32 v15, v30;
	[tilespmem:v60+s23+$0x0] =	vst.idx.msk $0xffff, v28;
	v34 =	vld.idx.msk [tilespmem:v34+s21+$0x0], $0xffff  }
0x2ab: {  	v52 =	vadd.s32 v24, v35;
	v54 =	vor.u32 v15, v37;
	v53 =	vld.idx.msk [tilespmem:v46+s21+$0x0], $0xffff;
	[tilespmem:v19+s23+$0x0] =	vst.idx.msk $0xffff, v18  }
0x2ac: {  	v28 =	vor.u32 v36, v52;
	v19 =	vadd.s32 v24, v39;
	v18 =	vld.idx.msk [tilespmem:v20+s21+$0x0], $0xffff;
	[tilespmem:v62+s23+$0x0] =	vst.idx.msk $0xffff, v21  }
0x2ad: {  	v57 =	vor.u32 v15, v17;
	v56 =	vadd.s32 v24, v44;
	v19 =	vor.u32 v38, v19;
	v21 =	vld.idx.msk [tilespmem:v23+s21+$0x0], $0xffff  }
0x2ae: {  	[tilespmem:v48+s23+$0x0] =	vst.idx.msk $0xffff, v49;
	v22 =	vor.u32 v43, v56  }
0x2af: {  	v59 =	vor.u32 v16, v29;
	v58 =	vld.idx.msk [tilespmem:v26+s21+$0x0], $0xffff;
	[tilespmem:v51+s23+$0x0] =	vst.idx.msk $0xffff, v34  }
0x2b0: {  	v61 =	vor.u32 v16, v30;
	[tilespmem:v54+s23+$0x0] =	vst.idx.msk $0xffff, v53;
	v60 =	vld.idx.msk [tilespmem:v27+s21+$0x0], $0xffff  }
0x2b1: {  	v28 =	vld.idx.msk [tilespmem:v28+s21+$0x0], $0xffff;
	v62 =	vor.u32 v16, v37;
	[tilespmem:v55+s23+$0x0] =	vst.idx.msk $0xffff, v18  }
0x2b2: {  	v18 =	vld.idx.msk [tilespmem:v19+s21+$0x0], $0xffff;
	v19 =	vor.u32 v16, v40;
	[tilespmem:v57+s23+$0x0] =	vst.idx.msk $0xffff, v21  }
0x2b3: {  	[tilespmem:v42+s23+$0x0] =	vst.idx.msk $0xffff, v41;
	v17 =	vor.u32 v16, v17;
	v63 =	vld.idx.msk [tilespmem:v22+s21+$0x0], $0xffff  }
0x2b4: {  	[tilespmem:v59+s23+$0x0] =	vst.idx.msk $0xffff, v58  }
0x2b5: {  	[tilespmem:v61+s23+$0x0] =	vst.idx.msk $0xffff, v60  }
0x2b6: {  	[tilespmem:v62+s23+$0x0] =	vst.idx.msk $0xffff, v28  }
0x2b7: {  	[tilespmem:v19+s23+$0x0] =	vst.idx.msk $0xffff, v18  }
0x2b8: {  	s25 =	sadd.s32 $0x1, s25;
	[tilespmem:v17+s23+$0x0] =	vst.idx.msk $0xffff, v63  }
0x2b9: {  	[hbm4b:s12+s3] =	stream.linear.scatter [tilespmem:s23], [sflag:$0x2], $0x4000, $0x38;
	[tilespmem:$0x18080] =	vst v63  }
0x2ba: {  	p0 =	sne.s32 s25, s13;
	_ =	swait.ge [sflag:s24], $0x4000  }
.Ltmp4:
0x2bb: {  	[sflag:s24] =	ssyncset.done $0x0;
	(pc) =	sbr.rel @p0 .LBB2_1-.Ltmp4, $4  }
0x2bc: {  	[sflag:s24] =	ssyncadd.s32 $0xFFFFC000  }
0x2bd: {  	_ =	swait.ge [sflag:s24], $0x4000  }
0x2be: {  	[sflag:s24] =	ssyncset.done $0x0  }
0x2bf: {  	[sflag:s24] =	ssyncadd.s32 $0xFFFFC000  }
0x2c0: {  	_ =	sfence.sel $0x180000  }
0x2c1: {  	[bflag:$0x0] =	sbarrier.arrive $0xFFFF  }
0x2c2: {  	p0 =	sne.s32 s2, $0x0;
	_ =	strace $0x90000047  }
0x2c3: {  	s0 =	sadd.s32 @!p0 $0x100000, s0;
	[bflag:$0x2] =	sbarrier.arrive $0xFFFF  }
0x2c4: {  	[sflag:s0] =	ssyncadd.tile.s32 @!p0 $0x1;
	_ =	shalt  }
.Lfunc_end2:
_tile_overlayer_lowered:
.L_overlay_start_2:
0x2c5: {  	(tag) =	ssettag $0x2  }
0x2c6: {  	s0 =	rddreg [dreg:$0x0];
	s2 =	stileid.u32  }
0x2c7: {  	s1 =	rddreg [dreg:$0x1];
	p0 =	sne.s32 s2, $0x0  }
0x2c8: {  	s3 =	rddreg [dreg:$0x2];
	[bflag:$0x3] =	sbarrier.arrive $0xFFFF;
	s2 =	simm.s32 @!p0 $0x1C03  }
0x2c9: {  	[timem:s3], [sflag:s2] =	dma.local @!p0 [hbm:s0], s1  }
0x2ca: {  	s0 =	simm.s32 @!p0 $0x3  }
0x2cb: {  	_ =	swait.ge @!p0 [sflag:s0], s1  }
0x2cc: {  	s1 =	ssub.s32 @!p0 $0x0, s1;
	[sflag:s0] =	ssyncset.done @!p0 $0x0  }
0x2cd: {  	[sflag:s0] =	ssyncadd.s32 @!p0 s1  }
0x2ce: {  	[bflag:$0x3] =	sbarrier.arrive $0xFFFF  }
0x2cf: {  	_ =	shalt  }

</sc_bundles>
